<compile_context>
chip_gen: v7x
topology: tpu7x:2x2x1
jax: 0.10.2.dev20260603
libtpu: 0.0.44.dev20260713+nightly
codegen_flags: <defaults>
</compile_context>

<pallas_src>
import functools

import jax
import jax.numpy as jnp
from jax import lax
from jax.experimental import pallas as pl
from jax.experimental.pallas import tpu as pltpu
from jax.experimental.pallas import tpu_sc as plsc

N = 10000
E = 320000
H = 128
NUM_RBF = 16
CUTOFF = 5.0
LOG2 = 0.6931471805599453

NC = 2
NS = 16
L = 16
NW = NC * NS
C = 32
E_PAD = 327680
EPT = E_PAD // NW
NCH = EPT // C
N_PAD = 10240
RPT = N_PAD // NS

BE = 2000
BN = 2000


def _wf_body(ea_ref, ew_ref, w1_ref, b1_ref, w2_ref, b2_ref, o_ref):
    ea = ea_ref[...].astype(jnp.bfloat16)
    v = jnp.dot(ea, w1_ref[...].astype(jnp.bfloat16),
                preferred_element_type=jnp.float32)
    v = v + b1_ref[...]
    v = jnp.maximum(v, 0.0) + jnp.log1p(jnp.exp(-jnp.abs(v))) - LOG2
    wf = jnp.dot(v.astype(jnp.bfloat16), w2_ref[...].astype(jnp.bfloat16),
                 preferred_element_type=jnp.float32)
    wf = wf + b2_ref[...]
    ew = ew_ref[...].reshape(1, BE)
    cut = 0.5 * (jnp.cos(ew * (jnp.pi / CUTOFF)) + 1.0)
    cutb = lax.dot_general(cut, jnp.ones((1, H), jnp.float32),
                           (((0,), (0,)), ((), ())),
                           preferred_element_type=jnp.float32)
    o_ref[...] = wf * cutb


def _h_body(x_ref, w_ref, o_ref):
    o_ref[...] = jnp.dot(x_ref[...], w_ref[...],
                         preferred_element_type=jnp.float32)


def _out_body(p0_ref, p1_ref, w2_ref, b2_ref, wo_ref, bo_ref, o_ref):
    agg = p0_ref[...] + p1_ref[...]
    h2 = jnp.dot(agg, w2_ref[...], preferred_element_type=jnp.float32)
    h2 = jnp.tanh(h2 + b2_ref[...])
    o_ref[...] = jnp.dot(h2, wo_ref[...],
                         preferred_element_type=jnp.float32) + bo_ref[...]


_sc_mesh = plsc.VectorSubcoreMesh(core_axis_name="c", subcore_axis_name="s")


NBUF = 2


@functools.partial(
    pl.kernel,
    out_type=[jax.ShapeDtypeStruct((N_PAD, H), jnp.float32),
              jax.ShapeDtypeStruct((N_PAD, H), jnp.float32)],
    mesh=_sc_mesh,
    scratch_types=[
        pltpu.VMEM((EPT // 128, 128), jnp.int32),
        pltpu.VMEM((EPT // 128, 128), jnp.int32),
        pltpu.VMEM((NBUF, C, H), jnp.float32),
        pltpu.VMEM((NBUF, C, H), jnp.float32),
        pltpu.VMEM((NBUF, C, H), jnp.float32),
        pltpu.VMEM((NBUF, C), jnp.int32),
        pltpu.VMEM_SHARED((N_PAD, H), jnp.float32),
        pltpu.SemaphoreType.DMA((NBUF,)),
        pltpu.SemaphoreType.DMA((NBUF,)),
        pltpu.SemaphoreType.DMA((NBUF,)),
    ],
)
def _sc_scatter(h_hbm, wf_hbm, src_hbm, dst_hbm, out0_hbm, out1_hbm,
                src_v, dst_v, rows_v, wf_v, msg_v, dcur_v, agg_sh,
                gsem, wsem, ssem):
    c = lax.axis_index("c")
    s = lax.axis_index("s")
    w = c * NS + s

    idxr = EPT // 128
    pltpu.sync_copy(src_hbm.at[pl.ds(w * idxr, idxr)], src_v)
    pltpu.sync_copy(dst_hbm.at[pl.ds(w * idxr, idxr)], dst_v)

    cpr = 128 // C

    def idx_slice(v, i):
        return v.at[i // cpr, pl.ds((i % cpr) * C, C)]

    zbuf = rows_v.at[0]

    @pl.loop(0, C)
    def _zero_rows(r):
        for j in range(H // L):
            zbuf.at[pl.ds(r, 1), pl.ds(j * L, L)][...] = jnp.zeros(
                (1, L), jnp.float32)

    base_n = s * RPT
    for k in range(RPT // C):
        pltpu.sync_copy(zbuf, agg_sh.at[pl.ds(base_n + k * C, C)])

    def issue(i, b):
        pltpu.async_copy(h_hbm.at[idx_slice(src_v, i)], rows_v.at[b],
                         gsem.at[b])
        pltpu.async_copy(wf_hbm.at[pl.ds((w * NCH + i) * C, C)],
                         wf_v.at[b], wsem.at[b])

    def wait_in(b):
        pltpu.make_async_copy(h_hbm.at[idx_slice(src_v, 0)], rows_v.at[b],
                              gsem.at[b]).wait()
        pltpu.make_async_copy(wf_hbm.at[pl.ds(0, C)], wf_v.at[b],
                              wsem.at[b]).wait()

    def wait_scatter(b):
        pltpu.make_async_copy(msg_v.at[b], agg_sh.at[dcur_v.at[b]],
                              ssem.at[b]).wait()

    issue(0, 0)
    issue(1, 1)
    plsc.subcore_barrier()

    @pl.loop(0, NCH // NBUF)
    def _edge_step(t):
        i0 = t * NBUF
        for b in range(NBUF):
            i = i0 + b
            wait_in(b)

            @pl.when(t > 0)
            def _():
                wait_scatter(b)

            rb, wb, mb = rows_v.at[b], wf_v.at[b], msg_v.at[b]

            @pl.loop(0, C)
            def _mul_row(r):
                for j in range(H // L):
                    slc = (pl.ds(r, 1), pl.ds(j * L, L))
                    mb.at[*slc][...] = rb.at[*slc][...] * wb.at[*slc][...]

            @pl.when(i + NBUF < NCH)
            def _():
                issue(i + NBUF, b)

            dslc = idx_slice(dst_v, i)
            for j in range(C // L):
                dcur_v.at[b, pl.ds(j * L, L)][...] = \
                    dslc.at[pl.ds(j * L, L)][...]
            pltpu.async_copy(msg_v.at[b], agg_sh.at[dcur_v.at[b]],
                             ssem.at[b], add=True)

    for b in range(NBUF):
        wait_scatter(b)
    plsc.subcore_barrier()

    @pl.when(c == 0)
    def _():
        pltpu.sync_copy(agg_sh.at[pl.ds(base_n, RPT)],
                        out0_hbm.at[pl.ds(base_n, RPT)])

    @pl.when(c == 1)
    def _():
        pltpu.sync_copy(agg_sh.at[pl.ds(base_n, RPT)],
                        out1_hbm.at[pl.ds(base_n, RPT)])


def kernel(x, edge_index, edge_weight, edge_attr, atom_types, seq_neighs,
           lin1_w, fnet_w1, fnet_b1, fnet_w2, fnet_b2, lin2_w, lin2_b,
           lin_w, lin_b):
    pad = E_PAD - E
    src = jnp.pad(edge_index[0], (0, pad)).reshape(E_PAD // 128, 128)
    dst = jnp.pad(edge_index[1], (0, pad),
                  constant_values=N).reshape(E_PAD // 128, 128)
    h = pl.pallas_call(
        _h_body,
        out_shape=jax.ShapeDtypeStruct((N, H), jnp.float32),
    )(x, lin1_w)

    wf = pl.pallas_call(
        _wf_body,
        grid=(E // BE,),
        in_specs=[
            pl.BlockSpec((BE, NUM_RBF), lambda i: (i, 0)),
            pl.BlockSpec((1, 1, BE), lambda i: (i, 0, 0)),
            pl.BlockSpec((NUM_RBF, H), lambda i: (0, 0)),
            pl.BlockSpec((1, H), lambda i: (0, 0)),
            pl.BlockSpec((H, H), lambda i: (0, 0)),
            pl.BlockSpec((1, H), lambda i: (0, 0)),
        ],
        out_specs=pl.BlockSpec((BE, H), lambda i: (i, 0)),
        out_shape=jax.ShapeDtypeStruct((E_PAD, H), jnp.float32),
    )(edge_attr, edge_weight.reshape(E // BE, 1, BE), fnet_w1,
      fnet_b1.reshape(1, H), fnet_w2, fnet_b2.reshape(1, H))

    p0, p1 = _sc_scatter(h, wf, src, dst)

    out = pl.pallas_call(
        _out_body,
        grid=(N // BN,),
        in_specs=[
            pl.BlockSpec((BN, H), lambda i: (i, 0)),
            pl.BlockSpec((BN, H), lambda i: (i, 0)),
            pl.BlockSpec((H, H), lambda i: (0, 0)),
            pl.BlockSpec((1, H), lambda i: (0, 0)),
            pl.BlockSpec((H, H), lambda i: (0, 0)),
            pl.BlockSpec((1, H), lambda i: (0, 0)),
        ],
        out_specs=pl.BlockSpec((BN, H), lambda i: (i, 0)),
        out_shape=jax.ShapeDtypeStruct((N, H), jnp.float32),
    )(p0, p1, lin2_w, lin2_b.reshape(1, H), lin_w, lin_b.reshape(1, H))
    return out

# --- scband reference (transcript-rebuilt; emitter-appended) ---
"""Pipeline reference for scband-interaction-block-31559419691084 (READ-ONLY COPY).

The authoritative reference and input builder live on the scoring server;
editing this copy changes nothing except your own understanding.
"""

import jax, jax.numpy as jnp
import numpy as np

N = 10000
E = 320000
H = 128
NUM_RBF = 16
CUTOFF = 5.0


def shifted_softplus(v):
    return jax.nn.softplus(v) - jnp.log(2.0)


def setup_inputs(seed: int = 0) -> dict:
    key = jax.random.key(seed)
    ks = jax.random.split(key, 16)
    x = jax.random.normal(ks[0], (N, H), dtype=jnp.float32)
    edge_index = jax.random.randint(ks[1], (2, E), 0, N, dtype=jnp.int32)
    edge_weight = jax.random.uniform(ks[2], (E,), dtype=jnp.float32) * CUTOFF
    edge_attr = jax.random.uniform(ks[3], (E, NUM_RBF), dtype=jnp.float32)
    atom_types = jax.random.randint(ks[4], (N,), 0, 100, dtype=jnp.int32)
    seq_neighs = jax.random.randint(ks[5], (N, 2), 0, N, dtype=jnp.int32)
    # CFConv params (standard SchNet): lin1 (no bias), filter net (2-layer MLP on edge_attr), lin2
    lin1_w = jax.random.normal(ks[6], (H, H), dtype=jnp.float32) / np.sqrt(H)
    fnet_w1 = jax.random.normal(ks[7], (NUM_RBF, H), dtype=jnp.float32) / np.sqrt(NUM_RBF)
    fnet_b1 = jnp.zeros((H,), dtype=jnp.float32)
    fnet_w2 = jax.random.normal(ks[8], (H, H), dtype=jnp.float32) / np.sqrt(H)
    fnet_b2 = jnp.zeros((H,), dtype=jnp.float32)
    lin2_w = jax.random.normal(ks[9], (H, H), dtype=jnp.float32) / np.sqrt(H)
    lin2_b = jnp.zeros((H,), dtype=jnp.float32)
    # InteractionBlock's output linear
    lin_w = jax.random.normal(ks[10], (H, H), dtype=jnp.float32) / np.sqrt(H)
    lin_b = jnp.zeros((H,), dtype=jnp.float32)
    return {
        "x": x, "edge_index": edge_index, "edge_weight": edge_weight,
        "edge_attr": edge_attr, "atom_types": atom_types, "seq_neighs": seq_neighs,
        "lin1_w": lin1_w, "fnet_w1": fnet_w1, "fnet_b1": fnet_b1,
        "fnet_w2": fnet_w2, "fnet_b2": fnet_b2, "lin2_w": lin2_w, "lin2_b": lin2_b,
        "lin_w": lin_w, "lin_b": lin_b,
    }


def reference(x, edge_index, edge_weight, edge_attr, atom_types, seq_neighs,
              lin1_w, fnet_w1, fnet_b1, fnet_w2, fnet_b2, lin2_w, lin2_b,
              lin_w, lin_b):
    src = edge_index[0]
    dst = edge_index[1]
    # CFConv: filter generation from RBF-expanded distances with cosine cutoff
    cut = 0.5 * (jnp.cos(edge_weight * jnp.pi / CUTOFF) + 1.0)
    Wf = shifted_softplus(edge_attr @ fnet_w1 + fnet_b1)
    Wf = Wf @ fnet_w2 + fnet_b2
    Wf = Wf * cut[:, None]
    # atomwise transform, gather messages from source nodes
    h = x @ lin1_w
    msg = jnp.take(h, src, axis=0) * Wf
    # scatter-add aggregation at destination nodes
    agg = jax.ops.segment_sum(msg, dst, num_segments=x.shape[0])
    h2 = agg @ lin2_w + lin2_b
    # InteractionBlock: activation (Tanh) then linear
    h2 = jnp.tanh(h2)
    out = h2 @ lin_w + lin_b
    return out

if __name__ == "__main__":
    import jax
    _d = setup_inputs()
    print(jax.jit(kernel)(*tuple(_d.values())))

</pallas_src>

<mosaic_0001>
#map = affine_map<(d0, d1) -> (0, 0)>
module attributes {stable_mosaic.version = 14 : i64} {
  func.func @_sc_scatter(%arg0: i32, %arg1: i32, %arg2: memref<10000x128xf32, #tpu.memory_space<hbm>>, %arg3: memref<327680x128xf32, #tpu.memory_space<hbm>>, %arg4: memref<2560x128xi32, #tpu.memory_space<hbm>>, %arg5: memref<2560x128xi32, #tpu.memory_space<hbm>>, %arg6: memref<10240x128xf32, #tpu.memory_space<hbm>>, %arg7: memref<10240x128xf32, #tpu.memory_space<hbm>>, %arg8: memref<80x128xi32, #tpu.memory_space<vmem>>, %arg9: memref<80x128xi32, #tpu.memory_space<vmem>>, %arg10: memref<2x32x128xf32, #tpu.memory_space<vmem>>, %arg11: memref<2x32x128xf32, #tpu.memory_space<vmem>>, %arg12: memref<2x32x128xf32, #tpu.memory_space<vmem>>, %arg13: memref<2x32xi32, #tpu.memory_space<vmem>>, %arg14: memref<10240x128xf32, #tpu.memory_space<vmem_shared>>, %arg15: memref<2x!tpu.dma_semaphore, #tpu.memory_space<semaphore_mem>>, %arg16: memref<2x!tpu.dma_semaphore, #tpu.memory_space<semaphore_mem>>, %arg17: memref<2x!tpu.dma_semaphore, #tpu.memory_space<semaphore_mem>>) attributes {dimension_semantics = [#tpu.dimension_semantics<core_parallel>, #tpu.dimension_semantics<subcore_parallel>], iteration_bounds = array<i64: 2, 16>, scalar_prefetch = 0 : i64, scratch_operands = 10 : i64, tpu.core_type = #tpu.core_type<sc_vector_subcore>, window_params = [{transform_indices = #map}, {transform_indices = #map}, {transform_indices = #map}, {transform_indices = #map}, {transform_indices = #map}, {transform_indices = #map}]} {
    %mul3A = arith.constant 16 : i32
    %mul3A_0 = arith.muli %arg0, %mul3A : i32
    %add3A = arith.addi %mul3A_0, %arg1 : i32
    %mul3A_1 = arith.constant 80 : i32
    %mul3A_2 = arith.muli %add3A, %mul3A_1 : i32
    "tpu.region"() ({
      %run_scoped3A_186 = tpu.sem_alloc : memref<!tpu.dma_semaphore, #tpu.memory_space<semaphore_mem>>
      %dma_start3A_187 = arith.constant 0 : i32
      %dma_start3A_188 = tpu.memref_slice %arg4[%mul3A_2, %dma_start3A_187] : memref<2560x128xi32, #tpu.memory_space<hbm>> -> memref<80x128xi32, #tpu.memory_space<hbm>>
      %dma_start3A_189 = arith.constant 0 : i32
      %dma_start3A_190 = tpu.memref_slice %arg4[%mul3A_2, %dma_start3A_189] : memref<2560x128xi32, #tpu.memory_space<hbm>> -> memref<80x128xi32, #tpu.memory_space<hbm>>
      tpu.enqueue_dma source(%dma_start3A_190 : memref<80x128xi32, #tpu.memory_space<hbm>>) target(%arg8 : memref<80x128xi32, #tpu.memory_space<vmem>>) target_semaphore(%run_scoped3A_186 : memref<!tpu.dma_semaphore, #tpu.memory_space<semaphore_mem>>)
      %dma_wait3A_191 = arith.constant 0 : i32
      %dma_wait3A_192 = tpu.memref_slice %arg4[%mul3A_2, %dma_wait3A_191] : memref<2560x128xi32, #tpu.memory_space<hbm>> -> memref<80x128xi32, #tpu.memory_space<hbm>>
      %dma_wait3A_193 = arith.constant 0 : i32
      %dma_wait3A_194 = tpu.memref_slice %arg4[%mul3A_2, %dma_wait3A_193] : memref<2560x128xi32, #tpu.memory_space<hbm>> -> memref<80x128xi32, #tpu.memory_space<hbm>>
      tpu.wait_dma2 semaphore(%run_scoped3A_186 : memref<!tpu.dma_semaphore, #tpu.memory_space<semaphore_mem>>) src(%dma_wait3A_194 : memref<80x128xi32, #tpu.memory_space<hbm>>) dst(%arg8 : memref<80x128xi32, #tpu.memory_space<vmem>>)
      tpu.yield
    }) : () -> ()
    %mul3A_3 = arith.constant 80 : i32
    %mul3A_4 = arith.muli %add3A, %mul3A_3 : i32
    "tpu.region"() ({
      %run_scoped3A_186 = tpu.sem_alloc : memref<!tpu.dma_semaphore, #tpu.memory_space<semaphore_mem>>
      %dma_start3A_187 = arith.constant 0 : i32
      %dma_start3A_188 = tpu.memref_slice %arg5[%mul3A_4, %dma_start3A_187] : memref<2560x128xi32, #tpu.memory_space<hbm>> -> memref<80x128xi32, #tpu.memory_space<hbm>>
      %dma_start3A_189 = arith.constant 0 : i32
      %dma_start3A_190 = tpu.memref_slice %arg5[%mul3A_4, %dma_start3A_189] : memref<2560x128xi32, #tpu.memory_space<hbm>> -> memref<80x128xi32, #tpu.memory_space<hbm>>
      tpu.enqueue_dma source(%dma_start3A_190 : memref<80x128xi32, #tpu.memory_space<hbm>>) target(%arg9 : memref<80x128xi32, #tpu.memory_space<vmem>>) target_semaphore(%run_scoped3A_186 : memref<!tpu.dma_semaphore, #tpu.memory_space<semaphore_mem>>)
      %dma_wait3A_191 = arith.constant 0 : i32
      %dma_wait3A_192 = tpu.memref_slice %arg5[%mul3A_4, %dma_wait3A_191] : memref<2560x128xi32, #tpu.memory_space<hbm>> -> memref<80x128xi32, #tpu.memory_space<hbm>>
      %dma_wait3A_193 = arith.constant 0 : i32
      %dma_wait3A_194 = tpu.memref_slice %arg5[%mul3A_4, %dma_wait3A_193] : memref<2560x128xi32, #tpu.memory_space<hbm>> -> memref<80x128xi32, #tpu.memory_space<hbm>>
      tpu.wait_dma2 semaphore(%run_scoped3A_186 : memref<!tpu.dma_semaphore, #tpu.memory_space<semaphore_mem>>) src(%dma_wait3A_194 : memref<80x128xi32, #tpu.memory_space<hbm>>) dst(%arg9 : memref<80x128xi32, #tpu.memory_space<vmem>>)
      tpu.yield
    }) : () -> ()
    %scan3A = arith.constant 0 : i32
    %scan3A_5 = arith.constant 0 : i32
    %scan3A_6 = arith.constant 32 : i32
    %scan3A_7 = arith.addi %scan3A_5, %scan3A_6 : i32
    %scan3A_8 = arith.constant 1 : i32
    scf.for %scan3A_186 = %scan3A_5 to %scan3A_7 step %scan3A_8  : i32 {
      %mul3A_187 = arith.constant 1 : i32
      %mul3A_188 = arith.muli %scan3A_186, %mul3A_187 : i32
      %add3A_189 = arith.constant 0 : i32
      %add3A_190 = arith.addi %add3A_189, %mul3A_188 : i32
      %broadcast_in_dim3A = arith.constant 0.000000e+00 : f32
      %broadcast_in_dim3A_191 = vector.broadcast %broadcast_in_dim3A : f32 to vector<1x16xf32>
      %swap3A = arith.constant 0 : i32
      %swap3A_192 = arith.constant 0 : i32
      %swap3A_193 = tpu.memref_slice %arg10[%scan3A, %swap3A, %swap3A_192] : memref<2x32x128xf32, #tpu.memory_space<vmem>> -> memref<1x32x128xf32, #tpu.memory_space<vmem>>
      %swap3A_194 = tpu.memref_squeeze %swap3A_193 : memref<1x32x128xf32, #tpu.memory_space<vmem>> -> memref<32x128xf32, #tpu.memory_space<vmem>>
      %swap3A_195 = arith.index_cast %add3A_190 : i32 to index
      %swap3A_196 = arith.constant 0 : index
      %swap3A_197 = tpu.vector_load %swap3A_194[%swap3A_195, %swap3A_196] {strides = array<i32>} : memref<32x128xf32, #tpu.memory_space<vmem>>, vector<1x16xf32>,
      %swap3A_198 = vector.shape_cast %swap3A_197 : vector<1x16xf32> to vector<1x16xf32>
      %swap3A_199 = vector.shape_cast %broadcast_in_dim3A_191 : vector<1x16xf32> to vector<1x16xf32>
      tpu.vector_store %swap3A_194[%swap3A_195, %swap3A_196], %swap3A_199 {strides = array<i32>} : memref<32x128xf32, #tpu.memory_space<vmem>>, vector<1x16xf32>,
      %broadcast_in_dim3A_200 = arith.constant 0.000000e+00 : f32
      %broadcast_in_dim3A_201 = vector.broadcast %broadcast_in_dim3A_200 : f32 to vector<1x16xf32>
      %swap3A_202 = arith.constant 0 : i32
      %swap3A_203 = arith.constant 0 : i32
      %swap3A_204 = tpu.memref_slice %arg10[%scan3A, %swap3A_202, %swap3A_203] : memref<2x32x128xf32, #tpu.memory_space<vmem>> -> memref<1x32x128xf32, #tpu.memory_space<vmem>>
      %swap3A_205 = tpu.memref_squeeze %swap3A_204 : memref<1x32x128xf32, #tpu.memory_space<vmem>> -> memref<32x128xf32, #tpu.memory_space<vmem>>
      %swap3A_206 = arith.index_cast %add3A_190 : i32 to index
      %swap3A_207 = arith.constant 16 : index
      %swap3A_208 = tpu.vector_load %swap3A_205[%swap3A_206, %swap3A_207] {strides = array<i32>} : memref<32x128xf32, #tpu.memory_space<vmem>>, vector<1x16xf32>,
      %swap3A_209 = vector.shape_cast %swap3A_208 : vector<1x16xf32> to vector<1x16xf32>
      %swap3A_210 = vector.shape_cast %broadcast_in_dim3A_201 : vector<1x16xf32> to vector<1x16xf32>
      tpu.vector_store %swap3A_205[%swap3A_206, %swap3A_207], %swap3A_210 {strides = array<i32>} : memref<32x128xf32, #tpu.memory_space<vmem>>, vector<1x16xf32>,
      %broadcast_in_dim3A_211 = arith.constant 0.000000e+00 : f32
      %broadcast_in_dim3A_212 = vector.broadcast %broadcast_in_dim3A_211 : f32 to vector<1x16xf32>
      %swap3A_213 = arith.constant 0 : i32
      %swap3A_214 = arith.constant 0 : i32
      %swap3A_215 = tpu.memref_slice %arg10[%scan3A, %swap3A_213, %swap3A_214] : memref<2x32x128xf32, #tpu.memory_space<vmem>> -> memref<1x32x128xf32, #tpu.memory_space<vmem>>
      %swap3A_216 = tpu.memref_squeeze %swap3A_215 : memref<1x32x128xf32, #tpu.memory_space<vmem>> -> memref<32x128xf32, #tpu.memory_space<vmem>>
      %swap3A_217 = arith.index_cast %add3A_190 : i32 to index
      %swap3A_218 = arith.constant 32 : index
      %swap3A_219 = tpu.vector_load %swap3A_216[%swap3A_217, %swap3A_218] {strides = array<i32>} : memref<32x128xf32, #tpu.memory_space<vmem>>, vector<1x16xf32>,
      %swap3A_220 = vector.shape_cast %swap3A_219 : vector<1x16xf32> to vector<1x16xf32>
      %swap3A_221 = vector.shape_cast %broadcast_in_dim3A_212 : vector<1x16xf32> to vector<1x16xf32>
      tpu.vector_store %swap3A_216[%swap3A_217, %swap3A_218], %swap3A_221 {strides = array<i32>} : memref<32x128xf32, #tpu.memory_space<vmem>>, vector<1x16xf32>,
      %broadcast_in_dim3A_222 = arith.constant 0.000000e+00 : f32
      %broadcast_in_dim3A_223 = vector.broadcast %broadcast_in_dim3A_222 : f32 to vector<1x16xf32>
      %swap3A_224 = arith.constant 0 : i32
      %swap3A_225 = arith.constant 0 : i32
      %swap3A_226 = tpu.memref_slice %arg10[%scan3A, %swap3A_224, %swap3A_225] : memref<2x32x128xf32, #tpu.memory_space<vmem>> -> memref<1x32x128xf32, #tpu.memory_space<vmem>>
      %swap3A_227 = tpu.memref_squeeze %swap3A_226 : memref<1x32x128xf32, #tpu.memory_space<vmem>> -> memref<32x128xf32, #tpu.memory_space<vmem>>
      %swap3A_228 = arith.index_cast %add3A_190 : i32 to index
      %swap3A_229 = arith.constant 48 : index
      %swap3A_230 = tpu.vector_load %swap3A_227[%swap3A_228, %swap3A_229] {strides = array<i32>} : memref<32x128xf32, #tpu.memory_space<vmem>>, vector<1x16xf32>,
      %swap3A_231 = vector.shape_cast %swap3A_230 : vector<1x16xf32> to vector<1x16xf32>
      %swap3A_232 = vector.shape_cast %broadcast_in_dim3A_223 : vector<1x16xf32> to vector<1x16xf32>
      tpu.vector_store %swap3A_227[%swap3A_228, %swap3A_229], %swap3A_232 {strides = array<i32>} : memref<32x128xf32, #tpu.memory_space<vmem>>, vector<1x16xf32>,
      %broadcast_in_dim3A_233 = arith.constant 0.000000e+00 : f32
      %broadcast_in_dim3A_234 = vector.broadcast %broadcast_in_dim3A_233 : f32 to vector<1x16xf32>
      %swap3A_235 = arith.constant 0 : i32
      %swap3A_236 = arith.constant 0 : i32
      %swap3A_237 = tpu.memref_slice %arg10[%scan3A, %swap3A_235, %swap3A_236] : memref<2x32x128xf32, #tpu.memory_space<vmem>> -> memref<1x32x128xf32, #tpu.memory_space<vmem>>
      %swap3A_238 = tpu.memref_squeeze %swap3A_237 : memref<1x32x128xf32, #tpu.memory_space<vmem>> -> memref<32x128xf32, #tpu.memory_space<vmem>>
      %swap3A_239 = arith.index_cast %add3A_190 : i32 to index
      %swap3A_240 = arith.constant 64 : index
      %swap3A_241 = tpu.vector_load %swap3A_238[%swap3A_239, %swap3A_240] {strides = array<i32>} : memref<32x128xf32, #tpu.memory_space<vmem>>, vector<1x16xf32>,
      %swap3A_242 = vector.shape_cast %swap3A_241 : vector<1x16xf32> to vector<1x16xf32>
      %swap3A_243 = vector.shape_cast %broadcast_in_dim3A_234 : vector<1x16xf32> to vector<1x16xf32>
      tpu.vector_store %swap3A_238[%swap3A_239, %swap3A_240], %swap3A_243 {strides = array<i32>} : memref<32x128xf32, #tpu.memory_space<vmem>>, vector<1x16xf32>,
      %broadcast_in_dim3A_244 = arith.constant 0.000000e+00 : f32
      %broadcast_in_dim3A_245 = vector.broadcast %broadcast_in_dim3A_244 : f32 to vector<1x16xf32>
      %swap3A_246 = arith.constant 0 : i32
      %swap3A_247 = arith.constant 0 : i32
      %swap3A_248 = tpu.memref_slice %arg10[%scan3A, %swap3A_246, %swap3A_247] : memref<2x32x128xf32, #tpu.memory_space<vmem>> -> memref<1x32x128xf32, #tpu.memory_space<vmem>>
      %swap3A_249 = tpu.memref_squeeze %swap3A_248 : memref<1x32x128xf32, #tpu.memory_space<vmem>> -> memref<32x128xf32, #tpu.memory_space<vmem>>
      %swap3A_250 = arith.index_cast %add3A_190 : i32 to index
      %swap3A_251 = arith.constant 80 : index
      %swap3A_252 = tpu.vector_load %swap3A_249[%swap3A_250, %swap3A_251] {strides = array<i32>} : memref<32x128xf32, #tpu.memory_space<vmem>>, vector<1x16xf32>,
      %swap3A_253 = vector.shape_cast %swap3A_252 : vector<1x16xf32> to vector<1x16xf32>
      %swap3A_254 = vector.shape_cast %broadcast_in_dim3A_245 : vector<1x16xf32> to vector<1x16xf32>
      tpu.vector_store %swap3A_249[%swap3A_250, %swap3A_251], %swap3A_254 {strides = array<i32>} : memref<32x128xf32, #tpu.memory_space<vmem>>, vector<1x16xf32>,
      %broadcast_in_dim3A_255 = arith.constant 0.000000e+00 : f32
      %broadcast_in_dim3A_256 = vector.broadcast %broadcast_in_dim3A_255 : f32 to vector<1x16xf32>
      %swap3A_257 = arith.constant 0 : i32
      %swap3A_258 = arith.constant 0 : i32
      %swap3A_259 = tpu.memref_slice %arg10[%scan3A, %swap3A_257, %swap3A_258] : memref<2x32x128xf32, #tpu.memory_space<vmem>> -> memref<1x32x128xf32, #tpu.memory_space<vmem>>
      %swap3A_260 = tpu.memref_squeeze %swap3A_259 : memref<1x32x128xf32, #tpu.memory_space<vmem>> -> memref<32x128xf32, #tpu.memory_space<vmem>>
      %swap3A_261 = arith.index_cast %add3A_190 : i32 to index
      %swap3A_262 = arith.constant 96 : index
      %swap3A_263 = tpu.vector_load %swap3A_260[%swap3A_261, %swap3A_262] {strides = array<i32>} : memref<32x128xf32, #tpu.memory_space<vmem>>, vector<1x16xf32>,
      %swap3A_264 = vector.shape_cast %swap3A_263 : vector<1x16xf32> to vector<1x16xf32>
      %swap3A_265 = vector.shape_cast %broadcast_in_dim3A_256 : vector<1x16xf32> to vector<1x16xf32>
      tpu.vector_store %swap3A_260[%swap3A_261, %swap3A_262], %swap3A_265 {strides = array<i32>} : memref<32x128xf32, #tpu.memory_space<vmem>>, vector<1x16xf32>,
      %broadcast_in_dim3A_266 = arith.constant 0.000000e+00 : f32
      %broadcast_in_dim3A_267 = vector.broadcast %broadcast_in_dim3A_266 : f32 to vector<1x16xf32>
      %swap3A_268 = arith.constant 0 : i32
      %swap3A_269 = arith.constant 0 : i32
      %swap3A_270 = tpu.memref_slice %arg10[%scan3A, %swap3A_268, %swap3A_269] : memref<2x32x128xf32, #tpu.memory_space<vmem>> -> memref<1x32x128xf32, #tpu.memory_space<vmem>>
      %swap3A_271 = tpu.memref_squeeze %swap3A_270 : memref<1x32x128xf32, #tpu.memory_space<vmem>> -> memref<32x128xf32, #tpu.memory_space<vmem>>
      %swap3A_272 = arith.index_cast %add3A_190 : i32 to index
      %swap3A_273 = arith.constant 112 : index
      %swap3A_274 = tpu.vector_load %swap3A_271[%swap3A_272, %swap3A_273] {strides = array<i32>} : memref<32x128xf32, #tpu.memory_space<vmem>>, vector<1x16xf32>,
      %swap3A_275 = vector.shape_cast %swap3A_274 : vector<1x16xf32> to vector<1x16xf32>
      %swap3A_276 = vector.shape_cast %broadcast_in_dim3A_267 : vector<1x16xf32> to vector<1x16xf32>
      tpu.vector_store %swap3A_271[%swap3A_272, %swap3A_273], %swap3A_276 {strides = array<i32>} : memref<32x128xf32, #tpu.memory_space<vmem>>, vector<1x16xf32>,
    }
    %scan3A_9 = arith.constant 32 : i32
    %mul3A_10 = arith.constant 640 : i32
    %mul3A_11 = arith.muli %arg1, %mul3A_10 : i32
    %add3A_12 = arith.constant 0 : i32
    %add3A_13 = arith.addi %mul3A_11, %add3A_12 : i32
    %run_scoped3A = arith.constant 0 : i32
    "tpu.region"() ({
      %run_scoped3A_186 = tpu.sem_alloc : memref<!tpu.dma_semaphore, #tpu.memory_space<semaphore_mem>>
      %dma_start3A_187 = arith.constant 0 : i32
      %dma_start3A_188 = arith.constant 0 : i32
      %dma_start3A_189 = tpu.memref_slice %arg10[%run_scoped3A, %dma_start3A_187, %dma_start3A_188] : memref<2x32x128xf32, #tpu.memory_space<vmem>> -> memref<1x32x128xf32, #tpu.memory_space<vmem>>
      %dma_start3A_190 = tpu.memref_squeeze %dma_start3A_189 : memref<1x32x128xf32, #tpu.memory_space<vmem>> -> memref<32x128xf32, #tpu.memory_space<vmem>>
      %dma_start3A_191 = arith.constant 0 : i32
      %dma_start3A_192 = tpu.memref_slice %arg14[%add3A_13, %dma_start3A_191] : memref<10240x128xf32, #tpu.memory_space<vmem_shared>> -> memref<32x128xf32, #tpu.memory_space<vmem_shared>>
      %dma_start3A_193 = arith.constant 0 : i32
      %dma_start3A_194 = tpu.memref_slice %arg14[%add3A_13, %dma_start3A_193] : memref<10240x128xf32, #tpu.memory_space<vmem_shared>> -> memref<32x128xf32, #tpu.memory_space<vmem_shared>>
      %dma_start3A_195 = arith.constant 0 : i32
      %dma_start3A_196 = arith.constant 0 : i32
      %dma_start3A_197 = tpu.memref_slice %arg10[%run_scoped3A, %dma_start3A_195, %dma_start3A_196] : memref<2x32x128xf32, #tpu.memory_space<vmem>> -> memref<1x32x128xf32, #tpu.memory_space<vmem>>
      %dma_start3A_198 = tpu.memref_squeeze %dma_start3A_197 : memref<1x32x128xf32, #tpu.memory_space<vmem>> -> memref<32x128xf32, #tpu.memory_space<vmem>>
      tpu.enqueue_dma source(%dma_start3A_198 : memref<32x128xf32, #tpu.memory_space<vmem>>) target(%dma_start3A_194 : memref<32x128xf32, #tpu.memory_space<vmem_shared>>) target_semaphore(%run_scoped3A_186 : memref<!tpu.dma_semaphore, #tpu.memory_space<semaphore_mem>>)
      %dma_wait3A_199 = arith.constant 0 : i32
      %dma_wait3A_200 = arith.constant 0 : i32
      %dma_wait3A_201 = tpu.memref_slice %arg10[%run_scoped3A, %dma_wait3A_199, %dma_wait3A_200] : memref<2x32x128xf32, #tpu.memory_space<vmem>> -> memref<1x32x128xf32, #tpu.memory_space<vmem>>
      %dma_wait3A_202 = tpu.memref_squeeze %dma_wait3A_201 : memref<1x32x128xf32, #tpu.memory_space<vmem>> -> memref<32x128xf32, #tpu.memory_space<vmem>>
      %dma_wait3A_203 = arith.constant 0 : i32
      %dma_wait3A_204 = tpu.memref_slice %arg14[%add3A_13, %dma_wait3A_203] : memref<10240x128xf32, #tpu.memory_space<vmem_shared>> -> memref<32x128xf32, #tpu.memory_space<vmem_shared>>
      %dma_wait3A_205 = arith.constant 0 : i32
      %dma_wait3A_206 = tpu.memref_slice %arg14[%add3A_13, %dma_wait3A_205] : memref<10240x128xf32, #tpu.memory_space<vmem_shared>> -> memref<32x128xf32, #tpu.memory_space<vmem_shared>>
      %dma_wait3A_207 = arith.constant 0 : i32
      %dma_wait3A_208 = arith.constant 0 : i32
      %dma_wait3A_209 = tpu.memref_slice %arg10[%run_scoped3A, %dma_wait3A_207, %dma_wait3A_208] : memref<2x32x128xf32, #tpu.memory_space<vmem>> -> memref<1x32x128xf32, #tpu.memory_space<vmem>>
      %dma_wait3A_210 = tpu.memref_squeeze %dma_wait3A_209 : memref<1x32x128xf32, #tpu.memory_space<vmem>> -> memref<32x128xf32, #tpu.memory_space<vmem>>
      tpu.wait_dma2 semaphore(%run_scoped3A_186 : memref<!tpu.dma_semaphore, #tpu.memory_space<semaphore_mem>>) src(%dma_wait3A_210 : memref<32x128xf32, #tpu.memory_space<vmem>>) dst(%dma_wait3A_206 : memref<32x128xf32, #tpu.memory_space<vmem_shared>>)
      tpu.yield
    }) : () -> ()
    %add3A_14 = arith.constant 32 : i32
    %add3A_15 = arith.addi %mul3A_11, %add3A_14 : i32
    %run_scoped3A_16 = arith.constant 0 : i32
    "tpu.region"() ({
      %run_scoped3A_186 = tpu.sem_alloc : memref<!tpu.dma_semaphore, #tpu.memory_space<semaphore_mem>>
      %dma_start3A_187 = arith.constant 0 : i32
      %dma_start3A_188 = arith.constant 0 : i32
      %dma_start3A_189 = tpu.memref_slice %arg10[%run_scoped3A_16, %dma_start3A_187, %dma_start3A_188] : memref<2x32x128xf32, #tpu.memory_space<vmem>> -> memref<1x32x128xf32, #tpu.memory_space<vmem>>
      %dma_start3A_190 = tpu.memref_squeeze %dma_start3A_189 : memref<1x32x128xf32, #tpu.memory_space<vmem>> -> memref<32x128xf32, #tpu.memory_space<vmem>>
      %dma_start3A_191 = arith.constant 0 : i32
      %dma_start3A_192 = tpu.memref_slice %arg14[%add3A_15, %dma_start3A_191] : memref<10240x128xf32, #tpu.memory_space<vmem_shared>> -> memref<32x128xf32, #tpu.memory_space<vmem_shared>>
      %dma_start3A_193 = arith.constant 0 : i32
      %dma_start3A_194 = tpu.memref_slice %arg14[%add3A_15, %dma_start3A_193] : memref<10240x128xf32, #tpu.memory_space<vmem_shared>> -> memref<32x128xf32, #tpu.memory_space<vmem_shared>>
      %dma_start3A_195 = arith.constant 0 : i32
      %dma_start3A_196 = arith.constant 0 : i32
      %dma_start3A_197 = tpu.memref_slice %arg10[%run_scoped3A_16, %dma_start3A_195, %dma_start3A_196] : memref<2x32x128xf32, #tpu.memory_space<vmem>> -> memref<1x32x128xf32, #tpu.memory_space<vmem>>
      %dma_start3A_198 = tpu.memref_squeeze %dma_start3A_197 : memref<1x32x128xf32, #tpu.memory_space<vmem>> -> memref<32x128xf32, #tpu.memory_space<vmem>>
      tpu.enqueue_dma source(%dma_start3A_198 : memref<32x128xf32, #tpu.memory_space<vmem>>) target(%dma_start3A_194 : memref<32x128xf32, #tpu.memory_space<vmem_shared>>) target_semaphore(%run_scoped3A_186 : memref<!tpu.dma_semaphore, #tpu.memory_space<semaphore_mem>>)
      %dma_wait3A_199 = arith.constant 0 : i32
      %dma_wait3A_200 = arith.constant 0 : i32
      %dma_wait3A_201 = tpu.memref_slice %arg10[%run_scoped3A_16, %dma_wait3A_199, %dma_wait3A_200] : memref<2x32x128xf32, #tpu.memory_space<vmem>> -> memref<1x32x128xf32, #tpu.memory_space<vmem>>
      %dma_wait3A_202 = tpu.memref_squeeze %dma_wait3A_201 : memref<1x32x128xf32, #tpu.memory_space<vmem>> -> memref<32x128xf32, #tpu.memory_space<vmem>>
      %dma_wait3A_203 = arith.constant 0 : i32
      %dma_wait3A_204 = tpu.memref_slice %arg14[%add3A_15, %dma_wait3A_203] : memref<10240x128xf32, #tpu.memory_space<vmem_shared>> -> memref<32x128xf32, #tpu.memory_space<vmem_shared>>
      %dma_wait3A_205 = arith.constant 0 : i32
      %dma_wait3A_206 = tpu.memref_slice %arg14[%add3A_15, %dma_wait3A_205] : memref<10240x128xf32, #tpu.memory_space<vmem_shared>> -> memref<32x128xf32, #tpu.memory_space<vmem_shared>>
      %dma_wait3A_207 = arith.constant 0 : i32
      %dma_wait3A_208 = arith.constant 0 : i32
      %dma_wait3A_209 = tpu.memref_slice %arg10[%run_scoped3A_16, %dma_wait3A_207, %dma_wait3A_208] : memref<2x32x128xf32, #tpu.memory_space<vmem>> -> memref<1x32x128xf32, #tpu.memory_space<vmem>>
      %dma_wait3A_210 = tpu.memref_squeeze %dma_wait3A_209 : memref<1x32x128xf32, #tpu.memory_space<vmem>> -> memref<32x128xf32, #tpu.memory_space<vmem>>
      tpu.wait_dma2 semaphore(%run_scoped3A_186 : memref<!tpu.dma_semaphore, #tpu.memory_space<semaphore_mem>>) src(%dma_wait3A_210 : memref<32x128xf32, #tpu.memory_space<vmem>>) dst(%dma_wait3A_206 : memref<32x128xf32, #tpu.memory_space<vmem_shared>>)
      tpu.yield
    }) : () -> ()
    %add3A_17 = arith.constant 64 : i32
    %add3A_18 = arith.addi %mul3A_11, %add3A_17 : i32
    %run_scoped3A_19 = arith.constant 0 : i32
    "tpu.region"() ({
      %run_scoped3A_186 = tpu.sem_alloc : memref<!tpu.dma_semaphore, #tpu.memory_space<semaphore_mem>>
      %dma_start3A_187 = arith.constant 0 : i32
      %dma_start3A_188 = arith.constant 0 : i32
      %dma_start3A_189 = tpu.memref_slice %arg10[%run_scoped3A_19, %dma_start3A_187, %dma_start3A_188] : memref<2x32x128xf32, #tpu.memory_space<vmem>> -> memref<1x32x128xf32, #tpu.memory_space<vmem>>
      %dma_start3A_190 = tpu.memref_squeeze %dma_start3A_189 : memref<1x32x128xf32, #tpu.memory_space<vmem>> -> memref<32x128xf32, #tpu.memory_space<vmem>>
      %dma_start3A_191 = arith.constant 0 : i32
      %dma_start3A_192 = tpu.memref_slice %arg14[%add3A_18, %dma_start3A_191] : memref<10240x128xf32, #tpu.memory_space<vmem_shared>> -> memref<32x128xf32, #tpu.memory_space<vmem_shared>>
      %dma_start3A_193 = arith.constant 0 : i32
      %dma_start3A_194 = tpu.memref_slice %arg14[%add3A_18, %dma_start3A_193] : memref<10240x128xf32, #tpu.memory_space<vmem_shared>> -> memref<32x128xf32, #tpu.memory_space<vmem_shared>>
      %dma_start3A_195 = arith.constant 0 : i32
      %dma_start3A_196 = arith.constant 0 : i32
      %dma_start3A_197 = tpu.memref_slice %arg10[%run_scoped3A_19, %dma_start3A_195, %dma_start3A_196] : memref<2x32x128xf32, #tpu.memory_space<vmem>> -> memref<1x32x128xf32, #tpu.memory_space<vmem>>
      %dma_start3A_198 = tpu.memref_squeeze %dma_start3A_197 : memref<1x32x128xf32, #tpu.memory_space<vmem>> -> memref<32x128xf32, #tpu.memory_space<vmem>>
      tpu.enqueue_dma source(%dma_start3A_198 : memref<32x128xf32, #tpu.memory_space<vmem>>) target(%dma_start3A_194 : memref<32x128xf32, #tpu.memory_space<vmem_shared>>) target_semaphore(%run_scoped3A_186 : memref<!tpu.dma_semaphore, #tpu.memory_space<semaphore_mem>>)
      %dma_wait3A_199 = arith.constant 0 : i32
      %dma_wait3A_200 = arith.constant 0 : i32
      %dma_wait3A_201 = tpu.memref_slice %arg10[%run_scoped3A_19, %dma_wait3A_199, %dma_wait3A_200] : memref<2x32x128xf32, #tpu.memory_space<vmem>> -> memref<1x32x128xf32, #tpu.memory_space<vmem>>
      %dma_wait3A_202 = tpu.memref_squeeze %dma_wait3A_201 : memref<1x32x128xf32, #tpu.memory_space<vmem>> -> memref<32x128xf32, #tpu.memory_space<vmem>>
      %dma_wait3A_203 = arith.constant 0 : i32
      %dma_wait3A_204 = tpu.memref_slice %arg14[%add3A_18, %dma_wait3A_203] : memref<10240x128xf32, #tpu.memory_space<vmem_shared>> -> memref<32x128xf32, #tpu.memory_space<vmem_shared>>
      %dma_wait3A_205 = arith.constant 0 : i32
      %dma_wait3A_206 = tpu.memref_slice %arg14[%add3A_18, %dma_wait3A_205] : memref<10240x128xf32, #tpu.memory_space<vmem_shared>> -> memref<32x128xf32, #tpu.memory_space<vmem_shared>>
      %dma_wait3A_207 = arith.constant 0 : i32
      %dma_wait3A_208 = arith.constant 0 : i32
      %dma_wait3A_209 = tpu.memref_slice %arg10[%run_scoped3A_19, %dma_wait3A_207, %dma_wait3A_208] : memref<2x32x128xf32, #tpu.memory_space<vmem>> -> memref<1x32x128xf32, #tpu.memory_space<vmem>>
      %dma_wait3A_210 = tpu.memref_squeeze %dma_wait3A_209 : memref<1x32x128xf32, #tpu.memory_space<vmem>> -> memref<32x128xf32, #tpu.memory_space<vmem>>
      tpu.wait_dma2 semaphore(%run_scoped3A_186 : memref<!tpu.dma_semaphore, #tpu.memory_space<semaphore_mem>>) src(%dma_wait3A_210 : memref<32x128xf32, #tpu.memory_space<vmem>>) dst(%dma_wait3A_206 : memref<32x128xf32, #tpu.memory_space<vmem_shared>>)
      tpu.yield
    }) : () -> ()
    %add3A_20 = arith.constant 96 : i32
    %add3A_21 = arith.addi %mul3A_11, %add3A_20 : i32
    %run_scoped3A_22 = arith.constant 0 : i32
    "tpu.region"() ({
      %run_scoped3A_186 = tpu.sem_alloc : memref<!tpu.dma_semaphore, #tpu.memory_space<semaphore_mem>>
      %dma_start3A_187 = arith.constant 0 : i32
      %dma_start3A_188 = arith.constant 0 : i32
      %dma_start3A_189 = tpu.memref_slice %arg10[%run_scoped3A_22, %dma_start3A_187, %dma_start3A_188] : memref<2x32x128xf32, #tpu.memory_space<vmem>> -> memref<1x32x128xf32, #tpu.memory_space<vmem>>
      %dma_start3A_190 = tpu.memref_squeeze %dma_start3A_189 : memref<1x32x128xf32, #tpu.memory_space<vmem>> -> memref<32x128xf32, #tpu.memory_space<vmem>>
      %dma_start3A_191 = arith.constant 0 : i32
      %dma_start3A_192 = tpu.memref_slice %arg14[%add3A_21, %dma_start3A_191] : memref<10240x128xf32, #tpu.memory_space<vmem_shared>> -> memref<32x128xf32, #tpu.memory_space<vmem_shared>>
      %dma_start3A_193 = arith.constant 0 : i32
      %dma_start3A_194 = tpu.memref_slice %arg14[%add3A_21, %dma_start3A_193] : memref<10240x128xf32, #tpu.memory_space<vmem_shared>> -> memref<32x128xf32, #tpu.memory_space<vmem_shared>>
      %dma_start3A_195 = arith.constant 0 : i32
      %dma_start3A_196 = arith.constant 0 : i32
      %dma_start3A_197 = tpu.memref_slice %arg10[%run_scoped3A_22, %dma_start3A_195, %dma_start3A_196] : memref<2x32x128xf32, #tpu.memory_space<vmem>> -> memref<1x32x128xf32, #tpu.memory_space<vmem>>
      %dma_start3A_198 = tpu.memref_squeeze %dma_start3A_197 : memref<1x32x128xf32, #tpu.memory_space<vmem>> -> memref<32x128xf32, #tpu.memory_space<vmem>>
      tpu.enqueue_dma source(%dma_start3A_198 : memref<32x128xf32, #tpu.memory_space<vmem>>) target(%dma_start3A_194 : memref<32x128xf32, #tpu.memory_space<vmem_shared>>) target_semaphore(%run_scoped3A_186 : memref<!tpu.dma_semaphore, #tpu.memory_space<semaphore_mem>>)
      %dma_wait3A_199 = arith.constant 0 : i32
      %dma_wait3A_200 = arith.constant 0 : i32
      %dma_wait3A_201 = tpu.memref_slice %arg10[%run_scoped3A_22, %dma_wait3A_199, %dma_wait3A_200] : memref<2x32x128xf32, #tpu.memory_space<vmem>> -> memref<1x32x128xf32, #tpu.memory_space<vmem>>
      %dma_wait3A_202 = tpu.memref_squeeze %dma_wait3A_201 : memref<1x32x128xf32, #tpu.memory_space<vmem>> -> memref<32x128xf32, #tpu.memory_space<vmem>>
      %dma_wait3A_203 = arith.constant 0 : i32
      %dma_wait3A_204 = tpu.memref_slice %arg14[%add3A_21, %dma_wait3A_203] : memref<10240x128xf32, #tpu.memory_space<vmem_shared>> -> memref<32x128xf32, #tpu.memory_space<vmem_shared>>
      %dma_wait3A_205 = arith.constant 0 : i32
      %dma_wait3A_206 = tpu.memref_slice %arg14[%add3A_21, %dma_wait3A_205] : memref<10240x128xf32, #tpu.memory_space<vmem_shared>> -> memref<32x128xf32, #tpu.memory_space<vmem_shared>>
      %dma_wait3A_207 = arith.constant 0 : i32
      %dma_wait3A_208 = arith.constant 0 : i32
      %dma_wait3A_209 = tpu.memref_slice %arg10[%run_scoped3A_22, %dma_wait3A_207, %dma_wait3A_208] : memref<2x32x128xf32, #tpu.memory_space<vmem>> -> memref<1x32x128xf32, #tpu.memory_space<vmem>>
      %dma_wait3A_210 = tpu.memref_squeeze %dma_wait3A_209 : memref<1x32x128xf32, #tpu.memory_space<vmem>> -> memref<32x128xf32, #tpu.memory_space<vmem>>
      tpu.wait_dma2 semaphore(%run_scoped3A_186 : memref<!tpu.dma_semaphore, #tpu.memory_space<semaphore_mem>>) src(%dma_wait3A_210 : memref<32x128xf32, #tpu.memory_space<vmem>>) dst(%dma_wait3A_206 : memref<32x128xf32, #tpu.memory_space<vmem_shared>>)
      tpu.yield
    }) : () -> ()
    %add3A_23 = arith.constant 128 : i32
    %add3A_24 = arith.addi %mul3A_11, %add3A_23 : i32
    %run_scoped3A_25 = arith.constant 0 : i32
    "tpu.region"() ({
      %run_scoped3A_186 = tpu.sem_alloc : memref<!tpu.dma_semaphore, #tpu.memory_space<semaphore_mem>>
      %dma_start3A_187 = arith.constant 0 : i32
      %dma_start3A_188 = arith.constant 0 : i32
      %dma_start3A_189 = tpu.memref_slice %arg10[%run_scoped3A_25, %dma_start3A_187, %dma_start3A_188] : memref<2x32x128xf32, #tpu.memory_space<vmem>> -> memref<1x32x128xf32, #tpu.memory_space<vmem>>
      %dma_start3A_190 = tpu.memref_squeeze %dma_start3A_189 : memref<1x32x128xf32, #tpu.memory_space<vmem>> -> memref<32x128xf32, #tpu.memory_space<vmem>>
      %dma_start3A_191 = arith.constant 0 : i32
      %dma_start3A_192 = tpu.memref_slice %arg14[%add3A_24, %dma_start3A_191] : memref<10240x128xf32, #tpu.memory_space<vmem_shared>> -> memref<32x128xf32, #tpu.memory_space<vmem_shared>>
      %dma_start3A_193 = arith.constant 0 : i32
      %dma_start3A_194 = tpu.memref_slice %arg14[%add3A_24, %dma_start3A_193] : memref<10240x128xf32, #tpu.memory_space<vmem_shared>> -> memref<32x128xf32, #tpu.memory_space<vmem_shared>>
      %dma_start3A_195 = arith.constant 0 : i32
      %dma_start3A_196 = arith.constant 0 : i32
      %dma_start3A_197 = tpu.memref_slice %arg10[%run_scoped3A_25, %dma_start3A_195, %dma_start3A_196] : memref<2x32x128xf32, #tpu.memory_space<vmem>> -> memref<1x32x128xf32, #tpu.memory_space<vmem>>
      %dma_start3A_198 = tpu.memref_squeeze %dma_start3A_197 : memref<1x32x128xf32, #tpu.memory_space<vmem>> -> memref<32x128xf32, #tpu.memory_space<vmem>>
      tpu.enqueue_dma source(%dma_start3A_198 : memref<32x128xf32, #tpu.memory_space<vmem>>) target(%dma_start3A_194 : memref<32x128xf32, #tpu.memory_space<vmem_shared>>) target_semaphore(%run_scoped3A_186 : memref<!tpu.dma_semaphore, #tpu.memory_space<semaphore_mem>>)
      %dma_wait3A_199 = arith.constant 0 : i32
      %dma_wait3A_200 = arith.constant 0 : i32
      %dma_wait3A_201 = tpu.memref_slice %arg10[%run_scoped3A_25, %dma_wait3A_199, %dma_wait3A_200] : memref<2x32x128xf32, #tpu.memory_space<vmem>> -> memref<1x32x128xf32, #tpu.memory_space<vmem>>
      %dma_wait3A_202 = tpu.memref_squeeze %dma_wait3A_201 : memref<1x32x128xf32, #tpu.memory_space<vmem>> -> memref<32x128xf32, #tpu.memory_space<vmem>>
      %dma_wait3A_203 = arith.constant 0 : i32
      %dma_wait3A_204 = tpu.memref_slice %arg14[%add3A_24, %dma_wait3A_203] : memref<10240x128xf32, #tpu.memory_space<vmem_shared>> -> memref<32x128xf32, #tpu.memory_space<vmem_shared>>
      %dma_wait3A_205 = arith.constant 0 : i32
      %dma_wait3A_206 = tpu.memref_slice %arg14[%add3A_24, %dma_wait3A_205] : memref<10240x128xf32, #tpu.memory_space<vmem_shared>> -> memref<32x128xf32, #tpu.memory_space<vmem_shared>>
      %dma_wait3A_207 = arith.constant 0 : i32
      %dma_wait3A_208 = arith.constant 0 : i32
      %dma_wait3A_209 = tpu.memref_slice %arg10[%run_scoped3A_25, %dma_wait3A_207, %dma_wait3A_208] : memref<2x32x128xf32, #tpu.memory_space<vmem>> -> memref<1x32x128xf32, #tpu.memory_space<vmem>>
      %dma_wait3A_210 = tpu.memref_squeeze %dma_wait3A_209 : memref<1x32x128xf32, #tpu.memory_space<vmem>> -> memref<32x128xf32, #tpu.memory_space<vmem>>
      tpu.wait_dma2 semaphore(%run_scoped3A_186 : memref<!tpu.dma_semaphore, #tpu.memory_space<semaphore_mem>>) src(%dma_wait3A_210 : memref<32x128xf32, #tpu.memory_space<vmem>>) dst(%dma_wait3A_206 : memref<32x128xf32, #tpu.memory_space<vmem_shared>>)
      tpu.yield
    }) : () -> ()
    %add3A_26 = arith.constant 160 : i32
    %add3A_27 = arith.addi %mul3A_11, %add3A_26 : i32
    %run_scoped3A_28 = arith.constant 0 : i32
    "tpu.region"() ({
      %run_scoped3A_186 = tpu.sem_alloc : memref<!tpu.dma_semaphore, #tpu.memory_space<semaphore_mem>>
      %dma_start3A_187 = arith.constant 0 : i32
      %dma_start3A_188 = arith.constant 0 : i32
      %dma_start3A_189 = tpu.memref_slice %arg10[%run_scoped3A_28, %dma_start3A_187, %dma_start3A_188] : memref<2x32x128xf32, #tpu.memory_space<vmem>> -> memref<1x32x128xf32, #tpu.memory_space<vmem>>
      %dma_start3A_190 = tpu.memref_squeeze %dma_start3A_189 : memref<1x32x128xf32, #tpu.memory_space<vmem>> -> memref<32x128xf32, #tpu.memory_space<vmem>>
      %dma_start3A_191 = arith.constant 0 : i32
      %dma_start3A_192 = tpu.memref_slice %arg14[%add3A_27, %dma_start3A_191] : memref<10240x128xf32, #tpu.memory_space<vmem_shared>> -> memref<32x128xf32, #tpu.memory_space<vmem_shared>>
      %dma_start3A_193 = arith.constant 0 : i32
      %dma_start3A_194 = tpu.memref_slice %arg14[%add3A_27, %dma_start3A_193] : memref<10240x128xf32, #tpu.memory_space<vmem_shared>> -> memref<32x128xf32, #tpu.memory_space<vmem_shared>>
      %dma_start3A_195 = arith.constant 0 : i32
      %dma_start3A_196 = arith.constant 0 : i32
      %dma_start3A_197 = tpu.memref_slice %arg10[%run_scoped3A_28, %dma_start3A_195, %dma_start3A_196] : memref<2x32x128xf32, #tpu.memory_space<vmem>> -> memref<1x32x128xf32, #tpu.memory_space<vmem>>
      %dma_start3A_198 = tpu.memref_squeeze %dma_start3A_197 : memref<1x32x128xf32, #tpu.memory_space<vmem>> -> memref<32x128xf32, #tpu.memory_space<vmem>>
      tpu.enqueue_dma source(%dma_start3A_198 : memref<32x128xf32, #tpu.memory_space<vmem>>) target(%dma_start3A_194 : memref<32x128xf32, #tpu.memory_space<vmem_shared>>) target_semaphore(%run_scoped3A_186 : memref<!tpu.dma_semaphore, #tpu.memory_space<semaphore_mem>>)
      %dma_wait3A_199 = arith.constant 0 : i32
      %dma_wait3A_200 = arith.constant 0 : i32
      %dma_wait3A_201 = tpu.memref_slice %arg10[%run_scoped3A_28, %dma_wait3A_199, %dma_wait3A_200] : memref<2x32x128xf32, #tpu.memory_space<vmem>> -> memref<1x32x128xf32, #tpu.memory_space<vmem>>
      %dma_wait3A_202 = tpu.memref_squeeze %dma_wait3A_201 : memref<1x32x128xf32, #tpu.memory_space<vmem>> -> memref<32x128xf32, #tpu.memory_space<vmem>>
      %dma_wait3A_203 = arith.constant 0 : i32
      %dma_wait3A_204 = tpu.memref_slice %arg14[%add3A_27, %dma_wait3A_203] : memref<10240x128xf32, #tpu.memory_space<vmem_shared>> -> memref<32x128xf32, #tpu.memory_space<vmem_shared>>
      %dma_wait3A_205 = arith.constant 0 : i32
      %dma_wait3A_206 = tpu.memref_slice %arg14[%add3A_27, %dma_wait3A_205] : memref<10240x128xf32, #tpu.memory_space<vmem_shared>> -> memref<32x128xf32, #tpu.memory_space<vmem_shared>>
      %dma_wait3A_207 = arith.constant 0 : i32
      %dma_wait3A_208 = arith.constant 0 : i32
      %dma_wait3A_209 = tpu.memref_slice %arg10[%run_scoped3A_28, %dma_wait3A_207, %dma_wait3A_208] : memref<2x32x128xf32, #tpu.memory_space<vmem>> -> memref<1x32x128xf32, #tpu.memory_space<vmem>>
      %dma_wait3A_210 = tpu.memref_squeeze %dma_wait3A_209 : memref<1x32x128xf32, #tpu.memory_space<vmem>> -> memref<32x128xf32, #tpu.memory_space<vmem>>
      tpu.wait_dma2 semaphore(%run_scoped3A_186 : memref<!tpu.dma_semaphore, #tpu.memory_space<semaphore_mem>>) src(%dma_wait3A_210 : memref<32x128xf32, #tpu.memory_space<vmem>>) dst(%dma_wait3A_206 : memref<32x128xf32, #tpu.memory_space<vmem_shared>>)
      tpu.yield
    }) : () -> ()
    %add3A_29 = arith.constant 192 : i32
    %add3A_30 = arith.addi %mul3A_11, %add3A_29 : i32
    %run_scoped3A_31 = arith.constant 0 : i32
    "tpu.region"() ({
      %run_scoped3A_186 = tpu.sem_alloc : memref<!tpu.dma_semaphore, #tpu.memory_space<semaphore_mem>>
      %dma_start3A_187 = arith.constant 0 : i32
      %dma_start3A_188 = arith.constant 0 : i32
      %dma_start3A_189 = tpu.memref_slice %arg10[%run_scoped3A_31, %dma_start3A_187, %dma_start3A_188] : memref<2x32x128xf32, #tpu.memory_space<vmem>> -> memref<1x32x128xf32, #tpu.memory_space<vmem>>
      %dma_start3A_190 = tpu.memref_squeeze %dma_start3A_189 : memref<1x32x128xf32, #tpu.memory_space<vmem>> -> memref<32x128xf32, #tpu.memory_space<vmem>>
      %dma_start3A_191 = arith.constant 0 : i32
      %dma_start3A_192 = tpu.memref_slice %arg14[%add3A_30, %dma_start3A_191] : memref<10240x128xf32, #tpu.memory_space<vmem_shared>> -> memref<32x128xf32, #tpu.memory_space<vmem_shared>>
      %dma_start3A_193 = arith.constant 0 : i32
      %dma_start3A_194 = tpu.memref_slice %arg14[%add3A_30, %dma_start3A_193] : memref<10240x128xf32, #tpu.memory_space<vmem_shared>> -> memref<32x128xf32, #tpu.memory_space<vmem_shared>>
      %dma_start3A_195 = arith.constant 0 : i32
      %dma_start3A_196 = arith.constant 0 : i32
      %dma_start3A_197 = tpu.memref_slice %arg10[%run_scoped3A_31, %dma_start3A_195, %dma_start3A_196] : memref<2x32x128xf32, #tpu.memory_space<vmem>> -> memref<1x32x128xf32, #tpu.memory_space<vmem>>
      %dma_start3A_198 = tpu.memref_squeeze %dma_start3A_197 : memref<1x32x128xf32, #tpu.memory_space<vmem>> -> memref<32x128xf32, #tpu.memory_space<vmem>>
      tpu.enqueue_dma source(%dma_start3A_198 : memref<32x128xf32, #tpu.memory_space<vmem>>) target(%dma_start3A_194 : memref<32x128xf32, #tpu.memory_space<vmem_shared>>) target_semaphore(%run_scoped3A_186 : memref<!tpu.dma_semaphore, #tpu.memory_space<semaphore_mem>>)
      %dma_wait3A_199 = arith.constant 0 : i32
      %dma_wait3A_200 = arith.constant 0 : i32
      %dma_wait3A_201 = tpu.memref_slice %arg10[%run_scoped3A_31, %dma_wait3A_199, %dma_wait3A_200] : memref<2x32x128xf32, #tpu.memory_space<vmem>> -> memref<1x32x128xf32, #tpu.memory_space<vmem>>
      %dma_wait3A_202 = tpu.memref_squeeze %dma_wait3A_201 : memref<1x32x128xf32, #tpu.memory_space<vmem>> -> memref<32x128xf32, #tpu.memory_space<vmem>>
      %dma_wait3A_203 = arith.constant 0 : i32
      %dma_wait3A_204 = tpu.memref_slice %arg14[%add3A_30, %dma_wait3A_203] : memref<10240x128xf32, #tpu.memory_space<vmem_shared>> -> memref<32x128xf32, #tpu.memory_space<vmem_shared>>
      %dma_wait3A_205 = arith.constant 0 : i32
      %dma_wait3A_206 = tpu.memref_slice %arg14[%add3A_30, %dma_wait3A_205] : memref<10240x128xf32, #tpu.memory_space<vmem_shared>> -> memref<32x128xf32, #tpu.memory_space<vmem_shared>>
      %dma_wait3A_207 = arith.constant 0 : i32
      %dma_wait3A_208 = arith.constant 0 : i32
      %dma_wait3A_209 = tpu.memref_slice %arg10[%run_scoped3A_31, %dma_wait3A_207, %dma_wait3A_208] : memref<2x32x128xf32, #tpu.memory_space<vmem>> -> memref<1x32x128xf32, #tpu.memory_space<vmem>>
      %dma_wait3A_210 = tpu.memref_squeeze %dma_wait3A_209 : memref<1x32x128xf32, #tpu.memory_space<vmem>> -> memref<32x128xf32, #tpu.memory_space<vmem>>
      tpu.wait_dma2 semaphore(%run_scoped3A_186 : memref<!tpu.dma_semaphore, #tpu.memory_space<semaphore_mem>>) src(%dma_wait3A_210 : memref<32x128xf32, #tpu.memory_space<vmem>>) dst(%dma_wait3A_206 : memref<32x128xf32, #tpu.memory_space<vmem_shared>>)
      tpu.yield
    }) : () -> ()
    %add3A_32 = arith.constant 224 : i32
    %add3A_33 = arith.addi %mul3A_11, %add3A_32 : i32
    %run_scoped3A_34 = arith.constant 0 : i32
    "tpu.region"() ({
      %run_scoped3A_186 = tpu.sem_alloc : memref<!tpu.dma_semaphore, #tpu.memory_space<semaphore_mem>>
      %dma_start3A_187 = arith.constant 0 : i32
      %dma_start3A_188 = arith.constant 0 : i32
      %dma_start3A_189 = tpu.memref_slice %arg10[%run_scoped3A_34, %dma_start3A_187, %dma_start3A_188] : memref<2x32x128xf32, #tpu.memory_space<vmem>> -> memref<1x32x128xf32, #tpu.memory_space<vmem>>
      %dma_start3A_190 = tpu.memref_squeeze %dma_start3A_189 : memref<1x32x128xf32, #tpu.memory_space<vmem>> -> memref<32x128xf32, #tpu.memory_space<vmem>>
      %dma_start3A_191 = arith.constant 0 : i32
      %dma_start3A_192 = tpu.memref_slice %arg14[%add3A_33, %dma_start3A_191] : memref<10240x128xf32, #tpu.memory_space<vmem_shared>> -> memref<32x128xf32, #tpu.memory_space<vmem_shared>>
      %dma_start3A_193 = arith.constant 0 : i32
      %dma_start3A_194 = tpu.memref_slice %arg14[%add3A_33, %dma_start3A_193] : memref<10240x128xf32, #tpu.memory_space<vmem_shared>> -> memref<32x128xf32, #tpu.memory_space<vmem_shared>>
      %dma_start3A_195 = arith.constant 0 : i32
      %dma_start3A_196 = arith.constant 0 : i32
      %dma_start3A_197 = tpu.memref_slice %arg10[%run_scoped3A_34, %dma_start3A_195, %dma_start3A_196] : memref<2x32x128xf32, #tpu.memory_space<vmem>> -> memref<1x32x128xf32, #tpu.memory_space<vmem>>
      %dma_start3A_198 = tpu.memref_squeeze %dma_start3A_197 : memref<1x32x128xf32, #tpu.memory_space<vmem>> -> memref<32x128xf32, #tpu.memory_space<vmem>>
      tpu.enqueue_dma source(%dma_start3A_198 : memref<32x128xf32, #tpu.memory_space<vmem>>) target(%dma_start3A_194 : memref<32x128xf32, #tpu.memory_space<vmem_shared>>) target_semaphore(%run_scoped3A_186 : memref<!tpu.dma_semaphore, #tpu.memory_space<semaphore_mem>>)
      %dma_wait3A_199 = arith.constant 0 : i32
      %dma_wait3A_200 = arith.constant 0 : i32
      %dma_wait3A_201 = tpu.memref_slice %arg10[%run_scoped3A_34, %dma_wait3A_199, %dma_wait3A_200] : memref<2x32x128xf32, #tpu.memory_space<vmem>> -> memref<1x32x128xf32, #tpu.memory_space<vmem>>
      %dma_wait3A_202 = tpu.memref_squeeze %dma_wait3A_201 : memref<1x32x128xf32, #tpu.memory_space<vmem>> -> memref<32x128xf32, #tpu.memory_space<vmem>>
      %dma_wait3A_203 = arith.constant 0 : i32
      %dma_wait3A_204 = tpu.memref_slice %arg14[%add3A_33, %dma_wait3A_203] : memref<10240x128xf32, #tpu.memory_space<vmem_shared>> -> memref<32x128xf32, #tpu.memory_space<vmem_shared>>
      %dma_wait3A_205 = arith.constant 0 : i32
      %dma_wait3A_206 = tpu.memref_slice %arg14[%add3A_33, %dma_wait3A_205] : memref<10240x128xf32, #tpu.memory_space<vmem_shared>> -> memref<32x128xf32, #tpu.memory_space<vmem_shared>>
      %dma_wait3A_207 = arith.constant 0 : i32
      %dma_wait3A_208 = arith.constant 0 : i32
      %dma_wait3A_209 = tpu.memref_slice %arg10[%run_scoped3A_34, %dma_wait3A_207, %dma_wait3A_208] : memref<2x32x128xf32, #tpu.memory_space<vmem>> -> memref<1x32x128xf32, #tpu.memory_space<vmem>>
      %dma_wait3A_210 = tpu.memref_squeeze %dma_wait3A_209 : memref<1x32x128xf32, #tpu.memory_space<vmem>> -> memref<32x128xf32, #tpu.memory_space<vmem>>
      tpu.wait_dma2 semaphore(%run_scoped3A_186 : memref<!tpu.dma_semaphore, #tpu.memory_space<semaphore_mem>>) src(%dma_wait3A_210 : memref<32x128xf32, #tpu.memory_space<vmem>>) dst(%dma_wait3A_206 : memref<32x128xf32, #tpu.memory_space<vmem_shared>>)
      tpu.yield
    }) : () -> ()
    %add3A_35 = arith.constant 256 : i32
    %add3A_36 = arith.addi %mul3A_11, %add3A_35 : i32
    %run_scoped3A_37 = arith.constant 0 : i32
    "tpu.region"() ({
      %run_scoped3A_186 = tpu.sem_alloc : memref<!tpu.dma_semaphore, #tpu.memory_space<semaphore_mem>>
      %dma_start3A_187 = arith.constant 0 : i32
      %dma_start3A_188 = arith.constant 0 : i32
      %dma_start3A_189 = tpu.memref_slice %arg10[%run_scoped3A_37, %dma_start3A_187, %dma_start3A_188] : memref<2x32x128xf32, #tpu.memory_space<vmem>> -> memref<1x32x128xf32, #tpu.memory_space<vmem>>
      %dma_start3A_190 = tpu.memref_squeeze %dma_start3A_189 : memref<1x32x128xf32, #tpu.memory_space<vmem>> -> memref<32x128xf32, #tpu.memory_space<vmem>>
      %dma_start3A_191 = arith.constant 0 : i32
      %dma_start3A_192 = tpu.memref_slice %arg14[%add3A_36, %dma_start3A_191] : memref<10240x128xf32, #tpu.memory_space<vmem_shared>> -> memref<32x128xf32, #tpu.memory_space<vmem_shared>>
      %dma_start3A_193 = arith.constant 0 : i32
      %dma_start3A_194 = tpu.memref_slice %arg14[%add3A_36, %dma_start3A_193] : memref<10240x128xf32, #tpu.memory_space<vmem_shared>> -> memref<32x128xf32, #tpu.memory_space<vmem_shared>>
      %dma_start3A_195 = arith.constant 0 : i32
      %dma_start3A_196 = arith.constant 0 : i32
      %dma_start3A_197 = tpu.memref_slice %arg10[%run_scoped3A_37, %dma_start3A_195, %dma_start3A_196] : memref<2x32x128xf32, #tpu.memory_space<vmem>> -> memref<1x32x128xf32, #tpu.memory_space<vmem>>
      %dma_start3A_198 = tpu.memref_squeeze %dma_start3A_197 : memref<1x32x128xf32, #tpu.memory_space<vmem>> -> memref<32x128xf32, #tpu.memory_space<vmem>>
      tpu.enqueue_dma source(%dma_start3A_198 : memref<32x128xf32, #tpu.memory_space<vmem>>) target(%dma_start3A_194 : memref<32x128xf32, #tpu.memory_space<vmem_shared>>) target_semaphore(%run_scoped3A_186 : memref<!tpu.dma_semaphore, #tpu.memory_space<semaphore_mem>>)
      %dma_wait3A_199 = arith.constant 0 : i32
      %dma_wait3A_200 = arith.constant 0 : i32
      %dma_wait3A_201 = tpu.memref_slice %arg10[%run_scoped3A_37, %dma_wait3A_199, %dma_wait3A_200] : memref<2x32x128xf32, #tpu.memory_space<vmem>> -> memref<1x32x128xf32, #tpu.memory_space<vmem>>
      %dma_wait3A_202 = tpu.memref_squeeze %dma_wait3A_201 : memref<1x32x128xf32, #tpu.memory_space<vmem>> -> memref<32x128xf32, #tpu.memory_space<vmem>>
      %dma_wait3A_203 = arith.constant 0 : i32
      %dma_wait3A_204 = tpu.memref_slice %arg14[%add3A_36, %dma_wait3A_203] : memref<10240x128xf32, #tpu.memory_space<vmem_shared>> -> memref<32x128xf32, #tpu.memory_space<vmem_shared>>
      %dma_wait3A_205 = arith.constant 0 : i32
      %dma_wait3A_206 = tpu.memref_slice %arg14[%add3A_36, %dma_wait3A_205] : memref<10240x128xf32, #tpu.memory_space<vmem_shared>> -> memref<32x128xf32, #tpu.memory_space<vmem_shared>>
      %dma_wait3A_207 = arith.constant 0 : i32
      %dma_wait3A_208 = arith.constant 0 : i32
      %dma_wait3A_209 = tpu.memref_slice %arg10[%run_scoped3A_37, %dma_wait3A_207, %dma_wait3A_208] : memref<2x32x128xf32, #tpu.memory_space<vmem>> -> memref<1x32x128xf32, #tpu.memory_space<vmem>>
      %dma_wait3A_210 = tpu.memref_squeeze %dma_wait3A_209 : memref<1x32x128xf32, #tpu.memory_space<vmem>> -> memref<32x128xf32, #tpu.memory_space<vmem>>
      tpu.wait_dma2 semaphore(%run_scoped3A_186 : memref<!tpu.dma_semaphore, #tpu.memory_space<semaphore_mem>>) src(%dma_wait3A_210 : memref<32x128xf32, #tpu.memory_space<vmem>>) dst(%dma_wait3A_206 : memref<32x128xf32, #tpu.memory_space<vmem_shared>>)
      tpu.yield
    }) : () -> ()
    %add3A_38 = arith.constant 288 : i32
    %add3A_39 = arith.addi %mul3A_11, %add3A_38 : i32
    %run_scoped3A_40 = arith.constant 0 : i32
    "tpu.region"() ({
      %run_scoped3A_186 = tpu.sem_alloc : memref<!tpu.dma_semaphore, #tpu.memory_space<semaphore_mem>>
      %dma_start3A_187 = arith.constant 0 : i32
      %dma_start3A_188 = arith.constant 0 : i32
      %dma_start3A_189 = tpu.memref_slice %arg10[%run_scoped3A_40, %dma_start3A_187, %dma_start3A_188] : memref<2x32x128xf32, #tpu.memory_space<vmem>> -> memref<1x32x128xf32, #tpu.memory_space<vmem>>
      %dma_start3A_190 = tpu.memref_squeeze %dma_start3A_189 : memref<1x32x128xf32, #tpu.memory_space<vmem>> -> memref<32x128xf32, #tpu.memory_space<vmem>>
      %dma_start3A_191 = arith.constant 0 : i32
      %dma_start3A_192 = tpu.memref_slice %arg14[%add3A_39, %dma_start3A_191] : memref<10240x128xf32, #tpu.memory_space<vmem_shared>> -> memref<32x128xf32, #tpu.memory_space<vmem_shared>>
      %dma_start3A_193 = arith.constant 0 : i32
      %dma_start3A_194 = tpu.memref_slice %arg14[%add3A_39, %dma_start3A_193] : memref<10240x128xf32, #tpu.memory_space<vmem_shared>> -> memref<32x128xf32, #tpu.memory_space<vmem_shared>>
      %dma_start3A_195 = arith.constant 0 : i32
      %dma_start3A_196 = arith.constant 0 : i32
      %dma_start3A_197 = tpu.memref_slice %arg10[%run_scoped3A_40, %dma_start3A_195, %dma_start3A_196] : memref<2x32x128xf32, #tpu.memory_space<vmem>> -> memref<1x32x128xf32, #tpu.memory_space<vmem>>
      %dma_start3A_198 = tpu.memref_squeeze %dma_start3A_197 : memref<1x32x128xf32, #tpu.memory_space<vmem>> -> memref<32x128xf32, #tpu.memory_space<vmem>>
      tpu.enqueue_dma source(%dma_start3A_198 : memref<32x128xf32, #tpu.memory_space<vmem>>) target(%dma_start3A_194 : memref<32x128xf32, #tpu.memory_space<vmem_shared>>) target_semaphore(%run_scoped3A_186 : memref<!tpu.dma_semaphore, #tpu.memory_space<semaphore_mem>>)
      %dma_wait3A_199 = arith.constant 0 : i32
      %dma_wait3A_200 = arith.constant 0 : i32
      %dma_wait3A_201 = tpu.memref_slice %arg10[%run_scoped3A_40, %dma_wait3A_199, %dma_wait3A_200] : memref<2x32x128xf32, #tpu.memory_space<vmem>> -> memref<1x32x128xf32, #tpu.memory_space<vmem>>
      %dma_wait3A_202 = tpu.memref_squeeze %dma_wait3A_201 : memref<1x32x128xf32, #tpu.memory_space<vmem>> -> memref<32x128xf32, #tpu.memory_space<vmem>>
      %dma_wait3A_203 = arith.constant 0 : i32
      %dma_wait3A_204 = tpu.memref_slice %arg14[%add3A_39, %dma_wait3A_203] : memref<10240x128xf32, #tpu.memory_space<vmem_shared>> -> memref<32x128xf32, #tpu.memory_space<vmem_shared>>
      %dma_wait3A_205 = arith.constant 0 : i32
      %dma_wait3A_206 = tpu.memref_slice %arg14[%add3A_39, %dma_wait3A_205] : memref<10240x128xf32, #tpu.memory_space<vmem_shared>> -> memref<32x128xf32, #tpu.memory_space<vmem_shared>>
      %dma_wait3A_207 = arith.constant 0 : i32
      %dma_wait3A_208 = arith.constant 0 : i32
      %dma_wait3A_209 = tpu.memref_slice %arg10[%run_scoped3A_40, %dma_wait3A_207, %dma_wait3A_208] : memref<2x32x128xf32, #tpu.memory_space<vmem>> -> memref<1x32x128xf32, #tpu.memory_space<vmem>>
      %dma_wait3A_210 = tpu.memref_squeeze %dma_wait3A_209 : memref<1x32x128xf32, #tpu.memory_space<vmem>> -> memref<32x128xf32, #tpu.memory_space<vmem>>
      tpu.wait_dma2 semaphore(%run_scoped3A_186 : memref<!tpu.dma_semaphore, #tpu.memory_space<semaphore_mem>>) src(%dma_wait3A_210 : memref<32x128xf32, #tpu.memory_space<vmem>>) dst(%dma_wait3A_206 : memref<32x128xf32, #tpu.memory_space<vmem_shared>>)
      tpu.yield
    }) : () -> ()
    %add3A_41 = arith.constant 320 : i32
    %add3A_42 = arith.addi %mul3A_11, %add3A_41 : i32
    %run_scoped3A_43 = arith.constant 0 : i32
    "tpu.region"() ({
      %run_scoped3A_186 = tpu.sem_alloc : memref<!tpu.dma_semaphore, #tpu.memory_space<semaphore_mem>>
      %dma_start3A_187 = arith.constant 0 : i32
      %dma_start3A_188 = arith.constant 0 : i32
      %dma_start3A_189 = tpu.memref_slice %arg10[%run_scoped3A_43, %dma_start3A_187, %dma_start3A_188] : memref<2x32x128xf32, #tpu.memory_space<vmem>> -> memref<1x32x128xf32, #tpu.memory_space<vmem>>
      %dma_start3A_190 = tpu.memref_squeeze %dma_start3A_189 : memref<1x32x128xf32, #tpu.memory_space<vmem>> -> memref<32x128xf32, #tpu.memory_space<vmem>>
      %dma_start3A_191 = arith.constant 0 : i32
      %dma_start3A_192 = tpu.memref_slice %arg14[%add3A_42, %dma_start3A_191] : memref<10240x128xf32, #tpu.memory_space<vmem_shared>> -> memref<32x128xf32, #tpu.memory_space<vmem_shared>>
      %dma_start3A_193 = arith.constant 0 : i32
      %dma_start3A_194 = tpu.memref_slice %arg14[%add3A_42, %dma_start3A_193] : memref<10240x128xf32, #tpu.memory_space<vmem_shared>> -> memref<32x128xf32, #tpu.memory_space<vmem_shared>>
      %dma_start3A_195 = arith.constant 0 : i32
      %dma_start3A_196 = arith.constant 0 : i32
      %dma_start3A_197 = tpu.memref_slice %arg10[%run_scoped3A_43, %dma_start3A_195, %dma_start3A_196] : memref<2x32x128xf32, #tpu.memory_space<vmem>> -> memref<1x32x128xf32, #tpu.memory_space<vmem>>
      %dma_start3A_198 = tpu.memref_squeeze %dma_start3A_197 : memref<1x32x128xf32, #tpu.memory_space<vmem>> -> memref<32x128xf32, #tpu.memory_space<vmem>>
      tpu.enqueue_dma source(%dma_start3A_198 : memref<32x128xf32, #tpu.memory_space<vmem>>) target(%dma_start3A_194 : memref<32x128xf32, #tpu.memory_space<vmem_shared>>) target_semaphore(%run_scoped3A_186 : memref<!tpu.dma_semaphore, #tpu.memory_space<semaphore_mem>>)
      %dma_wait3A_199 = arith.constant 0 : i32
      %dma_wait3A_200 = arith.constant 0 : i32
      %dma_wait3A_201 = tpu.memref_slice %arg10[%run_scoped3A_43, %dma_wait3A_199, %dma_wait3A_200] : memref<2x32x128xf32, #tpu.memory_space<vmem>> -> memref<1x32x128xf32, #tpu.memory_space<vmem>>
      %dma_wait3A_202 = tpu.memref_squeeze %dma_wait3A_201 : memref<1x32x128xf32, #tpu.memory_space<vmem>> -> memref<32x128xf32, #tpu.memory_space<vmem>>
      %dma_wait3A_203 = arith.constant 0 : i32
      %dma_wait3A_204 = tpu.memref_slice %arg14[%add3A_42, %dma_wait3A_203] : memref<10240x128xf32, #tpu.memory_space<vmem_shared>> -> memref<32x128xf32, #tpu.memory_space<vmem_shared>>
      %dma_wait3A_205 = arith.constant 0 : i32
      %dma_wait3A_206 = tpu.memref_slice %arg14[%add3A_42, %dma_wait3A_205] : memref<10240x128xf32, #tpu.memory_space<vmem_shared>> -> memref<32x128xf32, #tpu.memory_space<vmem_shared>>
      %dma_wait3A_207 = arith.constant 0 : i32
      %dma_wait3A_208 = arith.constant 0 : i32
      %dma_wait3A_209 = tpu.memref_slice %arg10[%run_scoped3A_43, %dma_wait3A_207, %dma_wait3A_208] : memref<2x32x128xf32, #tpu.memory_space<vmem>> -> memref<1x32x128xf32, #tpu.memory_space<vmem>>
      %dma_wait3A_210 = tpu.memref_squeeze %dma_wait3A_209 : memref<1x32x128xf32, #tpu.memory_space<vmem>> -> memref<32x128xf32, #tpu.memory_space<vmem>>
      tpu.wait_dma2 semaphore(%run_scoped3A_186 : memref<!tpu.dma_semaphore, #tpu.memory_space<semaphore_mem>>) src(%dma_wait3A_210 : memref<32x128xf32, #tpu.memory_space<vmem>>) dst(%dma_wait3A_206 : memref<32x128xf32, #tpu.memory_space<vmem_shared>>)
      tpu.yield
    }) : () -> ()
    %add3A_44 = arith.constant 352 : i32
    %add3A_45 = arith.addi %mul3A_11, %add3A_44 : i32
    %run_scoped3A_46 = arith.constant 0 : i32
    "tpu.region"() ({
      %run_scoped3A_186 = tpu.sem_alloc : memref<!tpu.dma_semaphore, #tpu.memory_space<semaphore_mem>>
      %dma_start3A_187 = arith.constant 0 : i32
      %dma_start3A_188 = arith.constant 0 : i32
      %dma_start3A_189 = tpu.memref_slice %arg10[%run_scoped3A_46, %dma_start3A_187, %dma_start3A_188] : memref<2x32x128xf32, #tpu.memory_space<vmem>> -> memref<1x32x128xf32, #tpu.memory_space<vmem>>
      %dma_start3A_190 = tpu.memref_squeeze %dma_start3A_189 : memref<1x32x128xf32, #tpu.memory_space<vmem>> -> memref<32x128xf32, #tpu.memory_space<vmem>>
      %dma_start3A_191 = arith.constant 0 : i32
      %dma_start3A_192 = tpu.memref_slice %arg14[%add3A_45, %dma_start3A_191] : memref<10240x128xf32, #tpu.memory_space<vmem_shared>> -> memref<32x128xf32, #tpu.memory_space<vmem_shared>>
      %dma_start3A_193 = arith.constant 0 : i32
      %dma_start3A_194 = tpu.memref_slice %arg14[%add3A_45, %dma_start3A_193] : memref<10240x128xf32, #tpu.memory_space<vmem_shared>> -> memref<32x128xf32, #tpu.memory_space<vmem_shared>>
      %dma_start3A_195 = arith.constant 0 : i32
      %dma_start3A_196 = arith.constant 0 : i32
      %dma_start3A_197 = tpu.memref_slice %arg10[%run_scoped3A_46, %dma_start3A_195, %dma_start3A_196] : memref<2x32x128xf32, #tpu.memory_space<vmem>> -> memref<1x32x128xf32, #tpu.memory_space<vmem>>
      %dma_start3A_198 = tpu.memref_squeeze %dma_start3A_197 : memref<1x32x128xf32, #tpu.memory_space<vmem>> -> memref<32x128xf32, #tpu.memory_space<vmem>>
      tpu.enqueue_dma source(%dma_start3A_198 : memref<32x128xf32, #tpu.memory_space<vmem>>) target(%dma_start3A_194 : memref<32x128xf32, #tpu.memory_space<vmem_shared>>) target_semaphore(%run_scoped3A_186 : memref<!tpu.dma_semaphore, #tpu.memory_space<semaphore_mem>>)
      %dma_wait3A_199 = arith.constant 0 : i32
      %dma_wait3A_200 = arith.constant 0 : i32
      %dma_wait3A_201 = tpu.memref_slice %arg10[%run_scoped3A_46, %dma_wait3A_199, %dma_wait3A_200] : memref<2x32x128xf32, #tpu.memory_space<vmem>> -> memref<1x32x128xf32, #tpu.memory_space<vmem>>
      %dma_wait3A_202 = tpu.memref_squeeze %dma_wait3A_201 : memref<1x32x128xf32, #tpu.memory_space<vmem>> -> memref<32x128xf32, #tpu.memory_space<vmem>>
      %dma_wait3A_203 = arith.constant 0 : i32
      %dma_wait3A_204 = tpu.memref_slice %arg14[%add3A_45, %dma_wait3A_203] : memref<10240x128xf32, #tpu.memory_space<vmem_shared>> -> memref<32x128xf32, #tpu.memory_space<vmem_shared>>
      %dma_wait3A_205 = arith.constant 0 : i32
      %dma_wait3A_206 = tpu.memref_slice %arg14[%add3A_45, %dma_wait3A_205] : memref<10240x128xf32, #tpu.memory_space<vmem_shared>> -> memref<32x128xf32, #tpu.memory_space<vmem_shared>>
      %dma_wait3A_207 = arith.constant 0 : i32
      %dma_wait3A_208 = arith.constant 0 : i32
      %dma_wait3A_209 = tpu.memref_slice %arg10[%run_scoped3A_46, %dma_wait3A_207, %dma_wait3A_208] : memref<2x32x128xf32, #tpu.memory_space<vmem>> -> memref<1x32x128xf32, #tpu.memory_space<vmem>>
      %dma_wait3A_210 = tpu.memref_squeeze %dma_wait3A_209 : memref<1x32x128xf32, #tpu.memory_space<vmem>> -> memref<32x128xf32, #tpu.memory_space<vmem>>
      tpu.wait_dma2 semaphore(%run_scoped3A_186 : memref<!tpu.dma_semaphore, #tpu.memory_space<semaphore_mem>>) src(%dma_wait3A_210 : memref<32x128xf32, #tpu.memory_space<vmem>>) dst(%dma_wait3A_206 : memref<32x128xf32, #tpu.memory_space<vmem_shared>>)
      tpu.yield
    }) : () -> ()
    %add3A_47 = arith.constant 384 : i32
    %add3A_48 = arith.addi %mul3A_11, %add3A_47 : i32
    %run_scoped3A_49 = arith.constant 0 : i32
    "tpu.region"() ({
      %run_scoped3A_186 = tpu.sem_alloc : memref<!tpu.dma_semaphore, #tpu.memory_space<semaphore_mem>>
      %dma_start3A_187 = arith.constant 0 : i32
      %dma_start3A_188 = arith.constant 0 : i32
      %dma_start3A_189 = tpu.memref_slice %arg10[%run_scoped3A_49, %dma_start3A_187, %dma_start3A_188] : memref<2x32x128xf32, #tpu.memory_space<vmem>> -> memref<1x32x128xf32, #tpu.memory_space<vmem>>
      %dma_start3A_190 = tpu.memref_squeeze %dma_start3A_189 : memref<1x32x128xf32, #tpu.memory_space<vmem>> -> memref<32x128xf32, #tpu.memory_space<vmem>>
      %dma_start3A_191 = arith.constant 0 : i32
      %dma_start3A_192 = tpu.memref_slice %arg14[%add3A_48, %dma_start3A_191] : memref<10240x128xf32, #tpu.memory_space<vmem_shared>> -> memref<32x128xf32, #tpu.memory_space<vmem_shared>>
      %dma_start3A_193 = arith.constant 0 : i32
      %dma_start3A_194 = tpu.memref_slice %arg14[%add3A_48, %dma_start3A_193] : memref<10240x128xf32, #tpu.memory_space<vmem_shared>> -> memref<32x128xf32, #tpu.memory_space<vmem_shared>>
      %dma_start3A_195 = arith.constant 0 : i32
      %dma_start3A_196 = arith.constant 0 : i32
      %dma_start3A_197 = tpu.memref_slice %arg10[%run_scoped3A_49, %dma_start3A_195, %dma_start3A_196] : memref<2x32x128xf32, #tpu.memory_space<vmem>> -> memref<1x32x128xf32, #tpu.memory_space<vmem>>
      %dma_start3A_198 = tpu.memref_squeeze %dma_start3A_197 : memref<1x32x128xf32, #tpu.memory_space<vmem>> -> memref<32x128xf32, #tpu.memory_space<vmem>>
      tpu.enqueue_dma source(%dma_start3A_198 : memref<32x128xf32, #tpu.memory_space<vmem>>) target(%dma_start3A_194 : memref<32x128xf32, #tpu.memory_space<vmem_shared>>) target_semaphore(%run_scoped3A_186 : memref<!tpu.dma_semaphore, #tpu.memory_space<semaphore_mem>>)
      %dma_wait3A_199 = arith.constant 0 : i32
      %dma_wait3A_200 = arith.constant 0 : i32
      %dma_wait3A_201 = tpu.memref_slice %arg10[%run_scoped3A_49, %dma_wait3A_199, %dma_wait3A_200] : memref<2x32x128xf32, #tpu.memory_space<vmem>> -> memref<1x32x128xf32, #tpu.memory_space<vmem>>
      %dma_wait3A_202 = tpu.memref_squeeze %dma_wait3A_201 : memref<1x32x128xf32, #tpu.memory_space<vmem>> -> memref<32x128xf32, #tpu.memory_space<vmem>>
      %dma_wait3A_203 = arith.constant 0 : i32
      %dma_wait3A_204 = tpu.memref_slice %arg14[%add3A_48, %dma_wait3A_203] : memref<10240x128xf32, #tpu.memory_space<vmem_shared>> -> memref<32x128xf32, #tpu.memory_space<vmem_shared>>
      %dma_wait3A_205 = arith.constant 0 : i32
      %dma_wait3A_206 = tpu.memref_slice %arg14[%add3A_48, %dma_wait3A_205] : memref<10240x128xf32, #tpu.memory_space<vmem_shared>> -> memref<32x128xf32, #tpu.memory_space<vmem_shared>>
      %dma_wait3A_207 = arith.constant 0 : i32
      %dma_wait3A_208 = arith.constant 0 : i32
      %dma_wait3A_209 = tpu.memref_slice %arg10[%run_scoped3A_49, %dma_wait3A_207, %dma_wait3A_208] : memref<2x32x128xf32, #tpu.memory_space<vmem>> -> memref<1x32x128xf32, #tpu.memory_space<vmem>>
      %dma_wait3A_210 = tpu.memref_squeeze %dma_wait3A_209 : memref<1x32x128xf32, #tpu.memory_space<vmem>> -> memref<32x128xf32, #tpu.memory_space<vmem>>
      tpu.wait_dma2 semaphore(%run_scoped3A_186 : memref<!tpu.dma_semaphore, #tpu.memory_space<semaphore_mem>>) src(%dma_wait3A_210 : memref<32x128xf32, #tpu.memory_space<vmem>>) dst(%dma_wait3A_206 : memref<32x128xf32, #tpu.memory_space<vmem_shared>>)
      tpu.yield
    }) : () -> ()
    %add3A_50 = arith.constant 416 : i32
    %add3A_51 = arith.addi %mul3A_11, %add3A_50 : i32
    %run_scoped3A_52 = arith.constant 0 : i32
    "tpu.region"() ({
      %run_scoped3A_186 = tpu.sem_alloc : memref<!tpu.dma_semaphore, #tpu.memory_space<semaphore_mem>>
      %dma_start3A_187 = arith.constant 0 : i32
      %dma_start3A_188 = arith.constant 0 : i32
      %dma_start3A_189 = tpu.memref_slice %arg10[%run_scoped3A_52, %dma_start3A_187, %dma_start3A_188] : memref<2x32x128xf32, #tpu.memory_space<vmem>> -> memref<1x32x128xf32, #tpu.memory_space<vmem>>
      %dma_start3A_190 = tpu.memref_squeeze %dma_start3A_189 : memref<1x32x128xf32, #tpu.memory_space<vmem>> -> memref<32x128xf32, #tpu.memory_space<vmem>>
      %dma_start3A_191 = arith.constant 0 : i32
      %dma_start3A_192 = tpu.memref_slice %arg14[%add3A_51, %dma_start3A_191] : memref<10240x128xf32, #tpu.memory_space<vmem_shared>> -> memref<32x128xf32, #tpu.memory_space<vmem_shared>>
      %dma_start3A_193 = arith.constant 0 : i32
      %dma_start3A_194 = tpu.memref_slice %arg14[%add3A_51, %dma_start3A_193] : memref<10240x128xf32, #tpu.memory_space<vmem_shared>> -> memref<32x128xf32, #tpu.memory_space<vmem_shared>>
      %dma_start3A_195 = arith.constant 0 : i32
      %dma_start3A_196 = arith.constant 0 : i32
      %dma_start3A_197 = tpu.memref_slice %arg10[%run_scoped3A_52, %dma_start3A_195, %dma_start3A_196] : memref<2x32x128xf32, #tpu.memory_space<vmem>> -> memref<1x32x128xf32, #tpu.memory_space<vmem>>
      %dma_start3A_198 = tpu.memref_squeeze %dma_start3A_197 : memref<1x32x128xf32, #tpu.memory_space<vmem>> -> memref<32x128xf32, #tpu.memory_space<vmem>>
      tpu.enqueue_dma source(%dma_start3A_198 : memref<32x128xf32, #tpu.memory_space<vmem>>) target(%dma_start3A_194 : memref<32x128xf32, #tpu.memory_space<vmem_shared>>) target_semaphore(%run_scoped3A_186 : memref<!tpu.dma_semaphore, #tpu.memory_space<semaphore_mem>>)
      %dma_wait3A_199 = arith.constant 0 : i32
      %dma_wait3A_200 = arith.constant 0 : i32
      %dma_wait3A_201 = tpu.memref_slice %arg10[%run_scoped3A_52, %dma_wait3A_199, %dma_wait3A_200] : memref<2x32x128xf32, #tpu.memory_space<vmem>> -> memref<1x32x128xf32, #tpu.memory_space<vmem>>
      %dma_wait3A_202 = tpu.memref_squeeze %dma_wait3A_201 : memref<1x32x128xf32, #tpu.memory_space<vmem>> -> memref<32x128xf32, #tpu.memory_space<vmem>>
      %dma_wait3A_203 = arith.constant 0 : i32
      %dma_wait3A_204 = tpu.memref_slice %arg14[%add3A_51, %dma_wait3A_203] : memref<10240x128xf32, #tpu.memory_space<vmem_shared>> -> memref<32x128xf32, #tpu.memory_space<vmem_shared>>
      %dma_wait3A_205 = arith.constant 0 : i32
      %dma_wait3A_206 = tpu.memref_slice %arg14[%add3A_51, %dma_wait3A_205] : memref<10240x128xf32, #tpu.memory_space<vmem_shared>> -> memref<32x128xf32, #tpu.memory_space<vmem_shared>>
      %dma_wait3A_207 = arith.constant 0 : i32
      %dma_wait3A_208 = arith.constant 0 : i32
      %dma_wait3A_209 = tpu.memref_slice %arg10[%run_scoped3A_52, %dma_wait3A_207, %dma_wait3A_208] : memref<2x32x128xf32, #tpu.memory_space<vmem>> -> memref<1x32x128xf32, #tpu.memory_space<vmem>>
      %dma_wait3A_210 = tpu.memref_squeeze %dma_wait3A_209 : memref<1x32x128xf32, #tpu.memory_space<vmem>> -> memref<32x128xf32, #tpu.memory_space<vmem>>
      tpu.wait_dma2 semaphore(%run_scoped3A_186 : memref<!tpu.dma_semaphore, #tpu.memory_space<semaphore_mem>>) src(%dma_wait3A_210 : memref<32x128xf32, #tpu.memory_space<vmem>>) dst(%dma_wait3A_206 : memref<32x128xf32, #tpu.memory_space<vmem_shared>>)
      tpu.yield
    }) : () -> ()
    %add3A_53 = arith.constant 448 : i32
    %add3A_54 = arith.addi %mul3A_11, %add3A_53 : i32
    %run_scoped3A_55 = arith.constant 0 : i32
    "tpu.region"() ({
      %run_scoped3A_186 = tpu.sem_alloc : memref<!tpu.dma_semaphore, #tpu.memory_space<semaphore_mem>>
      %dma_start3A_187 = arith.constant 0 : i32
      %dma_start3A_188 = arith.constant 0 : i32
      %dma_start3A_189 = tpu.memref_slice %arg10[%run_scoped3A_55, %dma_start3A_187, %dma_start3A_188] : memref<2x32x128xf32, #tpu.memory_space<vmem>> -> memref<1x32x128xf32, #tpu.memory_space<vmem>>
      %dma_start3A_190 = tpu.memref_squeeze %dma_start3A_189 : memref<1x32x128xf32, #tpu.memory_space<vmem>> -> memref<32x128xf32, #tpu.memory_space<vmem>>
      %dma_start3A_191 = arith.constant 0 : i32
      %dma_start3A_192 = tpu.memref_slice %arg14[%add3A_54, %dma_start3A_191] : memref<10240x128xf32, #tpu.memory_space<vmem_shared>> -> memref<32x128xf32, #tpu.memory_space<vmem_shared>>
      %dma_start3A_193 = arith.constant 0 : i32
      %dma_start3A_194 = tpu.memref_slice %arg14[%add3A_54, %dma_start3A_193] : memref<10240x128xf32, #tpu.memory_space<vmem_shared>> -> memref<32x128xf32, #tpu.memory_space<vmem_shared>>
      %dma_start3A_195 = arith.constant 0 : i32
      %dma_start3A_196 = arith.constant 0 : i32
      %dma_start3A_197 = tpu.memref_slice %arg10[%run_scoped3A_55, %dma_start3A_195, %dma_start3A_196] : memref<2x32x128xf32, #tpu.memory_space<vmem>> -> memref<1x32x128xf32, #tpu.memory_space<vmem>>
      %dma_start3A_198 = tpu.memref_squeeze %dma_start3A_197 : memref<1x32x128xf32, #tpu.memory_space<vmem>> -> memref<32x128xf32, #tpu.memory_space<vmem>>
      tpu.enqueue_dma source(%dma_start3A_198 : memref<32x128xf32, #tpu.memory_space<vmem>>) target(%dma_start3A_194 : memref<32x128xf32, #tpu.memory_space<vmem_shared>>) target_semaphore(%run_scoped3A_186 : memref<!tpu.dma_semaphore, #tpu.memory_space<semaphore_mem>>)
      %dma_wait3A_199 = arith.constant 0 : i32
      %dma_wait3A_200 = arith.constant 0 : i32
      %dma_wait3A_201 = tpu.memref_slice %arg10[%run_scoped3A_55, %dma_wait3A_199, %dma_wait3A_200] : memref<2x32x128xf32, #tpu.memory_space<vmem>> -> memref<1x32x128xf32, #tpu.memory_space<vmem>>
      %dma_wait3A_202 = tpu.memref_squeeze %dma_wait3A_201 : memref<1x32x128xf32, #tpu.memory_space<vmem>> -> memref<32x128xf32, #tpu.memory_space<vmem>>
      %dma_wait3A_203 = arith.constant 0 : i32
      %dma_wait3A_204 = tpu.memref_slice %arg14[%add3A_54, %dma_wait3A_203] : memref<10240x128xf32, #tpu.memory_space<vmem_shared>> -> memref<32x128xf32, #tpu.memory_space<vmem_shared>>
      %dma_wait3A_205 = arith.constant 0 : i32
      %dma_wait3A_206 = tpu.memref_slice %arg14[%add3A_54, %dma_wait3A_205] : memref<10240x128xf32, #tpu.memory_space<vmem_shared>> -> memref<32x128xf32, #tpu.memory_space<vmem_shared>>
      %dma_wait3A_207 = arith.constant 0 : i32
      %dma_wait3A_208 = arith.constant 0 : i32
      %dma_wait3A_209 = tpu.memref_slice %arg10[%run_scoped3A_55, %dma_wait3A_207, %dma_wait3A_208] : memref<2x32x128xf32, #tpu.memory_space<vmem>> -> memref<1x32x128xf32, #tpu.memory_space<vmem>>
      %dma_wait3A_210 = tpu.memref_squeeze %dma_wait3A_209 : memref<1x32x128xf32, #tpu.memory_space<vmem>> -> memref<32x128xf32, #tpu.memory_space<vmem>>
      tpu.wait_dma2 semaphore(%run_scoped3A_186 : memref<!tpu.dma_semaphore, #tpu.memory_space<semaphore_mem>>) src(%dma_wait3A_210 : memref<32x128xf32, #tpu.memory_space<vmem>>) dst(%dma_wait3A_206 : memref<32x128xf32, #tpu.memory_space<vmem_shared>>)
      tpu.yield
    }) : () -> ()
    %add3A_56 = arith.constant 480 : i32
    %add3A_57 = arith.addi %mul3A_11, %add3A_56 : i32
    %run_scoped3A_58 = arith.constant 0 : i32
    "tpu.region"() ({
      %run_scoped3A_186 = tpu.sem_alloc : memref<!tpu.dma_semaphore, #tpu.memory_space<semaphore_mem>>
      %dma_start3A_187 = arith.constant 0 : i32
      %dma_start3A_188 = arith.constant 0 : i32
      %dma_start3A_189 = tpu.memref_slice %arg10[%run_scoped3A_58, %dma_start3A_187, %dma_start3A_188] : memref<2x32x128xf32, #tpu.memory_space<vmem>> -> memref<1x32x128xf32, #tpu.memory_space<vmem>>
      %dma_start3A_190 = tpu.memref_squeeze %dma_start3A_189 : memref<1x32x128xf32, #tpu.memory_space<vmem>> -> memref<32x128xf32, #tpu.memory_space<vmem>>
      %dma_start3A_191 = arith.constant 0 : i32
      %dma_start3A_192 = tpu.memref_slice %arg14[%add3A_57, %dma_start3A_191] : memref<10240x128xf32, #tpu.memory_space<vmem_shared>> -> memref<32x128xf32, #tpu.memory_space<vmem_shared>>
      %dma_start3A_193 = arith.constant 0 : i32
      %dma_start3A_194 = tpu.memref_slice %arg14[%add3A_57, %dma_start3A_193] : memref<10240x128xf32, #tpu.memory_space<vmem_shared>> -> memref<32x128xf32, #tpu.memory_space<vmem_shared>>
      %dma_start3A_195 = arith.constant 0 : i32
      %dma_start3A_196 = arith.constant 0 : i32
      %dma_start3A_197 = tpu.memref_slice %arg10[%run_scoped3A_58, %dma_start3A_195, %dma_start3A_196] : memref<2x32x128xf32, #tpu.memory_space<vmem>> -> memref<1x32x128xf32, #tpu.memory_space<vmem>>
      %dma_start3A_198 = tpu.memref_squeeze %dma_start3A_197 : memref<1x32x128xf32, #tpu.memory_space<vmem>> -> memref<32x128xf32, #tpu.memory_space<vmem>>
      tpu.enqueue_dma source(%dma_start3A_198 : memref<32x128xf32, #tpu.memory_space<vmem>>) target(%dma_start3A_194 : memref<32x128xf32, #tpu.memory_space<vmem_shared>>) target_semaphore(%run_scoped3A_186 : memref<!tpu.dma_semaphore, #tpu.memory_space<semaphore_mem>>)
      %dma_wait3A_199 = arith.constant 0 : i32
      %dma_wait3A_200 = arith.constant 0 : i32
      %dma_wait3A_201 = tpu.memref_slice %arg10[%run_scoped3A_58, %dma_wait3A_199, %dma_wait3A_200] : memref<2x32x128xf32, #tpu.memory_space<vmem>> -> memref<1x32x128xf32, #tpu.memory_space<vmem>>
      %dma_wait3A_202 = tpu.memref_squeeze %dma_wait3A_201 : memref<1x32x128xf32, #tpu.memory_space<vmem>> -> memref<32x128xf32, #tpu.memory_space<vmem>>
      %dma_wait3A_203 = arith.constant 0 : i32
      %dma_wait3A_204 = tpu.memref_slice %arg14[%add3A_57, %dma_wait3A_203] : memref<10240x128xf32, #tpu.memory_space<vmem_shared>> -> memref<32x128xf32, #tpu.memory_space<vmem_shared>>
      %dma_wait3A_205 = arith.constant 0 : i32
      %dma_wait3A_206 = tpu.memref_slice %arg14[%add3A_57, %dma_wait3A_205] : memref<10240x128xf32, #tpu.memory_space<vmem_shared>> -> memref<32x128xf32, #tpu.memory_space<vmem_shared>>
      %dma_wait3A_207 = arith.constant 0 : i32
      %dma_wait3A_208 = arith.constant 0 : i32
      %dma_wait3A_209 = tpu.memref_slice %arg10[%run_scoped3A_58, %dma_wait3A_207, %dma_wait3A_208] : memref<2x32x128xf32, #tpu.memory_space<vmem>> -> memref<1x32x128xf32, #tpu.memory_space<vmem>>
      %dma_wait3A_210 = tpu.memref_squeeze %dma_wait3A_209 : memref<1x32x128xf32, #tpu.memory_space<vmem>> -> memref<32x128xf32, #tpu.memory_space<vmem>>
      tpu.wait_dma2 semaphore(%run_scoped3A_186 : memref<!tpu.dma_semaphore, #tpu.memory_space<semaphore_mem>>) src(%dma_wait3A_210 : memref<32x128xf32, #tpu.memory_space<vmem>>) dst(%dma_wait3A_206 : memref<32x128xf32, #tpu.memory_space<vmem_shared>>)
      tpu.yield
    }) : () -> ()
    %add3A_59 = arith.constant 512 : i32
    %add3A_60 = arith.addi %mul3A_11, %add3A_59 : i32
    %run_scoped3A_61 = arith.constant 0 : i32
    "tpu.region"() ({
      %run_scoped3A_186 = tpu.sem_alloc : memref<!tpu.dma_semaphore, #tpu.memory_space<semaphore_mem>>
      %dma_start3A_187 = arith.constant 0 : i32
      %dma_start3A_188 = arith.constant 0 : i32
      %dma_start3A_189 = tpu.memref_slice %arg10[%run_scoped3A_61, %dma_start3A_187, %dma_start3A_188] : memref<2x32x128xf32, #tpu.memory_space<vmem>> -> memref<1x32x128xf32, #tpu.memory_space<vmem>>
      %dma_start3A_190 = tpu.memref_squeeze %dma_start3A_189 : memref<1x32x128xf32, #tpu.memory_space<vmem>> -> memref<32x128xf32, #tpu.memory_space<vmem>>
      %dma_start3A_191 = arith.constant 0 : i32
      %dma_start3A_192 = tpu.memref_slice %arg14[%add3A_60, %dma_start3A_191] : memref<10240x128xf32, #tpu.memory_space<vmem_shared>> -> memref<32x128xf32, #tpu.memory_space<vmem_shared>>
      %dma_start3A_193 = arith.constant 0 : i32
      %dma_start3A_194 = tpu.memref_slice %arg14[%add3A_60, %dma_start3A_193] : memref<10240x128xf32, #tpu.memory_space<vmem_shared>> -> memref<32x128xf32, #tpu.memory_space<vmem_shared>>
      %dma_start3A_195 = arith.constant 0 : i32
      %dma_start3A_196 = arith.constant 0 : i32
      %dma_start3A_197 = tpu.memref_slice %arg10[%run_scoped3A_61, %dma_start3A_195, %dma_start3A_196] : memref<2x32x128xf32, #tpu.memory_space<vmem>> -> memref<1x32x128xf32, #tpu.memory_space<vmem>>
      %dma_start3A_198 = tpu.memref_squeeze %dma_start3A_197 : memref<1x32x128xf32, #tpu.memory_space<vmem>> -> memref<32x128xf32, #tpu.memory_space<vmem>>
      tpu.enqueue_dma source(%dma_start3A_198 : memref<32x128xf32, #tpu.memory_space<vmem>>) target(%dma_start3A_194 : memref<32x128xf32, #tpu.memory_space<vmem_shared>>) target_semaphore(%run_scoped3A_186 : memref<!tpu.dma_semaphore, #tpu.memory_space<semaphore_mem>>)
      %dma_wait3A_199 = arith.constant 0 : i32
      %dma_wait3A_200 = arith.constant 0 : i32
      %dma_wait3A_201 = tpu.memref_slice %arg10[%run_scoped3A_61, %dma_wait3A_199, %dma_wait3A_200] : memref<2x32x128xf32, #tpu.memory_space<vmem>> -> memref<1x32x128xf32, #tpu.memory_space<vmem>>
      %dma_wait3A_202 = tpu.memref_squeeze %dma_wait3A_201 : memref<1x32x128xf32, #tpu.memory_space<vmem>> -> memref<32x128xf32, #tpu.memory_space<vmem>>
      %dma_wait3A_203 = arith.constant 0 : i32
      %dma_wait3A_204 = tpu.memref_slice %arg14[%add3A_60, %dma_wait3A_203] : memref<10240x128xf32, #tpu.memory_space<vmem_shared>> -> memref<32x128xf32, #tpu.memory_space<vmem_shared>>
      %dma_wait3A_205 = arith.constant 0 : i32
      %dma_wait3A_206 = tpu.memref_slice %arg14[%add3A_60, %dma_wait3A_205] : memref<10240x128xf32, #tpu.memory_space<vmem_shared>> -> memref<32x128xf32, #tpu.memory_space<vmem_shared>>
      %dma_wait3A_207 = arith.constant 0 : i32
      %dma_wait3A_208 = arith.constant 0 : i32
      %dma_wait3A_209 = tpu.memref_slice %arg10[%run_scoped3A_61, %dma_wait3A_207, %dma_wait3A_208] : memref<2x32x128xf32, #tpu.memory_space<vmem>> -> memref<1x32x128xf32, #tpu.memory_space<vmem>>
      %dma_wait3A_210 = tpu.memref_squeeze %dma_wait3A_209 : memref<1x32x128xf32, #tpu.memory_space<vmem>> -> memref<32x128xf32, #tpu.memory_space<vmem>>
      tpu.wait_dma2 semaphore(%run_scoped3A_186 : memref<!tpu.dma_semaphore, #tpu.memory_space<semaphore_mem>>) src(%dma_wait3A_210 : memref<32x128xf32, #tpu.memory_space<vmem>>) dst(%dma_wait3A_206 : memref<32x128xf32, #tpu.memory_space<vmem_shared>>)
      tpu.yield
    }) : () -> ()
    %add3A_62 = arith.constant 544 : i32
    %add3A_63 = arith.addi %mul3A_11, %add3A_62 : i32
    %run_scoped3A_64 = arith.constant 0 : i32
    "tpu.region"() ({
      %run_scoped3A_186 = tpu.sem_alloc : memref<!tpu.dma_semaphore, #tpu.memory_space<semaphore_mem>>
      %dma_start3A_187 = arith.constant 0 : i32
      %dma_start3A_188 = arith.constant 0 : i32
      %dma_start3A_189 = tpu.memref_slice %arg10[%run_scoped3A_64, %dma_start3A_187, %dma_start3A_188] : memref<2x32x128xf32, #tpu.memory_space<vmem>> -> memref<1x32x128xf32, #tpu.memory_space<vmem>>
      %dma_start3A_190 = tpu.memref_squeeze %dma_start3A_189 : memref<1x32x128xf32, #tpu.memory_space<vmem>> -> memref<32x128xf32, #tpu.memory_space<vmem>>
      %dma_start3A_191 = arith.constant 0 : i32
      %dma_start3A_192 = tpu.memref_slice %arg14[%add3A_63, %dma_start3A_191] : memref<10240x128xf32, #tpu.memory_space<vmem_shared>> -> memref<32x128xf32, #tpu.memory_space<vmem_shared>>
      %dma_start3A_193 = arith.constant 0 : i32
      %dma_start3A_194 = tpu.memref_slice %arg14[%add3A_63, %dma_start3A_193] : memref<10240x128xf32, #tpu.memory_space<vmem_shared>> -> memref<32x128xf32, #tpu.memory_space<vmem_shared>>
      %dma_start3A_195 = arith.constant 0 : i32
      %dma_start3A_196 = arith.constant 0 : i32
      %dma_start3A_197 = tpu.memref_slice %arg10[%run_scoped3A_64, %dma_start3A_195, %dma_start3A_196] : memref<2x32x128xf32, #tpu.memory_space<vmem>> -> memref<1x32x128xf32, #tpu.memory_space<vmem>>
      %dma_start3A_198 = tpu.memref_squeeze %dma_start3A_197 : memref<1x32x128xf32, #tpu.memory_space<vmem>> -> memref<32x128xf32, #tpu.memory_space<vmem>>
      tpu.enqueue_dma source(%dma_start3A_198 : memref<32x128xf32, #tpu.memory_space<vmem>>) target(%dma_start3A_194 : memref<32x128xf32, #tpu.memory_space<vmem_shared>>) target_semaphore(%run_scoped3A_186 : memref<!tpu.dma_semaphore, #tpu.memory_space<semaphore_mem>>)
      %dma_wait3A_199 = arith.constant 0 : i32
      %dma_wait3A_200 = arith.constant 0 : i32
      %dma_wait3A_201 = tpu.memref_slice %arg10[%run_scoped3A_64, %dma_wait3A_199, %dma_wait3A_200] : memref<2x32x128xf32, #tpu.memory_space<vmem>> -> memref<1x32x128xf32, #tpu.memory_space<vmem>>
      %dma_wait3A_202 = tpu.memref_squeeze %dma_wait3A_201 : memref<1x32x128xf32, #tpu.memory_space<vmem>> -> memref<32x128xf32, #tpu.memory_space<vmem>>
      %dma_wait3A_203 = arith.constant 0 : i32
      %dma_wait3A_204 = tpu.memref_slice %arg14[%add3A_63, %dma_wait3A_203] : memref<10240x128xf32, #tpu.memory_space<vmem_shared>> -> memref<32x128xf32, #tpu.memory_space<vmem_shared>>
      %dma_wait3A_205 = arith.constant 0 : i32
      %dma_wait3A_206 = tpu.memref_slice %arg14[%add3A_63, %dma_wait3A_205] : memref<10240x128xf32, #tpu.memory_space<vmem_shared>> -> memref<32x128xf32, #tpu.memory_space<vmem_shared>>
      %dma_wait3A_207 = arith.constant 0 : i32
      %dma_wait3A_208 = arith.constant 0 : i32
      %dma_wait3A_209 = tpu.memref_slice %arg10[%run_scoped3A_64, %dma_wait3A_207, %dma_wait3A_208] : memref<2x32x128xf32, #tpu.memory_space<vmem>> -> memref<1x32x128xf32, #tpu.memory_space<vmem>>
      %dma_wait3A_210 = tpu.memref_squeeze %dma_wait3A_209 : memref<1x32x128xf32, #tpu.memory_space<vmem>> -> memref<32x128xf32, #tpu.memory_space<vmem>>
      tpu.wait_dma2 semaphore(%run_scoped3A_186 : memref<!tpu.dma_semaphore, #tpu.memory_space<semaphore_mem>>) src(%dma_wait3A_210 : memref<32x128xf32, #tpu.memory_space<vmem>>) dst(%dma_wait3A_206 : memref<32x128xf32, #tpu.memory_space<vmem_shared>>)
      tpu.yield
    }) : () -> ()
    %add3A_65 = arith.constant 576 : i32
    %add3A_66 = arith.addi %mul3A_11, %add3A_65 : i32
    %run_scoped3A_67 = arith.constant 0 : i32
    "tpu.region"() ({
      %run_scoped3A_186 = tpu.sem_alloc : memref<!tpu.dma_semaphore, #tpu.memory_space<semaphore_mem>>
      %dma_start3A_187 = arith.constant 0 : i32
      %dma_start3A_188 = arith.constant 0 : i32
      %dma_start3A_189 = tpu.memref_slice %arg10[%run_scoped3A_67, %dma_start3A_187, %dma_start3A_188] : memref<2x32x128xf32, #tpu.memory_space<vmem>> -> memref<1x32x128xf32, #tpu.memory_space<vmem>>
      %dma_start3A_190 = tpu.memref_squeeze %dma_start3A_189 : memref<1x32x128xf32, #tpu.memory_space<vmem>> -> memref<32x128xf32, #tpu.memory_space<vmem>>
      %dma_start3A_191 = arith.constant 0 : i32
      %dma_start3A_192 = tpu.memref_slice %arg14[%add3A_66, %dma_start3A_191] : memref<10240x128xf32, #tpu.memory_space<vmem_shared>> -> memref<32x128xf32, #tpu.memory_space<vmem_shared>>
      %dma_start3A_193 = arith.constant 0 : i32
      %dma_start3A_194 = tpu.memref_slice %arg14[%add3A_66, %dma_start3A_193] : memref<10240x128xf32, #tpu.memory_space<vmem_shared>> -> memref<32x128xf32, #tpu.memory_space<vmem_shared>>
      %dma_start3A_195 = arith.constant 0 : i32
      %dma_start3A_196 = arith.constant 0 : i32
      %dma_start3A_197 = tpu.memref_slice %arg10[%run_scoped3A_67, %dma_start3A_195, %dma_start3A_196] : memref<2x32x128xf32, #tpu.memory_space<vmem>> -> memref<1x32x128xf32, #tpu.memory_space<vmem>>
      %dma_start3A_198 = tpu.memref_squeeze %dma_start3A_197 : memref<1x32x128xf32, #tpu.memory_space<vmem>> -> memref<32x128xf32, #tpu.memory_space<vmem>>
      tpu.enqueue_dma source(%dma_start3A_198 : memref<32x128xf32, #tpu.memory_space<vmem>>) target(%dma_start3A_194 : memref<32x128xf32, #tpu.memory_space<vmem_shared>>) target_semaphore(%run_scoped3A_186 : memref<!tpu.dma_semaphore, #tpu.memory_space<semaphore_mem>>)
      %dma_wait3A_199 = arith.constant 0 : i32
      %dma_wait3A_200 = arith.constant 0 : i32
      %dma_wait3A_201 = tpu.memref_slice %arg10[%run_scoped3A_67, %dma_wait3A_199, %dma_wait3A_200] : memref<2x32x128xf32, #tpu.memory_space<vmem>> -> memref<1x32x128xf32, #tpu.memory_space<vmem>>
      %dma_wait3A_202 = tpu.memref_squeeze %dma_wait3A_201 : memref<1x32x128xf32, #tpu.memory_space<vmem>> -> memref<32x128xf32, #tpu.memory_space<vmem>>
      %dma_wait3A_203 = arith.constant 0 : i32
      %dma_wait3A_204 = tpu.memref_slice %arg14[%add3A_66, %dma_wait3A_203] : memref<10240x128xf32, #tpu.memory_space<vmem_shared>> -> memref<32x128xf32, #tpu.memory_space<vmem_shared>>
      %dma_wait3A_205 = arith.constant 0 : i32
      %dma_wait3A_206 = tpu.memref_slice %arg14[%add3A_66, %dma_wait3A_205] : memref<10240x128xf32, #tpu.memory_space<vmem_shared>> -> memref<32x128xf32, #tpu.memory_space<vmem_shared>>
      %dma_wait3A_207 = arith.constant 0 : i32
      %dma_wait3A_208 = arith.constant 0 : i32
      %dma_wait3A_209 = tpu.memref_slice %arg10[%run_scoped3A_67, %dma_wait3A_207, %dma_wait3A_208] : memref<2x32x128xf32, #tpu.memory_space<vmem>> -> memref<1x32x128xf32, #tpu.memory_space<vmem>>
      %dma_wait3A_210 = tpu.memref_squeeze %dma_wait3A_209 : memref<1x32x128xf32, #tpu.memory_space<vmem>> -> memref<32x128xf32, #tpu.memory_space<vmem>>
      tpu.wait_dma2 semaphore(%run_scoped3A_186 : memref<!tpu.dma_semaphore, #tpu.memory_space<semaphore_mem>>) src(%dma_wait3A_210 : memref<32x128xf32, #tpu.memory_space<vmem>>) dst(%dma_wait3A_206 : memref<32x128xf32, #tpu.memory_space<vmem_shared>>)
      tpu.yield
    }) : () -> ()
    %add3A_68 = arith.constant 608 : i32
    %add3A_69 = arith.addi %mul3A_11, %add3A_68 : i32
    %run_scoped3A_70 = arith.constant 0 : i32
    "tpu.region"() ({
      %run_scoped3A_186 = tpu.sem_alloc : memref<!tpu.dma_semaphore, #tpu.memory_space<semaphore_mem>>
      %dma_start3A_187 = arith.constant 0 : i32
      %dma_start3A_188 = arith.constant 0 : i32
      %dma_start3A_189 = tpu.memref_slice %arg10[%run_scoped3A_70, %dma_start3A_187, %dma_start3A_188] : memref<2x32x128xf32, #tpu.memory_space<vmem>> -> memref<1x32x128xf32, #tpu.memory_space<vmem>>
      %dma_start3A_190 = tpu.memref_squeeze %dma_start3A_189 : memref<1x32x128xf32, #tpu.memory_space<vmem>> -> memref<32x128xf32, #tpu.memory_space<vmem>>
      %dma_start3A_191 = arith.constant 0 : i32
      %dma_start3A_192 = tpu.memref_slice %arg14[%add3A_69, %dma_start3A_191] : memref<10240x128xf32, #tpu.memory_space<vmem_shared>> -> memref<32x128xf32, #tpu.memory_space<vmem_shared>>
      %dma_start3A_193 = arith.constant 0 : i32
      %dma_start3A_194 = tpu.memref_slice %arg14[%add3A_69, %dma_start3A_193] : memref<10240x128xf32, #tpu.memory_space<vmem_shared>> -> memref<32x128xf32, #tpu.memory_space<vmem_shared>>
      %dma_start3A_195 = arith.constant 0 : i32
      %dma_start3A_196 = arith.constant 0 : i32
      %dma_start3A_197 = tpu.memref_slice %arg10[%run_scoped3A_70, %dma_start3A_195, %dma_start3A_196] : memref<2x32x128xf32, #tpu.memory_space<vmem>> -> memref<1x32x128xf32, #tpu.memory_space<vmem>>
      %dma_start3A_198 = tpu.memref_squeeze %dma_start3A_197 : memref<1x32x128xf32, #tpu.memory_space<vmem>> -> memref<32x128xf32, #tpu.memory_space<vmem>>
      tpu.enqueue_dma source(%dma_start3A_198 : memref<32x128xf32, #tpu.memory_space<vmem>>) target(%dma_start3A_194 : memref<32x128xf32, #tpu.memory_space<vmem_shared>>) target_semaphore(%run_scoped3A_186 : memref<!tpu.dma_semaphore, #tpu.memory_space<semaphore_mem>>)
      %dma_wait3A_199 = arith.constant 0 : i32
      %dma_wait3A_200 = arith.constant 0 : i32
      %dma_wait3A_201 = tpu.memref_slice %arg10[%run_scoped3A_70, %dma_wait3A_199, %dma_wait3A_200] : memref<2x32x128xf32, #tpu.memory_space<vmem>> -> memref<1x32x128xf32, #tpu.memory_space<vmem>>
      %dma_wait3A_202 = tpu.memref_squeeze %dma_wait3A_201 : memref<1x32x128xf32, #tpu.memory_space<vmem>> -> memref<32x128xf32, #tpu.memory_space<vmem>>
      %dma_wait3A_203 = arith.constant 0 : i32
      %dma_wait3A_204 = tpu.memref_slice %arg14[%add3A_69, %dma_wait3A_203] : memref<10240x128xf32, #tpu.memory_space<vmem_shared>> -> memref<32x128xf32, #tpu.memory_space<vmem_shared>>
      %dma_wait3A_205 = arith.constant 0 : i32
      %dma_wait3A_206 = tpu.memref_slice %arg14[%add3A_69, %dma_wait3A_205] : memref<10240x128xf32, #tpu.memory_space<vmem_shared>> -> memref<32x128xf32, #tpu.memory_space<vmem_shared>>
      %dma_wait3A_207 = arith.constant 0 : i32
      %dma_wait3A_208 = arith.constant 0 : i32
      %dma_wait3A_209 = tpu.memref_slice %arg10[%run_scoped3A_70, %dma_wait3A_207, %dma_wait3A_208] : memref<2x32x128xf32, #tpu.memory_space<vmem>> -> memref<1x32x128xf32, #tpu.memory_space<vmem>>
      %dma_wait3A_210 = tpu.memref_squeeze %dma_wait3A_209 : memref<1x32x128xf32, #tpu.memory_space<vmem>> -> memref<32x128xf32, #tpu.memory_space<vmem>>
      tpu.wait_dma2 semaphore(%run_scoped3A_186 : memref<!tpu.dma_semaphore, #tpu.memory_space<semaphore_mem>>) src(%dma_wait3A_210 : memref<32x128xf32, #tpu.memory_space<vmem>>) dst(%dma_wait3A_206 : memref<32x128xf32, #tpu.memory_space<vmem_shared>>)
      tpu.yield
    }) : () -> ()
    %dma_start3A = arith.constant 0 : i32
    %dma_start3A_71 = arith.constant 0 : i32
    %dma_start3A_72 = arith.constant 0 : i32
    %dma_start3A_73 = arith.constant 0 : i32
    %dma_start3A_74 = arith.constant 0 : i32
    %dma_start3A_75 = tpu.memref_slice %arg10[%dma_start3A_71, %dma_start3A_73, %dma_start3A_74] : memref<2x32x128xf32, #tpu.memory_space<vmem>> -> memref<1x32x128xf32, #tpu.memory_space<vmem>>
    %dma_start3A_76 = tpu.memref_squeeze %dma_start3A_75 : memref<1x32x128xf32, #tpu.memory_space<vmem>> -> memref<32x128xf32, #tpu.memory_space<vmem>>
    %dma_start3A_77 = arith.constant 0 : i32
    %dma_start3A_78 = tpu.memref_slice %arg8[%dma_start3A, %dma_start3A_77] : memref<80x128xi32, #tpu.memory_space<vmem>> -> memref<1x32xi32, #tpu.memory_space<vmem>>
    %dma_start3A_79 = tpu.memref_squeeze %dma_start3A_78 : memref<1x32xi32, #tpu.memory_space<vmem>> -> memref<32xi32, #tpu.memory_space<vmem>>
    %dma_start3A_80 = arith.constant 0 : i32
    %dma_start3A_81 = arith.constant 0 : i32
    %dma_start3A_82 = tpu.memref_slice %arg2[%dma_start3A_80, %dma_start3A_81] : memref<10000x128xf32, #tpu.memory_space<hbm>> -> memref<10000x128xf32, #tpu.memory_space<hbm>>
    %dma_start3A_83 = tpu.memref_slice %arg15[%dma_start3A_72] : memref<2x!tpu.dma_semaphore, #tpu.memory_space<semaphore_mem>> -> memref<1x!tpu.dma_semaphore, #tpu.memory_space<semaphore_mem>>
    %dma_start3A_84 = tpu.memref_squeeze %dma_start3A_83 : memref<1x!tpu.dma_semaphore, #tpu.memory_space<semaphore_mem>> -> memref<!tpu.dma_semaphore, #tpu.memory_space<semaphore_mem>>
    tpu.enqueue_indirect_dma source(%dma_start3A_82 : memref<10000x128xf32, #tpu.memory_space<hbm>>) target(%dma_start3A_76 : memref<32x128xf32, #tpu.memory_space<vmem>>) offsets(%dma_start3A_79 : memref<32xi32, #tpu.memory_space<vmem>>) semaphore(%dma_start3A_84 : memref<!tpu.dma_semaphore, #tpu.memory_space<semaphore_mem>>)
    %mul3A_85 = arith.constant 320 : i32
    %mul3A_86 = arith.muli %add3A, %mul3A_85 : i32
    %add3A_87 = arith.constant 0 : i32
    %add3A_88 = arith.addi %mul3A_86, %add3A_87 : i32
    %mul3A_89 = arith.constant 32 : i32
    %mul3A_90 = arith.muli %add3A_88, %mul3A_89 : i32
    %dma_start3A_91 = arith.constant 0 : i32
    %dma_start3A_92 = arith.constant 0 : i32
    %dma_start3A_93 = arith.constant 0 : i32
    %dma_start3A_94 = arith.constant 0 : i32
    %dma_start3A_95 = tpu.memref_slice %arg11[%dma_start3A_91, %dma_start3A_93, %dma_start3A_94] : memref<2x32x128xf32, #tpu.memory_space<vmem>> -> memref<1x32x128xf32, #tpu.memory_space<vmem>>
    %dma_start3A_96 = tpu.memref_squeeze %dma_start3A_95 : memref<1x32x128xf32, #tpu.memory_space<vmem>> -> memref<32x128xf32, #tpu.memory_space<vmem>>
    %dma_start3A_97 = arith.constant 0 : i32
    %dma_start3A_98 = tpu.memref_slice %arg3[%mul3A_90, %dma_start3A_97] : memref<327680x128xf32, #tpu.memory_space<hbm>> -> memref<32x128xf32, #tpu.memory_space<hbm>>
    %dma_start3A_99 = tpu.memref_slice %arg16[%dma_start3A_92] : memref<2x!tpu.dma_semaphore, #tpu.memory_space<semaphore_mem>> -> memref<1x!tpu.dma_semaphore, #tpu.memory_space<semaphore_mem>>
    %dma_start3A_100 = tpu.memref_squeeze %dma_start3A_99 : memref<1x!tpu.dma_semaphore, #tpu.memory_space<semaphore_mem>> -> memref<!tpu.dma_semaphore, #tpu.memory_space<semaphore_mem>>
    %dma_start3A_101 = arith.constant 0 : i32
    %dma_start3A_102 = arith.constant 0 : i32
    %dma_start3A_103 = tpu.memref_slice %arg11[%dma_start3A_91, %dma_start3A_101, %dma_start3A_102] : memref<2x32x128xf32, #tpu.memory_space<vmem>> -> memref<1x32x128xf32, #tpu.memory_space<vmem>>
    %dma_start3A_104 = tpu.memref_squeeze %dma_start3A_103 : memref<1x32x128xf32, #tpu.memory_space<vmem>> -> memref<32x128xf32, #tpu.memory_space<vmem>>
    %dma_start3A_105 = arith.constant 0 : i32
    %dma_start3A_106 = tpu.memref_slice %arg3[%mul3A_90, %dma_start3A_105] : memref<327680x128xf32, #tpu.memory_space<hbm>> -> memref<32x128xf32, #tpu.memory_space<hbm>>
    tpu.enqueue_dma source(%dma_start3A_106 : memref<32x128xf32, #tpu.memory_space<hbm>>) target(%dma_start3A_104 : memref<32x128xf32, #tpu.memory_space<vmem>>) target_semaphore(%dma_start3A_100 : memref<!tpu.dma_semaphore, #tpu.memory_space<semaphore_mem>>)
    %dma_start3A_107 = arith.constant 0 : i32
    %dma_start3A_108 = arith.constant 1 : i32
    %dma_start3A_109 = arith.constant 1 : i32
    %dma_start3A_110 = arith.constant 0 : i32
    %dma_start3A_111 = arith.constant 0 : i32
    %dma_start3A_112 = tpu.memref_slice %arg10[%dma_start3A_108, %dma_start3A_110, %dma_start3A_111] : memref<2x32x128xf32, #tpu.memory_space<vmem>> -> memref<1x32x128xf32, #tpu.memory_space<vmem>>
    %dma_start3A_113 = tpu.memref_squeeze %dma_start3A_112 : memref<1x32x128xf32, #tpu.memory_space<vmem>> -> memref<32x128xf32, #tpu.memory_space<vmem>>
    %dma_start3A_114 = arith.constant 32 : i32
    %dma_start3A_115 = tpu.memref_slice %arg8[%dma_start3A_107, %dma_start3A_114] : memref<80x128xi32, #tpu.memory_space<vmem>> -> memref<1x32xi32, #tpu.memory_space<vmem>>
    %dma_start3A_116 = tpu.memref_squeeze %dma_start3A_115 : memref<1x32xi32, #tpu.memory_space<vmem>> -> memref<32xi32, #tpu.memory_space<vmem>>
    %dma_start3A_117 = arith.constant 0 : i32
    %dma_start3A_118 = arith.constant 0 : i32
    %dma_start3A_119 = tpu.memref_slice %arg2[%dma_start3A_117, %dma_start3A_118] : memref<10000x128xf32, #tpu.memory_space<hbm>> -> memref<10000x128xf32, #tpu.memory_space<hbm>>
    %dma_start3A_120 = tpu.memref_slice %arg15[%dma_start3A_109] : memref<2x!tpu.dma_semaphore, #tpu.memory_space<semaphore_mem>> -> memref<1x!tpu.dma_semaphore, #tpu.memory_space<semaphore_mem>>
    %dma_start3A_121 = tpu.memref_squeeze %dma_start3A_120 : memref<1x!tpu.dma_semaphore, #tpu.memory_space<semaphore_mem>> -> memref<!tpu.dma_semaphore, #tpu.memory_space<semaphore_mem>>
    tpu.enqueue_indirect_dma source(%dma_start3A_119 : memref<10000x128xf32, #tpu.memory_space<hbm>>) target(%dma_start3A_113 : memref<32x128xf32, #tpu.memory_space<vmem>>) offsets(%dma_start3A_116 : memref<32xi32, #tpu.memory_space<vmem>>) semaphore(%dma_start3A_121 : memref<!tpu.dma_semaphore, #tpu.memory_space<semaphore_mem>>)
    %mul3A_122 = arith.constant 320 : i32
    %mul3A_123 = arith.muli %add3A, %mul3A_122 : i32
    %add3A_124 = arith.constant 1 : i32
    %add3A_125 = arith.addi %mul3A_123, %add3A_124 : i32
    %mul3A_126 = arith.constant 32 : i32
    %mul3A_127 = arith.muli %add3A_125, %mul3A_126 : i32
    %dma_start3A_128 = arith.constant 1 : i32
    %dma_start3A_129 = arith.constant 1 : i32
    %dma_start3A_130 = arith.constant 0 : i32
    %dma_start3A_131 = arith.constant 0 : i32
    %dma_start3A_132 = tpu.memref_slice %arg11[%dma_start3A_128, %dma_start3A_130, %dma_start3A_131] : memref<2x32x128xf32, #tpu.memory_space<vmem>> -> memref<1x32x128xf32, #tpu.memory_space<vmem>>
    %dma_start3A_133 = tpu.memref_squeeze %dma_start3A_132 : memref<1x32x128xf32, #tpu.memory_space<vmem>> -> memref<32x128xf32, #tpu.memory_space<vmem>>
    %dma_start3A_134 = arith.constant 0 : i32
    %dma_start3A_135 = tpu.memref_slice %arg3[%mul3A_127, %dma_start3A_134] : memref<327680x128xf32, #tpu.memory_space<hbm>> -> memref<32x128xf32, #tpu.memory_space<hbm>>
    %dma_start3A_136 = tpu.memref_slice %arg16[%dma_start3A_129] : memref<2x!tpu.dma_semaphore, #tpu.memory_space<semaphore_mem>> -> memref<1x!tpu.dma_semaphore, #tpu.memory_space<semaphore_mem>>
    %dma_start3A_137 = tpu.memref_squeeze %dma_start3A_136 : memref<1x!tpu.dma_semaphore, #tpu.memory_space<semaphore_mem>> -> memref<!tpu.dma_semaphore, #tpu.memory_space<semaphore_mem>>
    %dma_start3A_138 = arith.constant 0 : i32
    %dma_start3A_139 = arith.constant 0 : i32
    %dma_start3A_140 = tpu.memref_slice %arg11[%dma_start3A_128, %dma_start3A_138, %dma_start3A_139] : memref<2x32x128xf32, #tpu.memory_space<vmem>> -> memref<1x32x128xf32, #tpu.memory_space<vmem>>
    %dma_start3A_141 = tpu.memref_squeeze %dma_start3A_140 : memref<1x32x128xf32, #tpu.memory_space<vmem>> -> memref<32x128xf32, #tpu.memory_space<vmem>>
    %dma_start3A_142 = arith.constant 0 : i32
    %dma_start3A_143 = tpu.memref_slice %arg3[%mul3A_127, %dma_start3A_142] : memref<327680x128xf32, #tpu.memory_space<hbm>> -> memref<32x128xf32, #tpu.memory_space<hbm>>
    tpu.enqueue_dma source(%dma_start3A_143 : memref<32x128xf32, #tpu.memory_space<hbm>>) target(%dma_start3A_141 : memref<32x128xf32, #tpu.memory_space<vmem>>) target_semaphore(%dma_start3A_137 : memref<!tpu.dma_semaphore, #tpu.memory_space<semaphore_mem>>)
    %barrier3A = arith.constant 0 : index
    tpu.barrier barrier_id(%barrier3A)
    %scan3A_144 = arith.constant 0 : i32
    %scan3A_145 = arith.constant 160 : i32
    %scan3A_146 = arith.addi %scan3A_144, %scan3A_145 : i32
    %scan3A_147 = arith.constant 1 : i32
    scf.for %scan3A_186 = %scan3A_144 to %scan3A_146 step %scan3A_147  : i32 {
      %mul3A_187 = arith.constant 1 : i32
      %mul3A_188 = arith.muli %scan3A_186, %mul3A_187 : i32
      %add3A_189 = arith.constant 0 : i32
      %add3A_190 = arith.addi %add3A_189, %mul3A_188 : i32
      %mul3A_191 = arith.constant 2 : i32
      %mul3A_192 = arith.muli %add3A_190, %mul3A_191 : i32
      %add3A_193 = arith.constant 0 : i32
      %add3A_194 = arith.addi %mul3A_192, %add3A_193 : i32
      %dma_wait3A_195 = arith.constant 0 : i32
      %dma_wait3A_196 = arith.constant 0 : i32
      %dma_wait3A_197 = arith.constant 0 : i32
      %dma_wait3A_198 = arith.constant 0 : i32
      %dma_wait3A_199 = arith.constant 0 : i32
      %dma_wait3A_200 = tpu.memref_slice %arg10[%dma_wait3A_196, %dma_wait3A_198, %dma_wait3A_199] : memref<2x32x128xf32, #tpu.memory_space<vmem>> -> memref<1x32x128xf32, #tpu.memory_space<vmem>>
      %dma_wait3A_201 = tpu.memref_squeeze %dma_wait3A_200 : memref<1x32x128xf32, #tpu.memory_space<vmem>> -> memref<32x128xf32, #tpu.memory_space<vmem>>
      %dma_wait3A_202 = arith.constant 0 : i32
      %dma_wait3A_203 = tpu.memref_slice %arg8[%dma_wait3A_195, %dma_wait3A_202] : memref<80x128xi32, #tpu.memory_space<vmem>> -> memref<1x32xi32, #tpu.memory_space<vmem>>
      %dma_wait3A_204 = tpu.memref_squeeze %dma_wait3A_203 : memref<1x32xi32, #tpu.memory_space<vmem>> -> memref<32xi32, #tpu.memory_space<vmem>>
      %dma_wait3A_205 = arith.constant 0 : i32
      %dma_wait3A_206 = arith.constant 0 : i32
      %dma_wait3A_207 = tpu.memref_slice %arg2[%dma_wait3A_205, %dma_wait3A_206] : memref<10000x128xf32, #tpu.memory_space<hbm>> -> memref<10000x128xf32, #tpu.memory_space<hbm>>
      %dma_wait3A_208 = tpu.memref_slice %arg15[%dma_wait3A_197] : memref<2x!tpu.dma_semaphore, #tpu.memory_space<semaphore_mem>> -> memref<1x!tpu.dma_semaphore, #tpu.memory_space<semaphore_mem>>
      %dma_wait3A_209 = tpu.memref_squeeze %dma_wait3A_208 : memref<1x!tpu.dma_semaphore, #tpu.memory_space<semaphore_mem>> -> memref<!tpu.dma_semaphore, #tpu.memory_space<semaphore_mem>>
      tpu.wait_indirect_dma semaphore(%dma_wait3A_209 : memref<!tpu.dma_semaphore, #tpu.memory_space<semaphore_mem>>) src(%dma_wait3A_207 : memref<10000x128xf32, #tpu.memory_space<hbm>>) dst(%dma_wait3A_201 : memref<32x128xf32, #tpu.memory_space<vmem>>)
      %dma_wait3A_210 = arith.constant 0 : i32
      %dma_wait3A_211 = arith.constant 0 : i32
      %dma_wait3A_212 = arith.constant 0 : i32
      %dma_wait3A_213 = arith.constant 0 : i32
      %dma_wait3A_214 = tpu.memref_slice %arg11[%dma_wait3A_210, %dma_wait3A_212, %dma_wait3A_213] : memref<2x32x128xf32, #tpu.memory_space<vmem>> -> memref<1x32x128xf32, #tpu.memory_space<vmem>>
      %dma_wait3A_215 = tpu.memref_squeeze %dma_wait3A_214 : memref<1x32x128xf32, #tpu.memory_space<vmem>> -> memref<32x128xf32, #tpu.memory_space<vmem>>
      %dma_wait3A_216 = arith.constant 0 : i32
      %dma_wait3A_217 = arith.constant 0 : i32
      %dma_wait3A_218 = tpu.memref_slice %arg3[%dma_wait3A_216, %dma_wait3A_217] : memref<327680x128xf32, #tpu.memory_space<hbm>> -> memref<32x128xf32, #tpu.memory_space<hbm>>
      %dma_wait3A_219 = tpu.memref_slice %arg16[%dma_wait3A_211] : memref<2x!tpu.dma_semaphore, #tpu.memory_space<semaphore_mem>> -> memref<1x!tpu.dma_semaphore, #tpu.memory_space<semaphore_mem>>
      %dma_wait3A_220 = tpu.memref_squeeze %dma_wait3A_219 : memref<1x!tpu.dma_semaphore, #tpu.memory_space<semaphore_mem>> -> memref<!tpu.dma_semaphore, #tpu.memory_space<semaphore_mem>>
      %dma_wait3A_221 = arith.constant 0 : i32
      %dma_wait3A_222 = arith.constant 0 : i32
      %dma_wait3A_223 = tpu.memref_slice %arg11[%dma_wait3A_210, %dma_wait3A_221, %dma_wait3A_222] : memref<2x32x128xf32, #tpu.memory_space<vmem>> -> memref<1x32x128xf32, #tpu.memory_space<vmem>>
      %dma_wait3A_224 = tpu.memref_squeeze %dma_wait3A_223 : memref<1x32x128xf32, #tpu.memory_space<vmem>> -> memref<32x128xf32, #tpu.memory_space<vmem>>
      %dma_wait3A_225 = arith.constant 0 : i32
      %dma_wait3A_226 = arith.constant 0 : i32
      %dma_wait3A_227 = tpu.memref_slice %arg3[%dma_wait3A_225, %dma_wait3A_226] : memref<327680x128xf32, #tpu.memory_space<hbm>> -> memref<32x128xf32, #tpu.memory_space<hbm>>
      tpu.wait_dma2 semaphore(%dma_wait3A_220 : memref<!tpu.dma_semaphore, #tpu.memory_space<semaphore_mem>>) src(%dma_wait3A_227 : memref<32x128xf32, #tpu.memory_space<hbm>>) dst(%dma_wait3A_224 : memref<32x128xf32, #tpu.memory_space<vmem>>)
      %gt3A = arith.constant 0 : i32
      %gt3A_228 = arith.cmpi sgt, %add3A_190, %gt3A : i32
      %convert_element_type3A_229 = arith.extui %gt3A_228 : i1 to i32
      %cond3A_230 = arith.constant 0 : i32
      %cond3A_231 = arith.cmpi ne, %convert_element_type3A_229, %cond3A_230 : i32
      scf.if %cond3A_231 {
        %dma_wait3A_449 = arith.constant 0 : i32
        %dma_wait3A_450 = arith.constant 0 : i32
        %dma_wait3A_451 = arith.constant 0 : i32
        %dma_wait3A_452 = arith.constant 0 : i32
        %dma_wait3A_453 = arith.constant 0 : i32
        %dma_wait3A_454 = tpu.memref_slice %arg12[%dma_wait3A_449, %dma_wait3A_452, %dma_wait3A_453] : memref<2x32x128xf32, #tpu.memory_space<vmem>> -> memref<1x32x128xf32, #tpu.memory_space<vmem>>
        %dma_wait3A_455 = tpu.memref_squeeze %dma_wait3A_454 : memref<1x32x128xf32, #tpu.memory_space<vmem>> -> memref<32x128xf32, #tpu.memory_space<vmem>>
        %dma_wait3A_456 = arith.constant 0 : i32
        %dma_wait3A_457 = tpu.memref_slice %arg13[%dma_wait3A_450, %dma_wait3A_456] : memref<2x32xi32, #tpu.memory_space<vmem>> -> memref<1x32xi32, #tpu.memory_space<vmem>>
        %dma_wait3A_458 = tpu.memref_squeeze %dma_wait3A_457 : memref<1x32xi32, #tpu.memory_space<vmem>> -> memref<32xi32, #tpu.memory_space<vmem>>
        %dma_wait3A_459 = arith.constant 0 : i32
        %dma_wait3A_460 = arith.constant 0 : i32
        %dma_wait3A_461 = tpu.memref_slice %arg14[%dma_wait3A_459, %dma_wait3A_460] : memref<10240x128xf32, #tpu.memory_space<vmem_shared>> -> memref<10240x128xf32, #tpu.memory_space<vmem_shared>>
        %dma_wait3A_462 = tpu.memref_slice %arg17[%dma_wait3A_451] : memref<2x!tpu.dma_semaphore, #tpu.memory_space<semaphore_mem>> -> memref<1x!tpu.dma_semaphore, #tpu.memory_space<semaphore_mem>>
        %dma_wait3A_463 = tpu.memref_squeeze %dma_wait3A_462 : memref<1x!tpu.dma_semaphore, #tpu.memory_space<semaphore_mem>> -> memref<!tpu.dma_semaphore, #tpu.memory_space<semaphore_mem>>
        tpu.wait_indirect_dma semaphore(%dma_wait3A_463 : memref<!tpu.dma_semaphore, #tpu.memory_space<semaphore_mem>>) src(%dma_wait3A_455 : memref<32x128xf32, #tpu.memory_space<vmem>>) dst(%dma_wait3A_461 : memref<10240x128xf32, #tpu.memory_space<vmem_shared>>)
      } else {
      }
      %scan3A_232 = arith.constant 0 : i32
      %scan3A_233 = arith.constant 0 : i32
      %scan3A_234 = arith.constant 0 : i32
      %scan3A_235 = arith.constant 0 : i32
      %scan3A_236 = arith.constant 32 : i32
      %scan3A_237 = arith.addi %scan3A_235, %scan3A_236 : i32
      %scan3A_238 = arith.constant 1 : i32
      scf.for %scan3A_449 = %scan3A_235 to %scan3A_237 step %scan3A_238  : i32 {
        %mul3A_450 = arith.constant 1 : i32
        %mul3A_451 = arith.muli %scan3A_449, %mul3A_450 : i32
        %add3A_452 = arith.constant 0 : i32
        %add3A_453 = arith.addi %add3A_452, %mul3A_451 : i32
        %get3A_454 = arith.constant 0 : i32
        %get3A_455 = arith.constant 0 : i32
        %get3A_456 = tpu.memref_slice %arg10[%scan3A_232, %get3A_454, %get3A_455] : memref<2x32x128xf32, #tpu.memory_space<vmem>> -> memref<1x32x128xf32, #tpu.memory_space<vmem>>
        %get3A_457 = tpu.memref_squeeze %get3A_456 : memref<1x32x128xf32, #tpu.memory_space<vmem>> -> memref<32x128xf32, #tpu.memory_space<vmem>>
        %get3A_458 = arith.index_cast %add3A_453 : i32 to index
        %get3A_459 = arith.constant 0 : index
        %get3A_460 = tpu.vector_load %get3A_457[%get3A_458, %get3A_459] {strides = array<i32>} : memref<32x128xf32, #tpu.memory_space<vmem>>, vector<1x16xf32>,
        %get3A_461 = vector.shape_cast %get3A_460 : vector<1x16xf32> to vector<1x16xf32>
        %get3A_462 = arith.constant 0 : i32
        %get3A_463 = arith.constant 0 : i32
        %get3A_464 = tpu.memref_slice %arg11[%scan3A_233, %get3A_462, %get3A_463] : memref<2x32x128xf32, #tpu.memory_space<vmem>> -> memref<1x32x128xf32, #tpu.memory_space<vmem>>
        %get3A_465 = tpu.memref_squeeze %get3A_464 : memref<1x32x128xf32, #tpu.memory_space<vmem>> -> memref<32x128xf32, #tpu.memory_space<vmem>>
        %get3A_466 = arith.index_cast %add3A_453 : i32 to index
        %get3A_467 = arith.constant 0 : index
        %get3A_468 = tpu.vector_load %get3A_465[%get3A_466, %get3A_467] {strides = array<i32>} : memref<32x128xf32, #tpu.memory_space<vmem>>, vector<1x16xf32>,
        %get3A_469 = vector.shape_cast %get3A_468 : vector<1x16xf32> to vector<1x16xf32>
        %mul3A_470 = arith.mulf %get3A_461, %get3A_469 : vector<1x16xf32>
        %swap3A_471 = arith.constant 0 : i32
        %swap3A_472 = arith.constant 0 : i32
        %swap3A_473 = tpu.memref_slice %arg12[%scan3A_234, %swap3A_471, %swap3A_472] : memref<2x32x128xf32, #tpu.memory_space<vmem>> -> memref<1x32x128xf32, #tpu.memory_space<vmem>>
        %swap3A_474 = tpu.memref_squeeze %swap3A_473 : memref<1x32x128xf32, #tpu.memory_space<vmem>> -> memref<32x128xf32, #tpu.memory_space<vmem>>
        %swap3A_475 = arith.index_cast %add3A_453 : i32 to index
        %swap3A_476 = arith.constant 0 : index
        %swap3A_477 = tpu.vector_load %swap3A_474[%swap3A_475, %swap3A_476] {strides = array<i32>} : memref<32x128xf32, #tpu.memory_space<vmem>>, vector<1x16xf32>,
        %swap3A_478 = vector.shape_cast %swap3A_477 : vector<1x16xf32> to vector<1x16xf32>
        %swap3A_479 = vector.shape_cast %mul3A_470 : vector<1x16xf32> to vector<1x16xf32>
        tpu.vector_store %swap3A_474[%swap3A_475, %swap3A_476], %swap3A_479 {strides = array<i32>} : memref<32x128xf32, #tpu.memory_space<vmem>>, vector<1x16xf32>,
        %get3A_480 = arith.constant 0 : i32
        %get3A_481 = arith.constant 0 : i32
        %get3A_482 = tpu.memref_slice %arg10[%scan3A_232, %get3A_480, %get3A_481] : memref<2x32x128xf32, #tpu.memory_space<vmem>> -> memref<1x32x128xf32, #tpu.memory_space<vmem>>
        %get3A_483 = tpu.memref_squeeze %get3A_482 : memref<1x32x128xf32, #tpu.memory_space<vmem>> -> memref<32x128xf32, #tpu.memory_space<vmem>>
        %get3A_484 = arith.index_cast %add3A_453 : i32 to index
        %get3A_485 = arith.constant 16 : index
        %get3A_486 = tpu.vector_load %get3A_483[%get3A_484, %get3A_485] {strides = array<i32>} : memref<32x128xf32, #tpu.memory_space<vmem>>, vector<1x16xf32>,
        %get3A_487 = vector.shape_cast %get3A_486 : vector<1x16xf32> to vector<1x16xf32>
        %get3A_488 = arith.constant 0 : i32
        %get3A_489 = arith.constant 0 : i32
        %get3A_490 = tpu.memref_slice %arg11[%scan3A_233, %get3A_488, %get3A_489] : memref<2x32x128xf32, #tpu.memory_space<vmem>> -> memref<1x32x128xf32, #tpu.memory_space<vmem>>
        %get3A_491 = tpu.memref_squeeze %get3A_490 : memref<1x32x128xf32, #tpu.memory_space<vmem>> -> memref<32x128xf32, #tpu.memory_space<vmem>>
        %get3A_492 = arith.index_cast %add3A_453 : i32 to index
        %get3A_493 = arith.constant 16 : index
        %get3A_494 = tpu.vector_load %get3A_491[%get3A_492, %get3A_493] {strides = array<i32>} : memref<32x128xf32, #tpu.memory_space<vmem>>, vector<1x16xf32>,
        %get3A_495 = vector.shape_cast %get3A_494 : vector<1x16xf32> to vector<1x16xf32>
        %mul3A_496 = arith.mulf %get3A_487, %get3A_495 : vector<1x16xf32>
        %swap3A_497 = arith.constant 0 : i32
        %swap3A_498 = arith.constant 0 : i32
        %swap3A_499 = tpu.memref_slice %arg12[%scan3A_234, %swap3A_497, %swap3A_498] : memref<2x32x128xf32, #tpu.memory_space<vmem>> -> memref<1x32x128xf32, #tpu.memory_space<vmem>>
        %swap3A_500 = tpu.memref_squeeze %swap3A_499 : memref<1x32x128xf32, #tpu.memory_space<vmem>> -> memref<32x128xf32, #tpu.memory_space<vmem>>
        %swap3A_501 = arith.index_cast %add3A_453 : i32 to index
        %swap3A_502 = arith.constant 16 : index
        %swap3A_503 = tpu.vector_load %swap3A_500[%swap3A_501, %swap3A_502] {strides = array<i32>} : memref<32x128xf32, #tpu.memory_space<vmem>>, vector<1x16xf32>,
        %swap3A_504 = vector.shape_cast %swap3A_503 : vector<1x16xf32> to vector<1x16xf32>
        %swap3A_505 = vector.shape_cast %mul3A_496 : vector<1x16xf32> to vector<1x16xf32>
        tpu.vector_store %swap3A_500[%swap3A_501, %swap3A_502], %swap3A_505 {strides = array<i32>} : memref<32x128xf32, #tpu.memory_space<vmem>>, vector<1x16xf32>,
        %get3A_506 = arith.constant 0 : i32
        %get3A_507 = arith.constant 0 : i32
        %get3A_508 = tpu.memref_slice %arg10[%scan3A_232, %get3A_506, %get3A_507] : memref<2x32x128xf32, #tpu.memory_space<vmem>> -> memref<1x32x128xf32, #tpu.memory_space<vmem>>
        %get3A_509 = tpu.memref_squeeze %get3A_508 : memref<1x32x128xf32, #tpu.memory_space<vmem>> -> memref<32x128xf32, #tpu.memory_space<vmem>>
        %get3A_510 = arith.index_cast %add3A_453 : i32 to index
        %get3A_511 = arith.constant 32 : index
        %get3A_512 = tpu.vector_load %get3A_509[%get3A_510, %get3A_511] {strides = array<i32>} : memref<32x128xf32, #tpu.memory_space<vmem>>, vector<1x16xf32>,
        %get3A_513 = vector.shape_cast %get3A_512 : vector<1x16xf32> to vector<1x16xf32>
        %get3A_514 = arith.constant 0 : i32
        %get3A_515 = arith.constant 0 : i32
        %get3A_516 = tpu.memref_slice %arg11[%scan3A_233, %get3A_514, %get3A_515] : memref<2x32x128xf32, #tpu.memory_space<vmem>> -> memref<1x32x128xf32, #tpu.memory_space<vmem>>
        %get3A_517 = tpu.memref_squeeze %get3A_516 : memref<1x32x128xf32, #tpu.memory_space<vmem>> -> memref<32x128xf32, #tpu.memory_space<vmem>>
        %get3A_518 = arith.index_cast %add3A_453 : i32 to index
        %get3A_519 = arith.constant 32 : index
        %get3A_520 = tpu.vector_load %get3A_517[%get3A_518, %get3A_519] {strides = array<i32>} : memref<32x128xf32, #tpu.memory_space<vmem>>, vector<1x16xf32>,
        %get3A_521 = vector.shape_cast %get3A_520 : vector<1x16xf32> to vector<1x16xf32>
        %mul3A_522 = arith.mulf %get3A_513, %get3A_521 : vector<1x16xf32>
        %swap3A_523 = arith.constant 0 : i32
        %swap3A_524 = arith.constant 0 : i32
        %swap3A_525 = tpu.memref_slice %arg12[%scan3A_234, %swap3A_523, %swap3A_524] : memref<2x32x128xf32, #tpu.memory_space<vmem>> -> memref<1x32x128xf32, #tpu.memory_space<vmem>>
        %swap3A_526 = tpu.memref_squeeze %swap3A_525 : memref<1x32x128xf32, #tpu.memory_space<vmem>> -> memref<32x128xf32, #tpu.memory_space<vmem>>
        %swap3A_527 = arith.index_cast %add3A_453 : i32 to index
        %swap3A_528 = arith.constant 32 : index
        %swap3A_529 = tpu.vector_load %swap3A_526[%swap3A_527, %swap3A_528] {strides = array<i32>} : memref<32x128xf32, #tpu.memory_space<vmem>>, vector<1x16xf32>,
        %swap3A_530 = vector.shape_cast %swap3A_529 : vector<1x16xf32> to vector<1x16xf32>
        %swap3A_531 = vector.shape_cast %mul3A_522 : vector<1x16xf32> to vector<1x16xf32>
        tpu.vector_store %swap3A_526[%swap3A_527, %swap3A_528], %swap3A_531 {strides = array<i32>} : memref<32x128xf32, #tpu.memory_space<vmem>>, vector<1x16xf32>,
        %get3A_532 = arith.constant 0 : i32
        %get3A_533 = arith.constant 0 : i32
        %get3A_534 = tpu.memref_slice %arg10[%scan3A_232, %get3A_532, %get3A_533] : memref<2x32x128xf32, #tpu.memory_space<vmem>> -> memref<1x32x128xf32, #tpu.memory_space<vmem>>
        %get3A_535 = tpu.memref_squeeze %get3A_534 : memref<1x32x128xf32, #tpu.memory_space<vmem>> -> memref<32x128xf32, #tpu.memory_space<vmem>>
        %get3A_536 = arith.index_cast %add3A_453 : i32 to index
        %get3A_537 = arith.constant 48 : index
        %get3A_538 = tpu.vector_load %get3A_535[%get3A_536, %get3A_537] {strides = array<i32>} : memref<32x128xf32, #tpu.memory_space<vmem>>, vector<1x16xf32>,
        %get3A_539 = vector.shape_cast %get3A_538 : vector<1x16xf32> to vector<1x16xf32>
        %get3A_540 = arith.constant 0 : i32
        %get3A_541 = arith.constant 0 : i32
        %get3A_542 = tpu.memref_slice %arg11[%scan3A_233, %get3A_540, %get3A_541] : memref<2x32x128xf32, #tpu.memory_space<vmem>> -> memref<1x32x128xf32, #tpu.memory_space<vmem>>
        %get3A_543 = tpu.memref_squeeze %get3A_542 : memref<1x32x128xf32, #tpu.memory_space<vmem>> -> memref<32x128xf32, #tpu.memory_space<vmem>>
        %get3A_544 = arith.index_cast %add3A_453 : i32 to index
        %get3A_545 = arith.constant 48 : index
        %get3A_546 = tpu.vector_load %get3A_543[%get3A_544, %get3A_545] {strides = array<i32>} : memref<32x128xf32, #tpu.memory_space<vmem>>, vector<1x16xf32>,
        %get3A_547 = vector.shape_cast %get3A_546 : vector<1x16xf32> to vector<1x16xf32>
        %mul3A_548 = arith.mulf %get3A_539, %get3A_547 : vector<1x16xf32>
        %swap3A_549 = arith.constant 0 : i32
        %swap3A_550 = arith.constant 0 : i32
        %swap3A_551 = tpu.memref_slice %arg12[%scan3A_234, %swap3A_549, %swap3A_550] : memref<2x32x128xf32, #tpu.memory_space<vmem>> -> memref<1x32x128xf32, #tpu.memory_space<vmem>>
        %swap3A_552 = tpu.memref_squeeze %swap3A_551 : memref<1x32x128xf32, #tpu.memory_space<vmem>> -> memref<32x128xf32, #tpu.memory_space<vmem>>
        %swap3A_553 = arith.index_cast %add3A_453 : i32 to index
        %swap3A_554 = arith.constant 48 : index
        %swap3A_555 = tpu.vector_load %swap3A_552[%swap3A_553, %swap3A_554] {strides = array<i32>} : memref<32x128xf32, #tpu.memory_space<vmem>>, vector<1x16xf32>,
        %swap3A_556 = vector.shape_cast %swap3A_555 : vector<1x16xf32> to vector<1x16xf32>
        %swap3A_557 = vector.shape_cast %mul3A_548 : vector<1x16xf32> to vector<1x16xf32>
        tpu.vector_store %swap3A_552[%swap3A_553, %swap3A_554], %swap3A_557 {strides = array<i32>} : memref<32x128xf32, #tpu.memory_space<vmem>>, vector<1x16xf32>,
        %get3A_558 = arith.constant 0 : i32
        %get3A_559 = arith.constant 0 : i32
        %get3A_560 = tpu.memref_slice %arg10[%scan3A_232, %get3A_558, %get3A_559] : memref<2x32x128xf32, #tpu.memory_space<vmem>> -> memref<1x32x128xf32, #tpu.memory_space<vmem>>
        %get3A_561 = tpu.memref_squeeze %get3A_560 : memref<1x32x128xf32, #tpu.memory_space<vmem>> -> memref<32x128xf32, #tpu.memory_space<vmem>>
        %get3A_562 = arith.index_cast %add3A_453 : i32 to index
        %get3A_563 = arith.constant 64 : index
        %get3A_564 = tpu.vector_load %get3A_561[%get3A_562, %get3A_563] {strides = array<i32>} : memref<32x128xf32, #tpu.memory_space<vmem>>, vector<1x16xf32>,
        %get3A_565 = vector.shape_cast %get3A_564 : vector<1x16xf32> to vector<1x16xf32>
        %get3A_566 = arith.constant 0 : i32
        %get3A_567 = arith.constant 0 : i32
        %get3A_568 = tpu.memref_slice %arg11[%scan3A_233, %get3A_566, %get3A_567] : memref<2x32x128xf32, #tpu.memory_space<vmem>> -> memref<1x32x128xf32, #tpu.memory_space<vmem>>
        %get3A_569 = tpu.memref_squeeze %get3A_568 : memref<1x32x128xf32, #tpu.memory_space<vmem>> -> memref<32x128xf32, #tpu.memory_space<vmem>>
        %get3A_570 = arith.index_cast %add3A_453 : i32 to index
        %get3A_571 = arith.constant 64 : index
        %get3A_572 = tpu.vector_load %get3A_569[%get3A_570, %get3A_571] {strides = array<i32>} : memref<32x128xf32, #tpu.memory_space<vmem>>, vector<1x16xf32>,
        %get3A_573 = vector.shape_cast %get3A_572 : vector<1x16xf32> to vector<1x16xf32>
        %mul3A_574 = arith.mulf %get3A_565, %get3A_573 : vector<1x16xf32>
        %swap3A_575 = arith.constant 0 : i32
        %swap3A_576 = arith.constant 0 : i32
        %swap3A_577 = tpu.memref_slice %arg12[%scan3A_234, %swap3A_575, %swap3A_576] : memref<2x32x128xf32, #tpu.memory_space<vmem>> -> memref<1x32x128xf32, #tpu.memory_space<vmem>>
        %swap3A_578 = tpu.memref_squeeze %swap3A_577 : memref<1x32x128xf32, #tpu.memory_space<vmem>> -> memref<32x128xf32, #tpu.memory_space<vmem>>
        %swap3A_579 = arith.index_cast %add3A_453 : i32 to index
        %swap3A_580 = arith.constant 64 : index
        %swap3A_581 = tpu.vector_load %swap3A_578[%swap3A_579, %swap3A_580] {strides = array<i32>} : memref<32x128xf32, #tpu.memory_space<vmem>>, vector<1x16xf32>,
        %swap3A_582 = vector.shape_cast %swap3A_581 : vector<1x16xf32> to vector<1x16xf32>
        %swap3A_583 = vector.shape_cast %mul3A_574 : vector<1x16xf32> to vector<1x16xf32>
        tpu.vector_store %swap3A_578[%swap3A_579, %swap3A_580], %swap3A_583 {strides = array<i32>} : memref<32x128xf32, #tpu.memory_space<vmem>>, vector<1x16xf32>,
        %get3A_584 = arith.constant 0 : i32
        %get3A_585 = arith.constant 0 : i32
        %get3A_586 = tpu.memref_slice %arg10[%scan3A_232, %get3A_584, %get3A_585] : memref<2x32x128xf32, #tpu.memory_space<vmem>> -> memref<1x32x128xf32, #tpu.memory_space<vmem>>
        %get3A_587 = tpu.memref_squeeze %get3A_586 : memref<1x32x128xf32, #tpu.memory_space<vmem>> -> memref<32x128xf32, #tpu.memory_space<vmem>>
        %get3A_588 = arith.index_cast %add3A_453 : i32 to index
        %get3A_589 = arith.constant 80 : index
        %get3A_590 = tpu.vector_load %get3A_587[%get3A_588, %get3A_589] {strides = array<i32>} : memref<32x128xf32, #tpu.memory_space<vmem>>, vector<1x16xf32>,
        %get3A_591 = vector.shape_cast %get3A_590 : vector<1x16xf32> to vector<1x16xf32>
        %get3A_592 = arith.constant 0 : i32
        %get3A_593 = arith.constant 0 : i32
        %get3A_594 = tpu.memref_slice %arg11[%scan3A_233, %get3A_592, %get3A_593] : memref<2x32x128xf32, #tpu.memory_space<vmem>> -> memref<1x32x128xf32, #tpu.memory_space<vmem>>
        %get3A_595 = tpu.memref_squeeze %get3A_594 : memref<1x32x128xf32, #tpu.memory_space<vmem>> -> memref<32x128xf32, #tpu.memory_space<vmem>>
        %get3A_596 = arith.index_cast %add3A_453 : i32 to index
        %get3A_597 = arith.constant 80 : index
        %get3A_598 = tpu.vector_load %get3A_595[%get3A_596, %get3A_597] {strides = array<i32>} : memref<32x128xf32, #tpu.memory_space<vmem>>, vector<1x16xf32>,
        %get3A_599 = vector.shape_cast %get3A_598 : vector<1x16xf32> to vector<1x16xf32>
        %mul3A_600 = arith.mulf %get3A_591, %get3A_599 : vector<1x16xf32>
        %swap3A_601 = arith.constant 0 : i32
        %swap3A_602 = arith.constant 0 : i32
        %swap3A_603 = tpu.memref_slice %arg12[%scan3A_234, %swap3A_601, %swap3A_602] : memref<2x32x128xf32, #tpu.memory_space<vmem>> -> memref<1x32x128xf32, #tpu.memory_space<vmem>>
        %swap3A_604 = tpu.memref_squeeze %swap3A_603 : memref<1x32x128xf32, #tpu.memory_space<vmem>> -> memref<32x128xf32, #tpu.memory_space<vmem>>
        %swap3A_605 = arith.index_cast %add3A_453 : i32 to index
        %swap3A_606 = arith.constant 80 : index
        %swap3A_607 = tpu.vector_load %swap3A_604[%swap3A_605, %swap3A_606] {strides = array<i32>} : memref<32x128xf32, #tpu.memory_space<vmem>>, vector<1x16xf32>,
        %swap3A_608 = vector.shape_cast %swap3A_607 : vector<1x16xf32> to vector<1x16xf32>
        %swap3A_609 = vector.shape_cast %mul3A_600 : vector<1x16xf32> to vector<1x16xf32>
        tpu.vector_store %swap3A_604[%swap3A_605, %swap3A_606], %swap3A_609 {strides = array<i32>} : memref<32x128xf32, #tpu.memory_space<vmem>>, vector<1x16xf32>,
        %get3A_610 = arith.constant 0 : i32
        %get3A_611 = arith.constant 0 : i32
        %get3A_612 = tpu.memref_slice %arg10[%scan3A_232, %get3A_610, %get3A_611] : memref<2x32x128xf32, #tpu.memory_space<vmem>> -> memref<1x32x128xf32, #tpu.memory_space<vmem>>
        %get3A_613 = tpu.memref_squeeze %get3A_612 : memref<1x32x128xf32, #tpu.memory_space<vmem>> -> memref<32x128xf32, #tpu.memory_space<vmem>>
        %get3A_614 = arith.index_cast %add3A_453 : i32 to index
        %get3A_615 = arith.constant 96 : index
        %get3A_616 = tpu.vector_load %get3A_613[%get3A_614, %get3A_615] {strides = array<i32>} : memref<32x128xf32, #tpu.memory_space<vmem>>, vector<1x16xf32>,
        %get3A_617 = vector.shape_cast %get3A_616 : vector<1x16xf32> to vector<1x16xf32>
        %get3A_618 = arith.constant 0 : i32
        %get3A_619 = arith.constant 0 : i32
        %get3A_620 = tpu.memref_slice %arg11[%scan3A_233, %get3A_618, %get3A_619] : memref<2x32x128xf32, #tpu.memory_space<vmem>> -> memref<1x32x128xf32, #tpu.memory_space<vmem>>
        %get3A_621 = tpu.memref_squeeze %get3A_620 : memref<1x32x128xf32, #tpu.memory_space<vmem>> -> memref<32x128xf32, #tpu.memory_space<vmem>>
        %get3A_622 = arith.index_cast %add3A_453 : i32 to index
        %get3A_623 = arith.constant 96 : index
        %get3A_624 = tpu.vector_load %get3A_621[%get3A_622, %get3A_623] {strides = array<i32>} : memref<32x128xf32, #tpu.memory_space<vmem>>, vector<1x16xf32>,
        %get3A_625 = vector.shape_cast %get3A_624 : vector<1x16xf32> to vector<1x16xf32>
        %mul3A_626 = arith.mulf %get3A_617, %get3A_625 : vector<1x16xf32>
        %swap3A_627 = arith.constant 0 : i32
        %swap3A_628 = arith.constant 0 : i32
        %swap3A_629 = tpu.memref_slice %arg12[%scan3A_234, %swap3A_627, %swap3A_628] : memref<2x32x128xf32, #tpu.memory_space<vmem>> -> memref<1x32x128xf32, #tpu.memory_space<vmem>>
        %swap3A_630 = tpu.memref_squeeze %swap3A_629 : memref<1x32x128xf32, #tpu.memory_space<vmem>> -> memref<32x128xf32, #tpu.memory_space<vmem>>
        %swap3A_631 = arith.index_cast %add3A_453 : i32 to index
        %swap3A_632 = arith.constant 96 : index
        %swap3A_633 = tpu.vector_load %swap3A_630[%swap3A_631, %swap3A_632] {strides = array<i32>} : memref<32x128xf32, #tpu.memory_space<vmem>>, vector<1x16xf32>,
        %swap3A_634 = vector.shape_cast %swap3A_633 : vector<1x16xf32> to vector<1x16xf32>
        %swap3A_635 = vector.shape_cast %mul3A_626 : vector<1x16xf32> to vector<1x16xf32>
        tpu.vector_store %swap3A_630[%swap3A_631, %swap3A_632], %swap3A_635 {strides = array<i32>} : memref<32x128xf32, #tpu.memory_space<vmem>>, vector<1x16xf32>,
        %get3A_636 = arith.constant 0 : i32
        %get3A_637 = arith.constant 0 : i32
        %get3A_638 = tpu.memref_slice %arg10[%scan3A_232, %get3A_636, %get3A_637] : memref<2x32x128xf32, #tpu.memory_space<vmem>> -> memref<1x32x128xf32, #tpu.memory_space<vmem>>
        %get3A_639 = tpu.memref_squeeze %get3A_638 : memref<1x32x128xf32, #tpu.memory_space<vmem>> -> memref<32x128xf32, #tpu.memory_space<vmem>>
        %get3A_640 = arith.index_cast %add3A_453 : i32 to index
        %get3A_641 = arith.constant 112 : index
        %get3A_642 = tpu.vector_load %get3A_639[%get3A_640, %get3A_641] {strides = array<i32>} : memref<32x128xf32, #tpu.memory_space<vmem>>, vector<1x16xf32>,
        %get3A_643 = vector.shape_cast %get3A_642 : vector<1x16xf32> to vector<1x16xf32>
        %get3A_644 = arith.constant 0 : i32
        %get3A_645 = arith.constant 0 : i32
        %get3A_646 = tpu.memref_slice %arg11[%scan3A_233, %get3A_644, %get3A_645] : memref<2x32x128xf32, #tpu.memory_space<vmem>> -> memref<1x32x128xf32, #tpu.memory_space<vmem>>
        %get3A_647 = tpu.memref_squeeze %get3A_646 : memref<1x32x128xf32, #tpu.memory_space<vmem>> -> memref<32x128xf32, #tpu.memory_space<vmem>>
        %get3A_648 = arith.index_cast %add3A_453 : i32 to index
        %get3A_649 = arith.constant 112 : index
        %get3A_650 = tpu.vector_load %get3A_647[%get3A_648, %get3A_649] {strides = array<i32>} : memref<32x128xf32, #tpu.memory_space<vmem>>, vector<1x16xf32>,
        %get3A_651 = vector.shape_cast %get3A_650 : vector<1x16xf32> to vector<1x16xf32>
        %mul3A_652 = arith.mulf %get3A_643, %get3A_651 : vector<1x16xf32>
        %swap3A_653 = arith.constant 0 : i32
        %swap3A_654 = arith.constant 0 : i32
        %swap3A_655 = tpu.memref_slice %arg12[%scan3A_234, %swap3A_653, %swap3A_654] : memref<2x32x128xf32, #tpu.memory_space<vmem>> -> memref<1x32x128xf32, #tpu.memory_space<vmem>>
        %swap3A_656 = tpu.memref_squeeze %swap3A_655 : memref<1x32x128xf32, #tpu.memory_space<vmem>> -> memref<32x128xf32, #tpu.memory_space<vmem>>
        %swap3A_657 = arith.index_cast %add3A_453 : i32 to index
        %swap3A_658 = arith.constant 112 : index
        %swap3A_659 = tpu.vector_load %swap3A_656[%swap3A_657, %swap3A_658] {strides = array<i32>} : memref<32x128xf32, #tpu.memory_space<vmem>>, vector<1x16xf32>,
        %swap3A_660 = vector.shape_cast %swap3A_659 : vector<1x16xf32> to vector<1x16xf32>
        %swap3A_661 = vector.shape_cast %mul3A_652 : vector<1x16xf32> to vector<1x16xf32>
        tpu.vector_store %swap3A_656[%swap3A_657, %swap3A_658], %swap3A_661 {strides = array<i32>} : memref<32x128xf32, #tpu.memory_space<vmem>>, vector<1x16xf32>,
      }
      %scan3A_239 = arith.constant 32 : i32
      %add3A_240 = arith.constant 2 : i32
      %add3A_241 = arith.addi %add3A_194, %add3A_240 : i32
      %lt3A = arith.constant 320 : i32
      %lt3A_242 = arith.cmpi slt, %add3A_241, %lt3A : i32
      %convert_element_type3A_243 = arith.extui %lt3A_242 : i1 to i32
      %cond3A_244 = arith.constant 0 : i32
      %cond3A_245 = arith.cmpi ne, %convert_element_type3A_243, %cond3A_244 : i32
      scf.if %cond3A_245 {
        %add3A_449 = arith.constant 2 : i32
        %add3A_450 = arith.addi %add3A_194, %add3A_449 : i32
        %jit3A_451 = arith.constant 4 : i32
        %div3A_452 = arith.divsi %add3A_450, %jit3A_451 : i32
        %sign3A_453 = arith.constant 0 : i32
        %sign3A_454 = arith.cmpi sgt, %add3A_450, %sign3A_453 : i32
        %sign3A_455 = arith.extui %sign3A_454 : i1 to i32
        %sign3A_456 = arith.constant 0 : i32
        %sign3A_457 = arith.cmpi slt, %add3A_450, %sign3A_456 : i32
        %sign3A_458 = arith.extui %sign3A_457 : i1 to i32
        %sign3A_459 = arith.subi %sign3A_455, %sign3A_458 : i32
        %sign3A_460 = arith.constant 0 : i32
        %sign3A_461 = arith.cmpi sgt, %jit3A_451, %sign3A_460 : i32
        %sign3A_462 = arith.extui %sign3A_461 : i1 to i32
        %sign3A_463 = arith.constant 0 : i32
        %sign3A_464 = arith.cmpi slt, %jit3A_451, %sign3A_463 : i32
        %sign3A_465 = arith.extui %sign3A_464 : i1 to i32
        %sign3A_466 = arith.subi %sign3A_462, %sign3A_465 : i32
        %ne3A_467 = arith.cmpi ne, %sign3A_459, %sign3A_466 : i32
        %rem3A_468 = arith.remsi %add3A_450, %jit3A_451 : i32
        %ne3A_469 = arith.constant 0 : i32
        %ne3A_470 = arith.cmpi ne, %rem3A_468, %ne3A_469 : i32
        %and3A_471 = arith.andi %ne3A_467, %ne3A_470 : i1
        %sub3A_472 = arith.constant 1 : i32
        %sub3A_473 = arith.subi %div3A_452, %sub3A_472 : i32
        %select_n3A_474 = arith.select %and3A_471, %sub3A_473, %div3A_452 : i32
        %jit3A_475 = arith.constant 4 : i32
        %eq3A_476 = arith.constant 0 : i32
        %eq3A_477 = arith.cmpi eq, %jit3A_475, %eq3A_476 : i32
        %jit3A_478 = arith.constant 1 : i32
        %select_n3A_479 = arith.select %eq3A_477, %jit3A_478, %jit3A_475 : i32
        %rem3A_480 = arith.remsi %add3A_450, %select_n3A_479 : i32
        %ne3A_481 = arith.constant 0 : i32
        %ne3A_482 = arith.cmpi ne, %rem3A_480, %ne3A_481 : i32
        %lt3A_483 = arith.constant 0 : i32
        %lt3A_484 = arith.cmpi slt, %rem3A_480, %lt3A_483 : i32
        %lt3A_485 = arith.constant 0 : i32
        %lt3A_486 = arith.cmpi slt, %select_n3A_479, %lt3A_485 : i32
        %ne3A_487 = arith.xori %lt3A_484, %lt3A_486 : i1
        %and3A_488 = arith.andi %ne3A_487, %ne3A_482 : i1
        %add3A_489 = arith.addi %rem3A_480, %select_n3A_479 : i32
        %select_n3A_490 = arith.select %and3A_488, %add3A_489, %rem3A_480 : i32
        %mul3A_491 = arith.constant 32 : i32
        %mul3A_492 = arith.muli %select_n3A_490, %mul3A_491 : i32
        %dma_start3A_493 = arith.constant 0 : i32
        %dma_start3A_494 = arith.constant 0 : i32
        %dma_start3A_495 = arith.constant 0 : i32
        %dma_start3A_496 = arith.constant 0 : i32
        %dma_start3A_497 = tpu.memref_slice %arg10[%dma_start3A_493, %dma_start3A_495, %dma_start3A_496] : memref<2x32x128xf32, #tpu.memory_space<vmem>> -> memref<1x32x128xf32, #tpu.memory_space<vmem>>
        %dma_start3A_498 = tpu.memref_squeeze %dma_start3A_497 : memref<1x32x128xf32, #tpu.memory_space<vmem>> -> memref<32x128xf32, #tpu.memory_space<vmem>>
        %dma_start3A_499 = tpu.memref_slice %arg8[%select_n3A_474, %mul3A_492] : memref<80x128xi32, #tpu.memory_space<vmem>> -> memref<1x32xi32, #tpu.memory_space<vmem>>
        %dma_start3A_500 = tpu.memref_squeeze %dma_start3A_499 : memref<1x32xi32, #tpu.memory_space<vmem>> -> memref<32xi32, #tpu.memory_space<vmem>>
        %dma_start3A_501 = arith.constant 0 : i32
        %dma_start3A_502 = arith.constant 0 : i32
        %dma_start3A_503 = tpu.memref_slice %arg2[%dma_start3A_501, %dma_start3A_502] : memref<10000x128xf32, #tpu.memory_space<hbm>> -> memref<10000x128xf32, #tpu.memory_space<hbm>>
        %dma_start3A_504 = tpu.memref_slice %arg15[%dma_start3A_494] : memref<2x!tpu.dma_semaphore, #tpu.memory_space<semaphore_mem>> -> memref<1x!tpu.dma_semaphore, #tpu.memory_space<semaphore_mem>>
        %dma_start3A_505 = tpu.memref_squeeze %dma_start3A_504 : memref<1x!tpu.dma_semaphore, #tpu.memory_space<semaphore_mem>> -> memref<!tpu.dma_semaphore, #tpu.memory_space<semaphore_mem>>
        tpu.enqueue_indirect_dma source(%dma_start3A_503 : memref<10000x128xf32, #tpu.memory_space<hbm>>) target(%dma_start3A_498 : memref<32x128xf32, #tpu.memory_space<vmem>>) offsets(%dma_start3A_500 : memref<32xi32, #tpu.memory_space<vmem>>) semaphore(%dma_start3A_505 : memref<!tpu.dma_semaphore, #tpu.memory_space<semaphore_mem>>)
        %mul3A_506 = arith.constant 320 : i32
        %mul3A_507 = arith.muli %add3A, %mul3A_506 : i32
        %add3A_508 = arith.addi %mul3A_507, %add3A_450 : i32
        %mul3A_509 = arith.constant 32 : i32
        %mul3A_510 = arith.muli %add3A_508, %mul3A_509 : i32
        %dma_start3A_511 = arith.constant 0 : i32
        %dma_start3A_512 = arith.constant 0 : i32
        %dma_start3A_513 = arith.constant 0 : i32
        %dma_start3A_514 = arith.constant 0 : i32
        %dma_start3A_515 = tpu.memref_slice %arg11[%dma_start3A_511, %dma_start3A_513, %dma_start3A_514] : memref<2x32x128xf32, #tpu.memory_space<vmem>> -> memref<1x32x128xf32, #tpu.memory_space<vmem>>
        %dma_start3A_516 = tpu.memref_squeeze %dma_start3A_515 : memref<1x32x128xf32, #tpu.memory_space<vmem>> -> memref<32x128xf32, #tpu.memory_space<vmem>>
        %dma_start3A_517 = arith.constant 0 : i32
        %dma_start3A_518 = tpu.memref_slice %arg3[%mul3A_510, %dma_start3A_517] : memref<327680x128xf32, #tpu.memory_space<hbm>> -> memref<32x128xf32, #tpu.memory_space<hbm>>
        %dma_start3A_519 = tpu.memref_slice %arg16[%dma_start3A_512] : memref<2x!tpu.dma_semaphore, #tpu.memory_space<semaphore_mem>> -> memref<1x!tpu.dma_semaphore, #tpu.memory_space<semaphore_mem>>
        %dma_start3A_520 = tpu.memref_squeeze %dma_start3A_519 : memref<1x!tpu.dma_semaphore, #tpu.memory_space<semaphore_mem>> -> memref<!tpu.dma_semaphore, #tpu.memory_space<semaphore_mem>>
        %dma_start3A_521 = arith.constant 0 : i32
        %dma_start3A_522 = arith.constant 0 : i32
        %dma_start3A_523 = tpu.memref_slice %arg11[%dma_start3A_511, %dma_start3A_521, %dma_start3A_522] : memref<2x32x128xf32, #tpu.memory_space<vmem>> -> memref<1x32x128xf32, #tpu.memory_space<vmem>>
        %dma_start3A_524 = tpu.memref_squeeze %dma_start3A_523 : memref<1x32x128xf32, #tpu.memory_space<vmem>> -> memref<32x128xf32, #tpu.memory_space<vmem>>
        %dma_start3A_525 = arith.constant 0 : i32
        %dma_start3A_526 = tpu.memref_slice %arg3[%mul3A_510, %dma_start3A_525] : memref<327680x128xf32, #tpu.memory_space<hbm>> -> memref<32x128xf32, #tpu.memory_space<hbm>>
        tpu.enqueue_dma source(%dma_start3A_526 : memref<32x128xf32, #tpu.memory_space<hbm>>) target(%dma_start3A_524 : memref<32x128xf32, #tpu.memory_space<vmem>>) target_semaphore(%dma_start3A_520 : memref<!tpu.dma_semaphore, #tpu.memory_space<semaphore_mem>>)
      } else {
      }
      %jit3A = arith.constant 4 : i32
      %div3A = arith.divsi %add3A_194, %jit3A : i32
      %sign3A = arith.constant 0 : i32
      %sign3A_246 = arith.cmpi sgt, %add3A_194, %sign3A : i32
      %sign3A_247 = arith.extui %sign3A_246 : i1 to i32
      %sign3A_248 = arith.constant 0 : i32
      %sign3A_249 = arith.cmpi slt, %add3A_194, %sign3A_248 : i32
      %sign3A_250 = arith.extui %sign3A_249 : i1 to i32
      %sign3A_251 = arith.subi %sign3A_247, %sign3A_250 : i32
      %sign3A_252 = arith.constant 0 : i32
      %sign3A_253 = arith.cmpi sgt, %jit3A, %sign3A_252 : i32
      %sign3A_254 = arith.extui %sign3A_253 : i1 to i32
      %sign3A_255 = arith.constant 0 : i32
      %sign3A_256 = arith.cmpi slt, %jit3A, %sign3A_255 : i32
      %sign3A_257 = arith.extui %sign3A_256 : i1 to i32
      %sign3A_258 = arith.subi %sign3A_254, %sign3A_257 : i32
      %ne3A = arith.cmpi ne, %sign3A_251, %sign3A_258 : i32
      %rem3A = arith.remsi %add3A_194, %jit3A : i32
      %ne3A_259 = arith.constant 0 : i32
      %ne3A_260 = arith.cmpi ne, %rem3A, %ne3A_259 : i32
      %and3A = arith.andi %ne3A, %ne3A_260 : i1
      %sub3A = arith.constant 1 : i32
      %sub3A_261 = arith.subi %div3A, %sub3A : i32
      %select_n3A = arith.select %and3A, %sub3A_261, %div3A : i32
      %jit3A_262 = arith.constant 4 : i32
      %eq3A_263 = arith.constant 0 : i32
      %eq3A_264 = arith.cmpi eq, %jit3A_262, %eq3A_263 : i32
      %jit3A_265 = arith.constant 1 : i32
      %select_n3A_266 = arith.select %eq3A_264, %jit3A_265, %jit3A_262 : i32
      %rem3A_267 = arith.remsi %add3A_194, %select_n3A_266 : i32
      %ne3A_268 = arith.constant 0 : i32
      %ne3A_269 = arith.cmpi ne, %rem3A_267, %ne3A_268 : i32
      %lt3A_270 = arith.constant 0 : i32
      %lt3A_271 = arith.cmpi slt, %rem3A_267, %lt3A_270 : i32
      %lt3A_272 = arith.constant 0 : i32
      %lt3A_273 = arith.cmpi slt, %select_n3A_266, %lt3A_272 : i32
      %ne3A_274 = arith.xori %lt3A_271, %lt3A_273 : i1
      %and3A_275 = arith.andi %ne3A_274, %ne3A_269 : i1
      %add3A_276 = arith.addi %rem3A_267, %select_n3A_266 : i32
      %select_n3A_277 = arith.select %and3A_275, %add3A_276, %rem3A_267 : i32
      %mul3A_278 = arith.constant 32 : i32
      %mul3A_279 = arith.muli %select_n3A_277, %mul3A_278 : i32
      %get3A = tpu.memref_slice %arg9[%select_n3A, %mul3A_279] : memref<80x128xi32, #tpu.memory_space<vmem>> -> memref<1x32xi32, #tpu.memory_space<vmem>>
      %get3A_280 = tpu.memref_squeeze %get3A : memref<1x32xi32, #tpu.memory_space<vmem>> -> memref<32xi32, #tpu.memory_space<vmem>>
      %get3A_281 = arith.constant 0 : index
      %get3A_282 = tpu.vector_load %get3A_280[%get3A_281] {strides = array<i32>} : memref<32xi32, #tpu.memory_space<vmem>>, vector<16xi32>,
      %get3A_283 = vector.shape_cast %get3A_282 : vector<16xi32> to vector<16xi32>
      %swap3A = arith.constant 0 : i32
      %swap3A_284 = arith.index_cast %swap3A : i32 to index
      %swap3A_285 = arith.constant 0 : index
      %swap3A_286 = tpu.vector_load %arg13[%swap3A_284, %swap3A_285] {strides = array<i32>} : memref<2x32xi32, #tpu.memory_space<vmem>>, vector<1x16xi32>,
      %swap3A_287 = vector.shape_cast %swap3A_286 : vector<1x16xi32> to vector<16xi32>
      %swap3A_288 = vector.shape_cast %get3A_283 : vector<16xi32> to vector<1x16xi32>
      tpu.vector_store %arg13[%swap3A_284, %swap3A_285], %swap3A_288 {strides = array<i32>} : memref<2x32xi32, #tpu.memory_space<vmem>>, vector<1x16xi32>,
      %get3A_289 = tpu.memref_slice %arg9[%select_n3A, %mul3A_279] : memref<80x128xi32, #tpu.memory_space<vmem>> -> memref<1x32xi32, #tpu.memory_space<vmem>>
      %get3A_290 = tpu.memref_squeeze %get3A_289 : memref<1x32xi32, #tpu.memory_space<vmem>> -> memref<32xi32, #tpu.memory_space<vmem>>
      %get3A_291 = arith.constant 16 : index
      %get3A_292 = tpu.vector_load %get3A_290[%get3A_291] {strides = array<i32>} : memref<32xi32, #tpu.memory_space<vmem>>, vector<16xi32>,
      %get3A_293 = vector.shape_cast %get3A_292 : vector<16xi32> to vector<16xi32>
      %swap3A_294 = arith.constant 0 : i32
      %swap3A_295 = arith.index_cast %swap3A_294 : i32 to index
      %swap3A_296 = arith.constant 16 : index
      %swap3A_297 = tpu.vector_load %arg13[%swap3A_295, %swap3A_296] {strides = array<i32>} : memref<2x32xi32, #tpu.memory_space<vmem>>, vector<1x16xi32>,
      %swap3A_298 = vector.shape_cast %swap3A_297 : vector<1x16xi32> to vector<16xi32>
      %swap3A_299 = vector.shape_cast %get3A_293 : vector<16xi32> to vector<1x16xi32>
      tpu.vector_store %arg13[%swap3A_295, %swap3A_296], %swap3A_299 {strides = array<i32>} : memref<2x32xi32, #tpu.memory_space<vmem>>, vector<1x16xi32>,
      %dma_start3A_300 = arith.constant 0 : i32
      %dma_start3A_301 = arith.constant 0 : i32
      %dma_start3A_302 = arith.constant 0 : i32
      %dma_start3A_303 = arith.constant 0 : i32
      %dma_start3A_304 = arith.constant 0 : i32
      %dma_start3A_305 = tpu.memref_slice %arg12[%dma_start3A_300, %dma_start3A_303, %dma_start3A_304] : memref<2x32x128xf32, #tpu.memory_space<vmem>> -> memref<1x32x128xf32, #tpu.memory_space<vmem>>
      %dma_start3A_306 = tpu.memref_squeeze %dma_start3A_305 : memref<1x32x128xf32, #tpu.memory_space<vmem>> -> memref<32x128xf32, #tpu.memory_space<vmem>>
      %dma_start3A_307 = arith.constant 0 : i32
      %dma_start3A_308 = tpu.memref_slice %arg13[%dma_start3A_301, %dma_start3A_307] : memref<2x32xi32, #tpu.memory_space<vmem>> -> memref<1x32xi32, #tpu.memory_space<vmem>>
      %dma_start3A_309 = tpu.memref_squeeze %dma_start3A_308 : memref<1x32xi32, #tpu.memory_space<vmem>> -> memref<32xi32, #tpu.memory_space<vmem>>
      %dma_start3A_310 = arith.constant 0 : i32
      %dma_start3A_311 = arith.constant 0 : i32
      %dma_start3A_312 = tpu.memref_slice %arg14[%dma_start3A_310, %dma_start3A_311] : memref<10240x128xf32, #tpu.memory_space<vmem_shared>> -> memref<10240x128xf32, #tpu.memory_space<vmem_shared>>
      %dma_start3A_313 = tpu.memref_slice %arg17[%dma_start3A_302] : memref<2x!tpu.dma_semaphore, #tpu.memory_space<semaphore_mem>> -> memref<1x!tpu.dma_semaphore, #tpu.memory_space<semaphore_mem>>
      %dma_start3A_314 = tpu.memref_squeeze %dma_start3A_313 : memref<1x!tpu.dma_semaphore, #tpu.memory_space<semaphore_mem>> -> memref<!tpu.dma_semaphore, #tpu.memory_space<semaphore_mem>>
      tpu.enqueue_indirect_dma source(%dma_start3A_306 : memref<32x128xf32, #tpu.memory_space<vmem>>) target(%dma_start3A_312 : memref<10240x128xf32, #tpu.memory_space<vmem_shared>>) offsets(%dma_start3A_309 : memref<32xi32, #tpu.memory_space<vmem>>) semaphore(%dma_start3A_314 : memref<!tpu.dma_semaphore, #tpu.memory_space<semaphore_mem>>) {add = true}
      %add3A_315 = arith.constant 1 : i32
      %add3A_316 = arith.addi %mul3A_192, %add3A_315 : i32
      %dma_wait3A_317 = arith.constant 0 : i32
      %dma_wait3A_318 = arith.constant 1 : i32
      %dma_wait3A_319 = arith.constant 1 : i32
      %dma_wait3A_320 = arith.constant 0 : i32
      %dma_wait3A_321 = arith.constant 0 : i32
      %dma_wait3A_322 = tpu.memref_slice %arg10[%dma_wait3A_318, %dma_wait3A_320, %dma_wait3A_321] : memref<2x32x128xf32, #tpu.memory_space<vmem>> -> memref<1x32x128xf32, #tpu.memory_space<vmem>>
      %dma_wait3A_323 = tpu.memref_squeeze %dma_wait3A_322 : memref<1x32x128xf32, #tpu.memory_space<vmem>> -> memref<32x128xf32, #tpu.memory_space<vmem>>
      %dma_wait3A_324 = arith.constant 0 : i32
      %dma_wait3A_325 = tpu.memref_slice %arg8[%dma_wait3A_317, %dma_wait3A_324] : memref<80x128xi32, #tpu.memory_space<vmem>> -> memref<1x32xi32, #tpu.memory_space<vmem>>
      %dma_wait3A_326 = tpu.memref_squeeze %dma_wait3A_325 : memref<1x32xi32, #tpu.memory_space<vmem>> -> memref<32xi32, #tpu.memory_space<vmem>>
      %dma_wait3A_327 = arith.constant 0 : i32
      %dma_wait3A_328 = arith.constant 0 : i32
      %dma_wait3A_329 = tpu.memref_slice %arg2[%dma_wait3A_327, %dma_wait3A_328] : memref<10000x128xf32, #tpu.memory_space<hbm>> -> memref<10000x128xf32, #tpu.memory_space<hbm>>
      %dma_wait3A_330 = tpu.memref_slice %arg15[%dma_wait3A_319] : memref<2x!tpu.dma_semaphore, #tpu.memory_space<semaphore_mem>> -> memref<1x!tpu.dma_semaphore, #tpu.memory_space<semaphore_mem>>
      %dma_wait3A_331 = tpu.memref_squeeze %dma_wait3A_330 : memref<1x!tpu.dma_semaphore, #tpu.memory_space<semaphore_mem>> -> memref<!tpu.dma_semaphore, #tpu.memory_space<semaphore_mem>>
      tpu.wait_indirect_dma semaphore(%dma_wait3A_331 : memref<!tpu.dma_semaphore, #tpu.memory_space<semaphore_mem>>) src(%dma_wait3A_329 : memref<10000x128xf32, #tpu.memory_space<hbm>>) dst(%dma_wait3A_323 : memref<32x128xf32, #tpu.memory_space<vmem>>)
      %dma_wait3A_332 = arith.constant 1 : i32
      %dma_wait3A_333 = arith.constant 1 : i32
      %dma_wait3A_334 = arith.constant 0 : i32
      %dma_wait3A_335 = arith.constant 0 : i32
      %dma_wait3A_336 = tpu.memref_slice %arg11[%dma_wait3A_332, %dma_wait3A_334, %dma_wait3A_335] : memref<2x32x128xf32, #tpu.memory_space<vmem>> -> memref<1x32x128xf32, #tpu.memory_space<vmem>>
      %dma_wait3A_337 = tpu.memref_squeeze %dma_wait3A_336 : memref<1x32x128xf32, #tpu.memory_space<vmem>> -> memref<32x128xf32, #tpu.memory_space<vmem>>
      %dma_wait3A_338 = arith.constant 0 : i32
      %dma_wait3A_339 = arith.constant 0 : i32
      %dma_wait3A_340 = tpu.memref_slice %arg3[%dma_wait3A_338, %dma_wait3A_339] : memref<327680x128xf32, #tpu.memory_space<hbm>> -> memref<32x128xf32, #tpu.memory_space<hbm>>
      %dma_wait3A_341 = tpu.memref_slice %arg16[%dma_wait3A_333] : memref<2x!tpu.dma_semaphore, #tpu.memory_space<semaphore_mem>> -> memref<1x!tpu.dma_semaphore, #tpu.memory_space<semaphore_mem>>
      %dma_wait3A_342 = tpu.memref_squeeze %dma_wait3A_341 : memref<1x!tpu.dma_semaphore, #tpu.memory_space<semaphore_mem>> -> memref<!tpu.dma_semaphore, #tpu.memory_space<semaphore_mem>>
      %dma_wait3A_343 = arith.constant 0 : i32
      %dma_wait3A_344 = arith.constant 0 : i32
      %dma_wait3A_345 = tpu.memref_slice %arg11[%dma_wait3A_332, %dma_wait3A_343, %dma_wait3A_344] : memref<2x32x128xf32, #tpu.memory_space<vmem>> -> memref<1x32x128xf32, #tpu.memory_space<vmem>>
      %dma_wait3A_346 = tpu.memref_squeeze %dma_wait3A_345 : memref<1x32x128xf32, #tpu.memory_space<vmem>> -> memref<32x128xf32, #tpu.memory_space<vmem>>
      %dma_wait3A_347 = arith.constant 0 : i32
      %dma_wait3A_348 = arith.constant 0 : i32
      %dma_wait3A_349 = tpu.memref_slice %arg3[%dma_wait3A_347, %dma_wait3A_348] : memref<327680x128xf32, #tpu.memory_space<hbm>> -> memref<32x128xf32, #tpu.memory_space<hbm>>
      tpu.wait_dma2 semaphore(%dma_wait3A_342 : memref<!tpu.dma_semaphore, #tpu.memory_space<semaphore_mem>>) src(%dma_wait3A_349 : memref<32x128xf32, #tpu.memory_space<hbm>>) dst(%dma_wait3A_346 : memref<32x128xf32, #tpu.memory_space<vmem>>)
      %gt3A_350 = arith.constant 0 : i32
      %gt3A_351 = arith.cmpi sgt, %add3A_190, %gt3A_350 : i32
      %convert_element_type3A_352 = arith.extui %gt3A_351 : i1 to i32
      %cond3A_353 = arith.constant 0 : i32
      %cond3A_354 = arith.cmpi ne, %convert_element_type3A_352, %cond3A_353 : i32
      scf.if %cond3A_354 {
        %dma_wait3A_449 = arith.constant 1 : i32
        %dma_wait3A_450 = arith.constant 1 : i32
        %dma_wait3A_451 = arith.constant 1 : i32
        %dma_wait3A_452 = arith.constant 0 : i32
        %dma_wait3A_453 = arith.constant 0 : i32
        %dma_wait3A_454 = tpu.memref_slice %arg12[%dma_wait3A_449, %dma_wait3A_452, %dma_wait3A_453] : memref<2x32x128xf32, #tpu.memory_space<vmem>> -> memref<1x32x128xf32, #tpu.memory_space<vmem>>
        %dma_wait3A_455 = tpu.memref_squeeze %dma_wait3A_454 : memref<1x32x128xf32, #tpu.memory_space<vmem>> -> memref<32x128xf32, #tpu.memory_space<vmem>>
        %dma_wait3A_456 = arith.constant 0 : i32
        %dma_wait3A_457 = tpu.memref_slice %arg13[%dma_wait3A_450, %dma_wait3A_456] : memref<2x32xi32, #tpu.memory_space<vmem>> -> memref<1x32xi32, #tpu.memory_space<vmem>>
        %dma_wait3A_458 = tpu.memref_squeeze %dma_wait3A_457 : memref<1x32xi32, #tpu.memory_space<vmem>> -> memref<32xi32, #tpu.memory_space<vmem>>
        %dma_wait3A_459 = arith.constant 0 : i32
        %dma_wait3A_460 = arith.constant 0 : i32
        %dma_wait3A_461 = tpu.memref_slice %arg14[%dma_wait3A_459, %dma_wait3A_460] : memref<10240x128xf32, #tpu.memory_space<vmem_shared>> -> memref<10240x128xf32, #tpu.memory_space<vmem_shared>>
        %dma_wait3A_462 = tpu.memref_slice %arg17[%dma_wait3A_451] : memref<2x!tpu.dma_semaphore, #tpu.memory_space<semaphore_mem>> -> memref<1x!tpu.dma_semaphore, #tpu.memory_space<semaphore_mem>>
        %dma_wait3A_463 = tpu.memref_squeeze %dma_wait3A_462 : memref<1x!tpu.dma_semaphore, #tpu.memory_space<semaphore_mem>> -> memref<!tpu.dma_semaphore, #tpu.memory_space<semaphore_mem>>
        tpu.wait_indirect_dma semaphore(%dma_wait3A_463 : memref<!tpu.dma_semaphore, #tpu.memory_space<semaphore_mem>>) src(%dma_wait3A_455 : memref<32x128xf32, #tpu.memory_space<vmem>>) dst(%dma_wait3A_461 : memref<10240x128xf32, #tpu.memory_space<vmem_shared>>)
      } else {
      }
      %scan3A_355 = arith.constant 1 : i32
      %scan3A_356 = arith.constant 1 : i32
      %scan3A_357 = arith.constant 1 : i32
      %scan3A_358 = arith.constant 0 : i32
      %scan3A_359 = arith.constant 32 : i32
      %scan3A_360 = arith.addi %scan3A_358, %scan3A_359 : i32
      %scan3A_361 = arith.constant 1 : i32
      scf.for %scan3A_449 = %scan3A_358 to %scan3A_360 step %scan3A_361  : i32 {
        %mul3A_450 = arith.constant 1 : i32
        %mul3A_451 = arith.muli %scan3A_449, %mul3A_450 : i32
        %add3A_452 = arith.constant 0 : i32
        %add3A_453 = arith.addi %add3A_452, %mul3A_451 : i32
        %get3A_454 = arith.constant 0 : i32
        %get3A_455 = arith.constant 0 : i32
        %get3A_456 = tpu.memref_slice %arg10[%scan3A_355, %get3A_454, %get3A_455] : memref<2x32x128xf32, #tpu.memory_space<vmem>> -> memref<1x32x128xf32, #tpu.memory_space<vmem>>
        %get3A_457 = tpu.memref_squeeze %get3A_456 : memref<1x32x128xf32, #tpu.memory_space<vmem>> -> memref<32x128xf32, #tpu.memory_space<vmem>>
        %get3A_458 = arith.index_cast %add3A_453 : i32 to index
        %get3A_459 = arith.constant 0 : index
        %get3A_460 = tpu.vector_load %get3A_457[%get3A_458, %get3A_459] {strides = array<i32>} : memref<32x128xf32, #tpu.memory_space<vmem>>, vector<1x16xf32>,
        %get3A_461 = vector.shape_cast %get3A_460 : vector<1x16xf32> to vector<1x16xf32>
        %get3A_462 = arith.constant 0 : i32
        %get3A_463 = arith.constant 0 : i32
        %get3A_464 = tpu.memref_slice %arg11[%scan3A_356, %get3A_462, %get3A_463] : memref<2x32x128xf32, #tpu.memory_space<vmem>> -> memref<1x32x128xf32, #tpu.memory_space<vmem>>
        %get3A_465 = tpu.memref_squeeze %get3A_464 : memref<1x32x128xf32, #tpu.memory_space<vmem>> -> memref<32x128xf32, #tpu.memory_space<vmem>>
        %get3A_466 = arith.index_cast %add3A_453 : i32 to index
        %get3A_467 = arith.constant 0 : index
        %get3A_468 = tpu.vector_load %get3A_465[%get3A_466, %get3A_467] {strides = array<i32>} : memref<32x128xf32, #tpu.memory_space<vmem>>, vector<1x16xf32>,
        %get3A_469 = vector.shape_cast %get3A_468 : vector<1x16xf32> to vector<1x16xf32>
        %mul3A_470 = arith.mulf %get3A_461, %get3A_469 : vector<1x16xf32>
        %swap3A_471 = arith.constant 0 : i32
        %swap3A_472 = arith.constant 0 : i32
        %swap3A_473 = tpu.memref_slice %arg12[%scan3A_357, %swap3A_471, %swap3A_472] : memref<2x32x128xf32, #tpu.memory_space<vmem>> -> memref<1x32x128xf32, #tpu.memory_space<vmem>>
        %swap3A_474 = tpu.memref_squeeze %swap3A_473 : memref<1x32x128xf32, #tpu.memory_space<vmem>> -> memref<32x128xf32, #tpu.memory_space<vmem>>
        %swap3A_475 = arith.index_cast %add3A_453 : i32 to index
        %swap3A_476 = arith.constant 0 : index
        %swap3A_477 = tpu.vector_load %swap3A_474[%swap3A_475, %swap3A_476] {strides = array<i32>} : memref<32x128xf32, #tpu.memory_space<vmem>>, vector<1x16xf32>,
        %swap3A_478 = vector.shape_cast %swap3A_477 : vector<1x16xf32> to vector<1x16xf32>
        %swap3A_479 = vector.shape_cast %mul3A_470 : vector<1x16xf32> to vector<1x16xf32>
        tpu.vector_store %swap3A_474[%swap3A_475, %swap3A_476], %swap3A_479 {strides = array<i32>} : memref<32x128xf32, #tpu.memory_space<vmem>>, vector<1x16xf32>,
        %get3A_480 = arith.constant 0 : i32
        %get3A_481 = arith.constant 0 : i32
        %get3A_482 = tpu.memref_slice %arg10[%scan3A_355, %get3A_480, %get3A_481] : memref<2x32x128xf32, #tpu.memory_space<vmem>> -> memref<1x32x128xf32, #tpu.memory_space<vmem>>
        %get3A_483 = tpu.memref_squeeze %get3A_482 : memref<1x32x128xf32, #tpu.memory_space<vmem>> -> memref<32x128xf32, #tpu.memory_space<vmem>>
        %get3A_484 = arith.index_cast %add3A_453 : i32 to index
        %get3A_485 = arith.constant 16 : index
        %get3A_486 = tpu.vector_load %get3A_483[%get3A_484, %get3A_485] {strides = array<i32>} : memref<32x128xf32, #tpu.memory_space<vmem>>, vector<1x16xf32>,
        %get3A_487 = vector.shape_cast %get3A_486 : vector<1x16xf32> to vector<1x16xf32>
        %get3A_488 = arith.constant 0 : i32
        %get3A_489 = arith.constant 0 : i32
        %get3A_490 = tpu.memref_slice %arg11[%scan3A_356, %get3A_488, %get3A_489] : memref<2x32x128xf32, #tpu.memory_space<vmem>> -> memref<1x32x128xf32, #tpu.memory_space<vmem>>
        %get3A_491 = tpu.memref_squeeze %get3A_490 : memref<1x32x128xf32, #tpu.memory_space<vmem>> -> memref<32x128xf32, #tpu.memory_space<vmem>>
        %get3A_492 = arith.index_cast %add3A_453 : i32 to index
        %get3A_493 = arith.constant 16 : index
        %get3A_494 = tpu.vector_load %get3A_491[%get3A_492, %get3A_493] {strides = array<i32>} : memref<32x128xf32, #tpu.memory_space<vmem>>, vector<1x16xf32>,
        %get3A_495 = vector.shape_cast %get3A_494 : vector<1x16xf32> to vector<1x16xf32>
        %mul3A_496 = arith.mulf %get3A_487, %get3A_495 : vector<1x16xf32>
        %swap3A_497 = arith.constant 0 : i32
        %swap3A_498 = arith.constant 0 : i32
        %swap3A_499 = tpu.memref_slice %arg12[%scan3A_357, %swap3A_497, %swap3A_498] : memref<2x32x128xf32, #tpu.memory_space<vmem>> -> memref<1x32x128xf32, #tpu.memory_space<vmem>>
        %swap3A_500 = tpu.memref_squeeze %swap3A_499 : memref<1x32x128xf32, #tpu.memory_space<vmem>> -> memref<32x128xf32, #tpu.memory_space<vmem>>
        %swap3A_501 = arith.index_cast %add3A_453 : i32 to index
        %swap3A_502 = arith.constant 16 : index
        %swap3A_503 = tpu.vector_load %swap3A_500[%swap3A_501, %swap3A_502] {strides = array<i32>} : memref<32x128xf32, #tpu.memory_space<vmem>>, vector<1x16xf32>,
        %swap3A_504 = vector.shape_cast %swap3A_503 : vector<1x16xf32> to vector<1x16xf32>
        %swap3A_505 = vector.shape_cast %mul3A_496 : vector<1x16xf32> to vector<1x16xf32>
        tpu.vector_store %swap3A_500[%swap3A_501, %swap3A_502], %swap3A_505 {strides = array<i32>} : memref<32x128xf32, #tpu.memory_space<vmem>>, vector<1x16xf32>,
        %get3A_506 = arith.constant 0 : i32
        %get3A_507 = arith.constant 0 : i32
        %get3A_508 = tpu.memref_slice %arg10[%scan3A_355, %get3A_506, %get3A_507] : memref<2x32x128xf32, #tpu.memory_space<vmem>> -> memref<1x32x128xf32, #tpu.memory_space<vmem>>
        %get3A_509 = tpu.memref_squeeze %get3A_508 : memref<1x32x128xf32, #tpu.memory_space<vmem>> -> memref<32x128xf32, #tpu.memory_space<vmem>>
        %get3A_510 = arith.index_cast %add3A_453 : i32 to index
        %get3A_511 = arith.constant 32 : index
        %get3A_512 = tpu.vector_load %get3A_509[%get3A_510, %get3A_511] {strides = array<i32>} : memref<32x128xf32, #tpu.memory_space<vmem>>, vector<1x16xf32>,
        %get3A_513 = vector.shape_cast %get3A_512 : vector<1x16xf32> to vector<1x16xf32>
        %get3A_514 = arith.constant 0 : i32
        %get3A_515 = arith.constant 0 : i32
        %get3A_516 = tpu.memref_slice %arg11[%scan3A_356, %get3A_514, %get3A_515] : memref<2x32x128xf32, #tpu.memory_space<vmem>> -> memref<1x32x128xf32, #tpu.memory_space<vmem>>
        %get3A_517 = tpu.memref_squeeze %get3A_516 : memref<1x32x128xf32, #tpu.memory_space<vmem>> -> memref<32x128xf32, #tpu.memory_space<vmem>>
        %get3A_518 = arith.index_cast %add3A_453 : i32 to index
        %get3A_519 = arith.constant 32 : index
        %get3A_520 = tpu.vector_load %get3A_517[%get3A_518, %get3A_519] {strides = array<i32>} : memref<32x128xf32, #tpu.memory_space<vmem>>, vector<1x16xf32>,
        %get3A_521 = vector.shape_cast %get3A_520 : vector<1x16xf32> to vector<1x16xf32>
        %mul3A_522 = arith.mulf %get3A_513, %get3A_521 : vector<1x16xf32>
        %swap3A_523 = arith.constant 0 : i32
        %swap3A_524 = arith.constant 0 : i32
        %swap3A_525 = tpu.memref_slice %arg12[%scan3A_357, %swap3A_523, %swap3A_524] : memref<2x32x128xf32, #tpu.memory_space<vmem>> -> memref<1x32x128xf32, #tpu.memory_space<vmem>>
        %swap3A_526 = tpu.memref_squeeze %swap3A_525 : memref<1x32x128xf32, #tpu.memory_space<vmem>> -> memref<32x128xf32, #tpu.memory_space<vmem>>
        %swap3A_527 = arith.index_cast %add3A_453 : i32 to index
        %swap3A_528 = arith.constant 32 : index
        %swap3A_529 = tpu.vector_load %swap3A_526[%swap3A_527, %swap3A_528] {strides = array<i32>} : memref<32x128xf32, #tpu.memory_space<vmem>>, vector<1x16xf32>,
        %swap3A_530 = vector.shape_cast %swap3A_529 : vector<1x16xf32> to vector<1x16xf32>
        %swap3A_531 = vector.shape_cast %mul3A_522 : vector<1x16xf32> to vector<1x16xf32>
        tpu.vector_store %swap3A_526[%swap3A_527, %swap3A_528], %swap3A_531 {strides = array<i32>} : memref<32x128xf32, #tpu.memory_space<vmem>>, vector<1x16xf32>,
        %get3A_532 = arith.constant 0 : i32
        %get3A_533 = arith.constant 0 : i32
        %get3A_534 = tpu.memref_slice %arg10[%scan3A_355, %get3A_532, %get3A_533] : memref<2x32x128xf32, #tpu.memory_space<vmem>> -> memref<1x32x128xf32, #tpu.memory_space<vmem>>
        %get3A_535 = tpu.memref_squeeze %get3A_534 : memref<1x32x128xf32, #tpu.memory_space<vmem>> -> memref<32x128xf32, #tpu.memory_space<vmem>>
        %get3A_536 = arith.index_cast %add3A_453 : i32 to index
        %get3A_537 = arith.constant 48 : index
        %get3A_538 = tpu.vector_load %get3A_535[%get3A_536, %get3A_537] {strides = array<i32>} : memref<32x128xf32, #tpu.memory_space<vmem>>, vector<1x16xf32>,
        %get3A_539 = vector.shape_cast %get3A_538 : vector<1x16xf32> to vector<1x16xf32>
        %get3A_540 = arith.constant 0 : i32
        %get3A_541 = arith.constant 0 : i32
        %get3A_542 = tpu.memref_slice %arg11[%scan3A_356, %get3A_540, %get3A_541] : memref<2x32x128xf32, #tpu.memory_space<vmem>> -> memref<1x32x128xf32, #tpu.memory_space<vmem>>
        %get3A_543 = tpu.memref_squeeze %get3A_542 : memref<1x32x128xf32, #tpu.memory_space<vmem>> -> memref<32x128xf32, #tpu.memory_space<vmem>>
        %get3A_544 = arith.index_cast %add3A_453 : i32 to index
        %get3A_545 = arith.constant 48 : index
        %get3A_546 = tpu.vector_load %get3A_543[%get3A_544, %get3A_545] {strides = array<i32>} : memref<32x128xf32, #tpu.memory_space<vmem>>, vector<1x16xf32>,
        %get3A_547 = vector.shape_cast %get3A_546 : vector<1x16xf32> to vector<1x16xf32>
        %mul3A_548 = arith.mulf %get3A_539, %get3A_547 : vector<1x16xf32>
        %swap3A_549 = arith.constant 0 : i32
        %swap3A_550 = arith.constant 0 : i32
        %swap3A_551 = tpu.memref_slice %arg12[%scan3A_357, %swap3A_549, %swap3A_550] : memref<2x32x128xf32, #tpu.memory_space<vmem>> -> memref<1x32x128xf32, #tpu.memory_space<vmem>>
        %swap3A_552 = tpu.memref_squeeze %swap3A_551 : memref<1x32x128xf32, #tpu.memory_space<vmem>> -> memref<32x128xf32, #tpu.memory_space<vmem>>
        %swap3A_553 = arith.index_cast %add3A_453 : i32 to index
        %swap3A_554 = arith.constant 48 : index
        %swap3A_555 = tpu.vector_load %swap3A_552[%swap3A_553, %swap3A_554] {strides = array<i32>} : memref<32x128xf32, #tpu.memory_space<vmem>>, vector<1x16xf32>,
        %swap3A_556 = vector.shape_cast %swap3A_555 : vector<1x16xf32> to vector<1x16xf32>
        %swap3A_557 = vector.shape_cast %mul3A_548 : vector<1x16xf32> to vector<1x16xf32>
        tpu.vector_store %swap3A_552[%swap3A_553, %swap3A_554], %swap3A_557 {strides = array<i32>} : memref<32x128xf32, #tpu.memory_space<vmem>>, vector<1x16xf32>,
        %get3A_558 = arith.constant 0 : i32
        %get3A_559 = arith.constant 0 : i32
        %get3A_560 = tpu.memref_slice %arg10[%scan3A_355, %get3A_558, %get3A_559] : memref<2x32x128xf32, #tpu.memory_space<vmem>> -> memref<1x32x128xf32, #tpu.memory_space<vmem>>
        %get3A_561 = tpu.memref_squeeze %get3A_560 : memref<1x32x128xf32, #tpu.memory_space<vmem>> -> memref<32x128xf32, #tpu.memory_space<vmem>>
        %get3A_562 = arith.index_cast %add3A_453 : i32 to index
        %get3A_563 = arith.constant 64 : index
        %get3A_564 = tpu.vector_load %get3A_561[%get3A_562, %get3A_563] {strides = array<i32>} : memref<32x128xf32, #tpu.memory_space<vmem>>, vector<1x16xf32>,
        %get3A_565 = vector.shape_cast %get3A_564 : vector<1x16xf32> to vector<1x16xf32>
        %get3A_566 = arith.constant 0 : i32
        %get3A_567 = arith.constant 0 : i32
        %get3A_568 = tpu.memref_slice %arg11[%scan3A_356, %get3A_566, %get3A_567] : memref<2x32x128xf32, #tpu.memory_space<vmem>> -> memref<1x32x128xf32, #tpu.memory_space<vmem>>
        %get3A_569 = tpu.memref_squeeze %get3A_568 : memref<1x32x128xf32, #tpu.memory_space<vmem>> -> memref<32x128xf32, #tpu.memory_space<vmem>>
        %get3A_570 = arith.index_cast %add3A_453 : i32 to index
        %get3A_571 = arith.constant 64 : index
        %get3A_572 = tpu.vector_load %get3A_569[%get3A_570, %get3A_571] {strides = array<i32>} : memref<32x128xf32, #tpu.memory_space<vmem>>, vector<1x16xf32>,
        %get3A_573 = vector.shape_cast %get3A_572 : vector<1x16xf32> to vector<1x16xf32>
        %mul3A_574 = arith.mulf %get3A_565, %get3A_573 : vector<1x16xf32>
        %swap3A_575 = arith.constant 0 : i32
        %swap3A_576 = arith.constant 0 : i32
        %swap3A_577 = tpu.memref_slice %arg12[%scan3A_357, %swap3A_575, %swap3A_576] : memref<2x32x128xf32, #tpu.memory_space<vmem>> -> memref<1x32x128xf32, #tpu.memory_space<vmem>>
        %swap3A_578 = tpu.memref_squeeze %swap3A_577 : memref<1x32x128xf32, #tpu.memory_space<vmem>> -> memref<32x128xf32, #tpu.memory_space<vmem>>
        %swap3A_579 = arith.index_cast %add3A_453 : i32 to index
        %swap3A_580 = arith.constant 64 : index
        %swap3A_581 = tpu.vector_load %swap3A_578[%swap3A_579, %swap3A_580] {strides = array<i32>} : memref<32x128xf32, #tpu.memory_space<vmem>>, vector<1x16xf32>,
        %swap3A_582 = vector.shape_cast %swap3A_581 : vector<1x16xf32> to vector<1x16xf32>
        %swap3A_583 = vector.shape_cast %mul3A_574 : vector<1x16xf32> to vector<1x16xf32>
        tpu.vector_store %swap3A_578[%swap3A_579, %swap3A_580], %swap3A_583 {strides = array<i32>} : memref<32x128xf32, #tpu.memory_space<vmem>>, vector<1x16xf32>,
        %get3A_584 = arith.constant 0 : i32
        %get3A_585 = arith.constant 0 : i32
        %get3A_586 = tpu.memref_slice %arg10[%scan3A_355, %get3A_584, %get3A_585] : memref<2x32x128xf32, #tpu.memory_space<vmem>> -> memref<1x32x128xf32, #tpu.memory_space<vmem>>
        %get3A_587 = tpu.memref_squeeze %get3A_586 : memref<1x32x128xf32, #tpu.memory_space<vmem>> -> memref<32x128xf32, #tpu.memory_space<vmem>>
        %get3A_588 = arith.index_cast %add3A_453 : i32 to index
        %get3A_589 = arith.constant 80 : index
        %get3A_590 = tpu.vector_load %get3A_587[%get3A_588, %get3A_589] {strides = array<i32>} : memref<32x128xf32, #tpu.memory_space<vmem>>, vector<1x16xf32>,
        %get3A_591 = vector.shape_cast %get3A_590 : vector<1x16xf32> to vector<1x16xf32>
        %get3A_592 = arith.constant 0 : i32
        %get3A_593 = arith.constant 0 : i32
        %get3A_594 = tpu.memref_slice %arg11[%scan3A_356, %get3A_592, %get3A_593] : memref<2x32x128xf32, #tpu.memory_space<vmem>> -> memref<1x32x128xf32, #tpu.memory_space<vmem>>
        %get3A_595 = tpu.memref_squeeze %get3A_594 : memref<1x32x128xf32, #tpu.memory_space<vmem>> -> memref<32x128xf32, #tpu.memory_space<vmem>>
        %get3A_596 = arith.index_cast %add3A_453 : i32 to index
        %get3A_597 = arith.constant 80 : index
        %get3A_598 = tpu.vector_load %get3A_595[%get3A_596, %get3A_597] {strides = array<i32>} : memref<32x128xf32, #tpu.memory_space<vmem>>, vector<1x16xf32>,
        %get3A_599 = vector.shape_cast %get3A_598 : vector<1x16xf32> to vector<1x16xf32>
        %mul3A_600 = arith.mulf %get3A_591, %get3A_599 : vector<1x16xf32>
        %swap3A_601 = arith.constant 0 : i32
        %swap3A_602 = arith.constant 0 : i32
        %swap3A_603 = tpu.memref_slice %arg12[%scan3A_357, %swap3A_601, %swap3A_602] : memref<2x32x128xf32, #tpu.memory_space<vmem>> -> memref<1x32x128xf32, #tpu.memory_space<vmem>>
        %swap3A_604 = tpu.memref_squeeze %swap3A_603 : memref<1x32x128xf32, #tpu.memory_space<vmem>> -> memref<32x128xf32, #tpu.memory_space<vmem>>
        %swap3A_605 = arith.index_cast %add3A_453 : i32 to index
        %swap3A_606 = arith.constant 80 : index
        %swap3A_607 = tpu.vector_load %swap3A_604[%swap3A_605, %swap3A_606] {strides = array<i32>} : memref<32x128xf32, #tpu.memory_space<vmem>>, vector<1x16xf32>,
        %swap3A_608 = vector.shape_cast %swap3A_607 : vector<1x16xf32> to vector<1x16xf32>
        %swap3A_609 = vector.shape_cast %mul3A_600 : vector<1x16xf32> to vector<1x16xf32>
        tpu.vector_store %swap3A_604[%swap3A_605, %swap3A_606], %swap3A_609 {strides = array<i32>} : memref<32x128xf32, #tpu.memory_space<vmem>>, vector<1x16xf32>,
        %get3A_610 = arith.constant 0 : i32
        %get3A_611 = arith.constant 0 : i32
        %get3A_612 = tpu.memref_slice %arg10[%scan3A_355, %get3A_610, %get3A_611] : memref<2x32x128xf32, #tpu.memory_space<vmem>> -> memref<1x32x128xf32, #tpu.memory_space<vmem>>
        %get3A_613 = tpu.memref_squeeze %get3A_612 : memref<1x32x128xf32, #tpu.memory_space<vmem>> -> memref<32x128xf32, #tpu.memory_space<vmem>>
        %get3A_614 = arith.index_cast %add3A_453 : i32 to index
        %get3A_615 = arith.constant 96 : index
        %get3A_616 = tpu.vector_load %get3A_613[%get3A_614, %get3A_615] {strides = array<i32>} : memref<32x128xf32, #tpu.memory_space<vmem>>, vector<1x16xf32>,
        %get3A_617 = vector.shape_cast %get3A_616 : vector<1x16xf32> to vector<1x16xf32>
        %get3A_618 = arith.constant 0 : i32
        %get3A_619 = arith.constant 0 : i32
        %get3A_620 = tpu.memref_slice %arg11[%scan3A_356, %get3A_618, %get3A_619] : memref<2x32x128xf32, #tpu.memory_space<vmem>> -> memref<1x32x128xf32, #tpu.memory_space<vmem>>
        %get3A_621 = tpu.memref_squeeze %get3A_620 : memref<1x32x128xf32, #tpu.memory_space<vmem>> -> memref<32x128xf32, #tpu.memory_space<vmem>>
        %get3A_622 = arith.index_cast %add3A_453 : i32 to index
        %get3A_623 = arith.constant 96 : index
        %get3A_624 = tpu.vector_load %get3A_621[%get3A_622, %get3A_623] {strides = array<i32>} : memref<32x128xf32, #tpu.memory_space<vmem>>, vector<1x16xf32>,
        %get3A_625 = vector.shape_cast %get3A_624 : vector<1x16xf32> to vector<1x16xf32>
        %mul3A_626 = arith.mulf %get3A_617, %get3A_625 : vector<1x16xf32>
        %swap3A_627 = arith.constant 0 : i32
        %swap3A_628 = arith.constant 0 : i32
        %swap3A_629 = tpu.memref_slice %arg12[%scan3A_357, %swap3A_627, %swap3A_628] : memref<2x32x128xf32, #tpu.memory_space<vmem>> -> memref<1x32x128xf32, #tpu.memory_space<vmem>>
        %swap3A_630 = tpu.memref_squeeze %swap3A_629 : memref<1x32x128xf32, #tpu.memory_space<vmem>> -> memref<32x128xf32, #tpu.memory_space<vmem>>
        %swap3A_631 = arith.index_cast %add3A_453 : i32 to index
        %swap3A_632 = arith.constant 96 : index
        %swap3A_633 = tpu.vector_load %swap3A_630[%swap3A_631, %swap3A_632] {strides = array<i32>} : memref<32x128xf32, #tpu.memory_space<vmem>>, vector<1x16xf32>,
        %swap3A_634 = vector.shape_cast %swap3A_633 : vector<1x16xf32> to vector<1x16xf32>
        %swap3A_635 = vector.shape_cast %mul3A_626 : vector<1x16xf32> to vector<1x16xf32>
        tpu.vector_store %swap3A_630[%swap3A_631, %swap3A_632], %swap3A_635 {strides = array<i32>} : memref<32x128xf32, #tpu.memory_space<vmem>>, vector<1x16xf32>,
        %get3A_636 = arith.constant 0 : i32
        %get3A_637 = arith.constant 0 : i32
        %get3A_638 = tpu.memref_slice %arg10[%scan3A_355, %get3A_636, %get3A_637] : memref<2x32x128xf32, #tpu.memory_space<vmem>> -> memref<1x32x128xf32, #tpu.memory_space<vmem>>
        %get3A_639 = tpu.memref_squeeze %get3A_638 : memref<1x32x128xf32, #tpu.memory_space<vmem>> -> memref<32x128xf32, #tpu.memory_space<vmem>>
        %get3A_640 = arith.index_cast %add3A_453 : i32 to index
        %get3A_641 = arith.constant 112 : index
        %get3A_642 = tpu.vector_load %get3A_639[%get3A_640, %get3A_641] {strides = array<i32>} : memref<32x128xf32, #tpu.memory_space<vmem>>, vector<1x16xf32>,
        %get3A_643 = vector.shape_cast %get3A_642 : vector<1x16xf32> to vector<1x16xf32>
        %get3A_644 = arith.constant 0 : i32
        %get3A_645 = arith.constant 0 : i32
        %get3A_646 = tpu.memref_slice %arg11[%scan3A_356, %get3A_644, %get3A_645] : memref<2x32x128xf32, #tpu.memory_space<vmem>> -> memref<1x32x128xf32, #tpu.memory_space<vmem>>
        %get3A_647 = tpu.memref_squeeze %get3A_646 : memref<1x32x128xf32, #tpu.memory_space<vmem>> -> memref<32x128xf32, #tpu.memory_space<vmem>>
        %get3A_648 = arith.index_cast %add3A_453 : i32 to index
        %get3A_649 = arith.constant 112 : index
        %get3A_650 = tpu.vector_load %get3A_647[%get3A_648, %get3A_649] {strides = array<i32>} : memref<32x128xf32, #tpu.memory_space<vmem>>, vector<1x16xf32>,
        %get3A_651 = vector.shape_cast %get3A_650 : vector<1x16xf32> to vector<1x16xf32>
        %mul3A_652 = arith.mulf %get3A_643, %get3A_651 : vector<1x16xf32>
        %swap3A_653 = arith.constant 0 : i32
        %swap3A_654 = arith.constant 0 : i32
        %swap3A_655 = tpu.memref_slice %arg12[%scan3A_357, %swap3A_653, %swap3A_654] : memref<2x32x128xf32, #tpu.memory_space<vmem>> -> memref<1x32x128xf32, #tpu.memory_space<vmem>>
        %swap3A_656 = tpu.memref_squeeze %swap3A_655 : memref<1x32x128xf32, #tpu.memory_space<vmem>> -> memref<32x128xf32, #tpu.memory_space<vmem>>
        %swap3A_657 = arith.index_cast %add3A_453 : i32 to index
        %swap3A_658 = arith.constant 112 : index
        %swap3A_659 = tpu.vector_load %swap3A_656[%swap3A_657, %swap3A_658] {strides = array<i32>} : memref<32x128xf32, #tpu.memory_space<vmem>>, vector<1x16xf32>,
        %swap3A_660 = vector.shape_cast %swap3A_659 : vector<1x16xf32> to vector<1x16xf32>
        %swap3A_661 = vector.shape_cast %mul3A_652 : vector<1x16xf32> to vector<1x16xf32>
        tpu.vector_store %swap3A_656[%swap3A_657, %swap3A_658], %swap3A_661 {strides = array<i32>} : memref<32x128xf32, #tpu.memory_space<vmem>>, vector<1x16xf32>,
      }
      %scan3A_362 = arith.constant 32 : i32
      %add3A_363 = arith.constant 2 : i32
      %add3A_364 = arith.addi %add3A_316, %add3A_363 : i32
      %lt3A_365 = arith.constant 320 : i32
      %lt3A_366 = arith.cmpi slt, %add3A_364, %lt3A_365 : i32
      %convert_element_type3A_367 = arith.extui %lt3A_366 : i1 to i32
      %cond3A_368 = arith.constant 0 : i32
      %cond3A_369 = arith.cmpi ne, %convert_element_type3A_367, %cond3A_368 : i32
      scf.if %cond3A_369 {
        %add3A_449 = arith.constant 2 : i32
        %add3A_450 = arith.addi %add3A_316, %add3A_449 : i32
        %jit3A_451 = arith.constant 4 : i32
        %div3A_452 = arith.divsi %add3A_450, %jit3A_451 : i32
        %sign3A_453 = arith.constant 0 : i32
        %sign3A_454 = arith.cmpi sgt, %add3A_450, %sign3A_453 : i32
        %sign3A_455 = arith.extui %sign3A_454 : i1 to i32
        %sign3A_456 = arith.constant 0 : i32
        %sign3A_457 = arith.cmpi slt, %add3A_450, %sign3A_456 : i32
        %sign3A_458 = arith.extui %sign3A_457 : i1 to i32
        %sign3A_459 = arith.subi %sign3A_455, %sign3A_458 : i32
        %sign3A_460 = arith.constant 0 : i32
        %sign3A_461 = arith.cmpi sgt, %jit3A_451, %sign3A_460 : i32
        %sign3A_462 = arith.extui %sign3A_461 : i1 to i32
        %sign3A_463 = arith.constant 0 : i32
        %sign3A_464 = arith.cmpi slt, %jit3A_451, %sign3A_463 : i32
        %sign3A_465 = arith.extui %sign3A_464 : i1 to i32
        %sign3A_466 = arith.subi %sign3A_462, %sign3A_465 : i32
        %ne3A_467 = arith.cmpi ne, %sign3A_459, %sign3A_466 : i32
        %rem3A_468 = arith.remsi %add3A_450, %jit3A_451 : i32
        %ne3A_469 = arith.constant 0 : i32
        %ne3A_470 = arith.cmpi ne, %rem3A_468, %ne3A_469 : i32
        %and3A_471 = arith.andi %ne3A_467, %ne3A_470 : i1
        %sub3A_472 = arith.constant 1 : i32
        %sub3A_473 = arith.subi %div3A_452, %sub3A_472 : i32
        %select_n3A_474 = arith.select %and3A_471, %sub3A_473, %div3A_452 : i32
        %jit3A_475 = arith.constant 4 : i32
        %eq3A_476 = arith.constant 0 : i32
        %eq3A_477 = arith.cmpi eq, %jit3A_475, %eq3A_476 : i32
        %jit3A_478 = arith.constant 1 : i32
        %select_n3A_479 = arith.select %eq3A_477, %jit3A_478, %jit3A_475 : i32
        %rem3A_480 = arith.remsi %add3A_450, %select_n3A_479 : i32
        %ne3A_481 = arith.constant 0 : i32
        %ne3A_482 = arith.cmpi ne, %rem3A_480, %ne3A_481 : i32
        %lt3A_483 = arith.constant 0 : i32
        %lt3A_484 = arith.cmpi slt, %rem3A_480, %lt3A_483 : i32
        %lt3A_485 = arith.constant 0 : i32
        %lt3A_486 = arith.cmpi slt, %select_n3A_479, %lt3A_485 : i32
        %ne3A_487 = arith.xori %lt3A_484, %lt3A_486 : i1
        %and3A_488 = arith.andi %ne3A_487, %ne3A_482 : i1
        %add3A_489 = arith.addi %rem3A_480, %select_n3A_479 : i32
        %select_n3A_490 = arith.select %and3A_488, %add3A_489, %rem3A_480 : i32
        %mul3A_491 = arith.constant 32 : i32
        %mul3A_492 = arith.muli %select_n3A_490, %mul3A_491 : i32
        %dma_start3A_493 = arith.constant 1 : i32
        %dma_start3A_494 = arith.constant 1 : i32
        %dma_start3A_495 = arith.constant 0 : i32
        %dma_start3A_496 = arith.constant 0 : i32
        %dma_start3A_497 = tpu.memref_slice %arg10[%dma_start3A_493, %dma_start3A_495, %dma_start3A_496] : memref<2x32x128xf32, #tpu.memory_space<vmem>> -> memref<1x32x128xf32, #tpu.memory_space<vmem>>
        %dma_start3A_498 = tpu.memref_squeeze %dma_start3A_497 : memref<1x32x128xf32, #tpu.memory_space<vmem>> -> memref<32x128xf32, #tpu.memory_space<vmem>>
        %dma_start3A_499 = tpu.memref_slice %arg8[%select_n3A_474, %mul3A_492] : memref<80x128xi32, #tpu.memory_space<vmem>> -> memref<1x32xi32, #tpu.memory_space<vmem>>
        %dma_start3A_500 = tpu.memref_squeeze %dma_start3A_499 : memref<1x32xi32, #tpu.memory_space<vmem>> -> memref<32xi32, #tpu.memory_space<vmem>>
        %dma_start3A_501 = arith.constant 0 : i32
        %dma_start3A_502 = arith.constant 0 : i32
        %dma_start3A_503 = tpu.memref_slice %arg2[%dma_start3A_501, %dma_start3A_502] : memref<10000x128xf32, #tpu.memory_space<hbm>> -> memref<10000x128xf32, #tpu.memory_space<hbm>>
        %dma_start3A_504 = tpu.memref_slice %arg15[%dma_start3A_494] : memref<2x!tpu.dma_semaphore, #tpu.memory_space<semaphore_mem>> -> memref<1x!tpu.dma_semaphore, #tpu.memory_space<semaphore_mem>>
        %dma_start3A_505 = tpu.memref_squeeze %dma_start3A_504 : memref<1x!tpu.dma_semaphore, #tpu.memory_space<semaphore_mem>> -> memref<!tpu.dma_semaphore, #tpu.memory_space<semaphore_mem>>
        tpu.enqueue_indirect_dma source(%dma_start3A_503 : memref<10000x128xf32, #tpu.memory_space<hbm>>) target(%dma_start3A_498 : memref<32x128xf32, #tpu.memory_space<vmem>>) offsets(%dma_start3A_500 : memref<32xi32, #tpu.memory_space<vmem>>) semaphore(%dma_start3A_505 : memref<!tpu.dma_semaphore, #tpu.memory_space<semaphore_mem>>)
        %mul3A_506 = arith.constant 320 : i32
        %mul3A_507 = arith.muli %add3A, %mul3A_506 : i32
        %add3A_508 = arith.addi %mul3A_507, %add3A_450 : i32
        %mul3A_509 = arith.constant 32 : i32
        %mul3A_510 = arith.muli %add3A_508, %mul3A_509 : i32
        %dma_start3A_511 = arith.constant 1 : i32
        %dma_start3A_512 = arith.constant 1 : i32
        %dma_start3A_513 = arith.constant 0 : i32
        %dma_start3A_514 = arith.constant 0 : i32
        %dma_start3A_515 = tpu.memref_slice %arg11[%dma_start3A_511, %dma_start3A_513, %dma_start3A_514] : memref<2x32x128xf32, #tpu.memory_space<vmem>> -> memref<1x32x128xf32, #tpu.memory_space<vmem>>
        %dma_start3A_516 = tpu.memref_squeeze %dma_start3A_515 : memref<1x32x128xf32, #tpu.memory_space<vmem>> -> memref<32x128xf32, #tpu.memory_space<vmem>>
        %dma_start3A_517 = arith.constant 0 : i32
        %dma_start3A_518 = tpu.memref_slice %arg3[%mul3A_510, %dma_start3A_517] : memref<327680x128xf32, #tpu.memory_space<hbm>> -> memref<32x128xf32, #tpu.memory_space<hbm>>
        %dma_start3A_519 = tpu.memref_slice %arg16[%dma_start3A_512] : memref<2x!tpu.dma_semaphore, #tpu.memory_space<semaphore_mem>> -> memref<1x!tpu.dma_semaphore, #tpu.memory_space<semaphore_mem>>
        %dma_start3A_520 = tpu.memref_squeeze %dma_start3A_519 : memref<1x!tpu.dma_semaphore, #tpu.memory_space<semaphore_mem>> -> memref<!tpu.dma_semaphore, #tpu.memory_space<semaphore_mem>>
        %dma_start3A_521 = arith.constant 0 : i32
        %dma_start3A_522 = arith.constant 0 : i32
        %dma_start3A_523 = tpu.memref_slice %arg11[%dma_start3A_511, %dma_start3A_521, %dma_start3A_522] : memref<2x32x128xf32, #tpu.memory_space<vmem>> -> memref<1x32x128xf32, #tpu.memory_space<vmem>>
        %dma_start3A_524 = tpu.memref_squeeze %dma_start3A_523 : memref<1x32x128xf32, #tpu.memory_space<vmem>> -> memref<32x128xf32, #tpu.memory_space<vmem>>
        %dma_start3A_525 = arith.constant 0 : i32
        %dma_start3A_526 = tpu.memref_slice %arg3[%mul3A_510, %dma_start3A_525] : memref<327680x128xf32, #tpu.memory_space<hbm>> -> memref<32x128xf32, #tpu.memory_space<hbm>>
        tpu.enqueue_dma source(%dma_start3A_526 : memref<32x128xf32, #tpu.memory_space<hbm>>) target(%dma_start3A_524 : memref<32x128xf32, #tpu.memory_space<vmem>>) target_semaphore(%dma_start3A_520 : memref<!tpu.dma_semaphore, #tpu.memory_space<semaphore_mem>>)
      } else {
      }
      %jit3A_370 = arith.constant 4 : i32
      %div3A_371 = arith.divsi %add3A_316, %jit3A_370 : i32
      %sign3A_372 = arith.constant 0 : i32
      %sign3A_373 = arith.cmpi sgt, %add3A_316, %sign3A_372 : i32
      %sign3A_374 = arith.extui %sign3A_373 : i1 to i32
      %sign3A_375 = arith.constant 0 : i32
      %sign3A_376 = arith.cmpi slt, %add3A_316, %sign3A_375 : i32
      %sign3A_377 = arith.extui %sign3A_376 : i1 to i32
      %sign3A_378 = arith.subi %sign3A_374, %sign3A_377 : i32
      %sign3A_379 = arith.constant 0 : i32
      %sign3A_380 = arith.cmpi sgt, %jit3A_370, %sign3A_379 : i32
      %sign3A_381 = arith.extui %sign3A_380 : i1 to i32
      %sign3A_382 = arith.constant 0 : i32
      %sign3A_383 = arith.cmpi slt, %jit3A_370, %sign3A_382 : i32
      %sign3A_384 = arith.extui %sign3A_383 : i1 to i32
      %sign3A_385 = arith.subi %sign3A_381, %sign3A_384 : i32
      %ne3A_386 = arith.cmpi ne, %sign3A_378, %sign3A_385 : i32
      %rem3A_387 = arith.remsi %add3A_316, %jit3A_370 : i32
      %ne3A_388 = arith.constant 0 : i32
      %ne3A_389 = arith.cmpi ne, %rem3A_387, %ne3A_388 : i32
      %and3A_390 = arith.andi %ne3A_386, %ne3A_389 : i1
      %sub3A_391 = arith.constant 1 : i32
      %sub3A_392 = arith.subi %div3A_371, %sub3A_391 : i32
      %select_n3A_393 = arith.select %and3A_390, %sub3A_392, %div3A_371 : i32
      %jit3A_394 = arith.constant 4 : i32
      %eq3A_395 = arith.constant 0 : i32
      %eq3A_396 = arith.cmpi eq, %jit3A_394, %eq3A_395 : i32
      %jit3A_397 = arith.constant 1 : i32
      %select_n3A_398 = arith.select %eq3A_396, %jit3A_397, %jit3A_394 : i32
      %rem3A_399 = arith.remsi %add3A_316, %select_n3A_398 : i32
      %ne3A_400 = arith.constant 0 : i32
      %ne3A_401 = arith.cmpi ne, %rem3A_399, %ne3A_400 : i32
      %lt3A_402 = arith.constant 0 : i32
      %lt3A_403 = arith.cmpi slt, %rem3A_399, %lt3A_402 : i32
      %lt3A_404 = arith.constant 0 : i32
      %lt3A_405 = arith.cmpi slt, %select_n3A_398, %lt3A_404 : i32
      %ne3A_406 = arith.xori %lt3A_403, %lt3A_405 : i1
      %and3A_407 = arith.andi %ne3A_406, %ne3A_401 : i1
      %add3A_408 = arith.addi %rem3A_399, %select_n3A_398 : i32
      %select_n3A_409 = arith.select %and3A_407, %add3A_408, %rem3A_399 : i32
      %mul3A_410 = arith.constant 32 : i32
      %mul3A_411 = arith.muli %select_n3A_409, %mul3A_410 : i32
      %get3A_412 = tpu.memref_slice %arg9[%select_n3A_393, %mul3A_411] : memref<80x128xi32, #tpu.memory_space<vmem>> -> memref<1x32xi32, #tpu.memory_space<vmem>>
      %get3A_413 = tpu.memref_squeeze %get3A_412 : memref<1x32xi32, #tpu.memory_space<vmem>> -> memref<32xi32, #tpu.memory_space<vmem>>
      %get3A_414 = arith.constant 0 : index
      %get3A_415 = tpu.vector_load %get3A_413[%get3A_414] {strides = array<i32>} : memref<32xi32, #tpu.memory_space<vmem>>, vector<16xi32>,
      %get3A_416 = vector.shape_cast %get3A_415 : vector<16xi32> to vector<16xi32>
      %swap3A_417 = arith.constant 1 : i32
      %swap3A_418 = arith.index_cast %swap3A_417 : i32 to index
      %swap3A_419 = arith.constant 0 : index
      %swap3A_420 = tpu.vector_load %arg13[%swap3A_418, %swap3A_419] {strides = array<i32>} : memref<2x32xi32, #tpu.memory_space<vmem>>, vector<1x16xi32>,
      %swap3A_421 = vector.shape_cast %swap3A_420 : vector<1x16xi32> to vector<16xi32>
      %swap3A_422 = vector.shape_cast %get3A_416 : vector<16xi32> to vector<1x16xi32>
      tpu.vector_store %arg13[%swap3A_418, %swap3A_419], %swap3A_422 {strides = array<i32>} : memref<2x32xi32, #tpu.memory_space<vmem>>, vector<1x16xi32>,
      %get3A_423 = tpu.memref_slice %arg9[%select_n3A_393, %mul3A_411] : memref<80x128xi32, #tpu.memory_space<vmem>> -> memref<1x32xi32, #tpu.memory_space<vmem>>
      %get3A_424 = tpu.memref_squeeze %get3A_423 : memref<1x32xi32, #tpu.memory_space<vmem>> -> memref<32xi32, #tpu.memory_space<vmem>>
      %get3A_425 = arith.constant 16 : index
      %get3A_426 = tpu.vector_load %get3A_424[%get3A_425] {strides = array<i32>} : memref<32xi32, #tpu.memory_space<vmem>>, vector<16xi32>,
      %get3A_427 = vector.shape_cast %get3A_426 : vector<16xi32> to vector<16xi32>
      %swap3A_428 = arith.constant 1 : i32
      %swap3A_429 = arith.index_cast %swap3A_428 : i32 to index
      %swap3A_430 = arith.constant 16 : index
      %swap3A_431 = tpu.vector_load %arg13[%swap3A_429, %swap3A_430] {strides = array<i32>} : memref<2x32xi32, #tpu.memory_space<vmem>>, vector<1x16xi32>,
      %swap3A_432 = vector.shape_cast %swap3A_431 : vector<1x16xi32> to vector<16xi32>
      %swap3A_433 = vector.shape_cast %get3A_427 : vector<16xi32> to vector<1x16xi32>
      tpu.vector_store %arg13[%swap3A_429, %swap3A_430], %swap3A_433 {strides = array<i32>} : memref<2x32xi32, #tpu.memory_space<vmem>>, vector<1x16xi32>,
      %dma_start3A_434 = arith.constant 1 : i32
      %dma_start3A_435 = arith.constant 1 : i32
      %dma_start3A_436 = arith.constant 1 : i32
      %dma_start3A_437 = arith.constant 0 : i32
      %dma_start3A_438 = arith.constant 0 : i32
      %dma_start3A_439 = tpu.memref_slice %arg12[%dma_start3A_434, %dma_start3A_437, %dma_start3A_438] : memref<2x32x128xf32, #tpu.memory_space<vmem>> -> memref<1x32x128xf32, #tpu.memory_space<vmem>>
      %dma_start3A_440 = tpu.memref_squeeze %dma_start3A_439 : memref<1x32x128xf32, #tpu.memory_space<vmem>> -> memref<32x128xf32, #tpu.memory_space<vmem>>
      %dma_start3A_441 = arith.constant 0 : i32
      %dma_start3A_442 = tpu.memref_slice %arg13[%dma_start3A_435, %dma_start3A_441] : memref<2x32xi32, #tpu.memory_space<vmem>> -> memref<1x32xi32, #tpu.memory_space<vmem>>
      %dma_start3A_443 = tpu.memref_squeeze %dma_start3A_442 : memref<1x32xi32, #tpu.memory_space<vmem>> -> memref<32xi32, #tpu.memory_space<vmem>>
      %dma_start3A_444 = arith.constant 0 : i32
      %dma_start3A_445 = arith.constant 0 : i32
      %dma_start3A_446 = tpu.memref_slice %arg14[%dma_start3A_444, %dma_start3A_445] : memref<10240x128xf32, #tpu.memory_space<vmem_shared>> -> memref<10240x128xf32, #tpu.memory_space<vmem_shared>>
      %dma_start3A_447 = tpu.memref_slice %arg17[%dma_start3A_436] : memref<2x!tpu.dma_semaphore, #tpu.memory_space<semaphore_mem>> -> memref<1x!tpu.dma_semaphore, #tpu.memory_space<semaphore_mem>>
      %dma_start3A_448 = tpu.memref_squeeze %dma_start3A_447 : memref<1x!tpu.dma_semaphore, #tpu.memory_space<semaphore_mem>> -> memref<!tpu.dma_semaphore, #tpu.memory_space<semaphore_mem>>
      tpu.enqueue_indirect_dma source(%dma_start3A_440 : memref<32x128xf32, #tpu.memory_space<vmem>>) target(%dma_start3A_446 : memref<10240x128xf32, #tpu.memory_space<vmem_shared>>) offsets(%dma_start3A_443 : memref<32xi32, #tpu.memory_space<vmem>>) semaphore(%dma_start3A_448 : memref<!tpu.dma_semaphore, #tpu.memory_space<semaphore_mem>>) {add = true}
    }
    %scan3A_148 = arith.constant 160 : i32
    %dma_wait3A = arith.constant 0 : i32
    %dma_wait3A_149 = arith.constant 0 : i32
    %dma_wait3A_150 = arith.constant 0 : i32
    %dma_wait3A_151 = arith.constant 0 : i32
    %dma_wait3A_152 = arith.constant 0 : i32
    %dma_wait3A_153 = tpu.memref_slice %arg12[%dma_wait3A, %dma_wait3A_151, %dma_wait3A_152] : memref<2x32x128xf32, #tpu.memory_space<vmem>> -> memref<1x32x128xf32, #tpu.memory_space<vmem>>
    %dma_wait3A_154 = tpu.memref_squeeze %dma_wait3A_153 : memref<1x32x128xf32, #tpu.memory_space<vmem>> -> memref<32x128xf32, #tpu.memory_space<vmem>>
    %dma_wait3A_155 = arith.constant 0 : i32
    %dma_wait3A_156 = tpu.memref_slice %arg13[%dma_wait3A_149, %dma_wait3A_155] : memref<2x32xi32, #tpu.memory_space<vmem>> -> memref<1x32xi32, #tpu.memory_space<vmem>>
    %dma_wait3A_157 = tpu.memref_squeeze %dma_wait3A_156 : memref<1x32xi32, #tpu.memory_space<vmem>> -> memref<32xi32, #tpu.memory_space<vmem>>
    %dma_wait3A_158 = arith.constant 0 : i32
    %dma_wait3A_159 = arith.constant 0 : i32
    %dma_wait3A_160 = tpu.memref_slice %arg14[%dma_wait3A_158, %dma_wait3A_159] : memref<10240x128xf32, #tpu.memory_space<vmem_shared>> -> memref<10240x128xf32, #tpu.memory_space<vmem_shared>>
    %dma_wait3A_161 = tpu.memref_slice %arg17[%dma_wait3A_150] : memref<2x!tpu.dma_semaphore, #tpu.memory_space<semaphore_mem>> -> memref<1x!tpu.dma_semaphore, #tpu.memory_space<semaphore_mem>>
    %dma_wait3A_162 = tpu.memref_squeeze %dma_wait3A_161 : memref<1x!tpu.dma_semaphore, #tpu.memory_space<semaphore_mem>> -> memref<!tpu.dma_semaphore, #tpu.memory_space<semaphore_mem>>
    tpu.wait_indirect_dma semaphore(%dma_wait3A_162 : memref<!tpu.dma_semaphore, #tpu.memory_space<semaphore_mem>>) src(%dma_wait3A_154 : memref<32x128xf32, #tpu.memory_space<vmem>>) dst(%dma_wait3A_160 : memref<10240x128xf32, #tpu.memory_space<vmem_shared>>)
    %dma_wait3A_163 = arith.constant 1 : i32
    %dma_wait3A_164 = arith.constant 1 : i32
    %dma_wait3A_165 = arith.constant 1 : i32
    %dma_wait3A_166 = arith.constant 0 : i32
    %dma_wait3A_167 = arith.constant 0 : i32
    %dma_wait3A_168 = tpu.memref_slice %arg12[%dma_wait3A_163, %dma_wait3A_166, %dma_wait3A_167] : memref<2x32x128xf32, #tpu.memory_space<vmem>> -> memref<1x32x128xf32, #tpu.memory_space<vmem>>
    %dma_wait3A_169 = tpu.memref_squeeze %dma_wait3A_168 : memref<1x32x128xf32, #tpu.memory_space<vmem>> -> memref<32x128xf32, #tpu.memory_space<vmem>>
    %dma_wait3A_170 = arith.constant 0 : i32
    %dma_wait3A_171 = tpu.memref_slice %arg13[%dma_wait3A_164, %dma_wait3A_170] : memref<2x32xi32, #tpu.memory_space<vmem>> -> memref<1x32xi32, #tpu.memory_space<vmem>>
    %dma_wait3A_172 = tpu.memref_squeeze %dma_wait3A_171 : memref<1x32xi32, #tpu.memory_space<vmem>> -> memref<32xi32, #tpu.memory_space<vmem>>
    %dma_wait3A_173 = arith.constant 0 : i32
    %dma_wait3A_174 = arith.constant 0 : i32
    %dma_wait3A_175 = tpu.memref_slice %arg14[%dma_wait3A_173, %dma_wait3A_174] : memref<10240x128xf32, #tpu.memory_space<vmem_shared>> -> memref<10240x128xf32, #tpu.memory_space<vmem_shared>>
    %dma_wait3A_176 = tpu.memref_slice %arg17[%dma_wait3A_165] : memref<2x!tpu.dma_semaphore, #tpu.memory_space<semaphore_mem>> -> memref<1x!tpu.dma_semaphore, #tpu.memory_space<semaphore_mem>>
    %dma_wait3A_177 = tpu.memref_squeeze %dma_wait3A_176 : memref<1x!tpu.dma_semaphore, #tpu.memory_space<semaphore_mem>> -> memref<!tpu.dma_semaphore, #tpu.memory_space<semaphore_mem>>
    tpu.wait_indirect_dma semaphore(%dma_wait3A_177 : memref<!tpu.dma_semaphore, #tpu.memory_space<semaphore_mem>>) src(%dma_wait3A_169 : memref<32x128xf32, #tpu.memory_space<vmem>>) dst(%dma_wait3A_175 : memref<10240x128xf32, #tpu.memory_space<vmem_shared>>)
    %barrier3A_178 = arith.constant 0 : index
    tpu.barrier barrier_id(%barrier3A_178)
    %eq3A = arith.constant 0 : i32
    %eq3A_179 = arith.cmpi eq, %arg0, %eq3A : i32
    %convert_element_type3A = arith.extui %eq3A_179 : i1 to i32
    %cond3A = arith.constant 0 : i32
    %cond3A_180 = arith.cmpi ne, %convert_element_type3A, %cond3A : i32
    scf.if %cond3A_180 {
      "tpu.region"() ({
        %run_scoped3A_186 = tpu.sem_alloc : memref<!tpu.dma_semaphore, #tpu.memory_space<semaphore_mem>>
        %dma_start3A_187 = arith.constant 0 : i32
        %dma_start3A_188 = tpu.memref_slice %arg6[%mul3A_11, %dma_start3A_187] : memref<10240x128xf32, #tpu.memory_space<hbm>> -> memref<640x128xf32, #tpu.memory_space<hbm>>
        %dma_start3A_189 = arith.constant 0 : i32
        %dma_start3A_190 = tpu.memref_slice %arg14[%mul3A_11, %dma_start3A_189] : memref<10240x128xf32, #tpu.memory_space<vmem_shared>> -> memref<640x128xf32, #tpu.memory_space<vmem_shared>>
        tpu.enqueue_dma source(%dma_start3A_190 : memref<640x128xf32, #tpu.memory_space<vmem_shared>>) target(%dma_start3A_188 : memref<640x128xf32, #tpu.memory_space<hbm>>) target_semaphore(%run_scoped3A_186 : memref<!tpu.dma_semaphore, #tpu.memory_space<semaphore_mem>>)
        %dma_wait3A_191 = arith.constant 0 : i32
        %dma_wait3A_192 = tpu.memref_slice %arg6[%mul3A_11, %dma_wait3A_191] : memref<10240x128xf32, #tpu.memory_space<hbm>> -> memref<640x128xf32, #tpu.memory_space<hbm>>
        %dma_wait3A_193 = arith.constant 0 : i32
        %dma_wait3A_194 = tpu.memref_slice %arg14[%mul3A_11, %dma_wait3A_193] : memref<10240x128xf32, #tpu.memory_space<vmem_shared>> -> memref<640x128xf32, #tpu.memory_space<vmem_shared>>
        tpu.wait_dma2 semaphore(%run_scoped3A_186 : memref<!tpu.dma_semaphore, #tpu.memory_space<semaphore_mem>>) src(%dma_wait3A_194 : memref<640x128xf32, #tpu.memory_space<vmem_shared>>) dst(%dma_wait3A_192 : memref<640x128xf32, #tpu.memory_space<hbm>>)
        tpu.yield
      }) : () -> ()
    } else {
    }
    %eq3A_181 = arith.constant 1 : i32
    %eq3A_182 = arith.cmpi eq, %arg0, %eq3A_181 : i32
    %convert_element_type3A_183 = arith.extui %eq3A_182 : i1 to i32
    %cond3A_184 = arith.constant 0 : i32
    %cond3A_185 = arith.cmpi ne, %convert_element_type3A_183, %cond3A_184 : i32
    scf.if %cond3A_185 {
      "tpu.region"() ({
        %run_scoped3A_186 = tpu.sem_alloc : memref<!tpu.dma_semaphore, #tpu.memory_space<semaphore_mem>>
        %dma_start3A_187 = arith.constant 0 : i32
        %dma_start3A_188 = tpu.memref_slice %arg7[%mul3A_11, %dma_start3A_187] : memref<10240x128xf32, #tpu.memory_space<hbm>> -> memref<640x128xf32, #tpu.memory_space<hbm>>
        %dma_start3A_189 = arith.constant 0 : i32
        %dma_start3A_190 = tpu.memref_slice %arg14[%mul3A_11, %dma_start3A_189] : memref<10240x128xf32, #tpu.memory_space<vmem_shared>> -> memref<640x128xf32, #tpu.memory_space<vmem_shared>>
        tpu.enqueue_dma source(%dma_start3A_190 : memref<640x128xf32, #tpu.memory_space<vmem_shared>>) target(%dma_start3A_188 : memref<640x128xf32, #tpu.memory_space<hbm>>) target_semaphore(%run_scoped3A_186 : memref<!tpu.dma_semaphore, #tpu.memory_space<semaphore_mem>>)
        %dma_wait3A_191 = arith.constant 0 : i32
        %dma_wait3A_192 = tpu.memref_slice %arg7[%mul3A_11, %dma_wait3A_191] : memref<10240x128xf32, #tpu.memory_space<hbm>> -> memref<640x128xf32, #tpu.memory_space<hbm>>
        %dma_wait3A_193 = arith.constant 0 : i32
        %dma_wait3A_194 = tpu.memref_slice %arg14[%mul3A_11, %dma_wait3A_193] : memref<10240x128xf32, #tpu.memory_space<vmem_shared>> -> memref<640x128xf32, #tpu.memory_space<vmem_shared>>
        tpu.wait_dma2 semaphore(%run_scoped3A_186 : memref<!tpu.dma_semaphore, #tpu.memory_space<semaphore_mem>>) src(%dma_wait3A_194 : memref<640x128xf32, #tpu.memory_space<vmem_shared>>) dst(%dma_wait3A_192 : memref<640x128xf32, #tpu.memory_space<hbm>>)
        tpu.yield
      }) : () -> ()
    } else {
    }
    return
  }
}

module attributes {stable_mosaic.version = 14 : i64} {
  func.func @_h_body(%arg0: memref<10000x128xf32, #tpu.memory_space<vmem>>, %arg1: memref<128x128xf32, #tpu.memory_space<vmem>>, %arg2: memref<10000x128xf32, #tpu.memory_space<vmem>>) attributes {dimension_semantics = [], scalar_prefetch = 0 : i64, scratch_operands = 0 : i64, tpu.core_type = #tpu.core_type<tc>} {
    %get3A = arith.constant 0 : index
    %get3A_0 = arith.constant 0 : index
    %get3A_1 = vector.load %arg0[%get3A, %get3A_0] : memref<10000x128xf32, #tpu.memory_space<vmem>>, vector<10000x128xf32>
    %get3A_2 = arith.constant 0 : index
    %get3A_3 = arith.constant 0 : index
    %get3A_4 = vector.load %arg1[%get3A_2, %get3A_3] : memref<128x128xf32, #tpu.memory_space<vmem>>, vector<128x128xf32>
    %dot_general3A = arith.constant dense<0.000000e+00> : vector<10000x128xf32>
    %dot_general3A_5 = tpu.matmul %get3A_1, %get3A_4, %dot_general3A {dimension_numbers = #tpu.dot_dimension_numbers<[1], [0], [0], [1], [0, 0, 1, 1], [], []>, transpose_lhs_hint = false} : vector<10000x128xf32>, vector<128x128xf32>, vector<10000x128xf32> -> vector<10000x128xf32>
    %swap3A = arith.constant 0 : index
    %swap3A_6 = arith.constant 0 : index
    %swap3A_7 = vector.load %arg2[%swap3A, %swap3A_6] : memref<10000x128xf32, #tpu.memory_space<vmem>>, vector<10000x128xf32>
    tpu.vector_store %arg2[%swap3A, %swap3A_6], %dot_general3A_5 {strides = array<i32>} : memref<10000x128xf32, #tpu.memory_space<vmem>>, vector<10000x128xf32>,
    return
  }
}

module attributes {stable_mosaic.version = 14 : i64} {
  func.func @_wf_body(%arg0: i32, %arg1: memref<2000x16xf32, #tpu.memory_space<vmem>>, %arg2: memref<1x1x2000xf32, #tpu.memory_space<vmem>>, %arg3: memref<16x128xf32, #tpu.memory_space<vmem>>, %arg4: memref<1x128xf32, #tpu.memory_space<vmem>>, %arg5: memref<128x128xf32, #tpu.memory_space<vmem>>, %arg6: memref<1x128xf32, #tpu.memory_space<vmem>>, %arg7: memref<2000x128xf32, #tpu.memory_space<vmem>>) attributes {dimension_semantics = [#tpu.dimension_semantics<arbitrary>], iteration_bounds = array<i64: 160>, scalar_prefetch = 0 : i64, scratch_operands = 0 : i64, tpu.core_type = #tpu.core_type<tc>, window_params = [{transform_indices = @transform_0, window_bounds = array<i64: 2000, 16>}, {transform_indices = @transform_1, window_bounds = array<i64: 1, 1, 2000>}, {pipeline_mode = #tpu.pipeline_mode<synchronous>, transform_indices = @transform_2, window_bounds = array<i64: 16, 128>}, {pipeline_mode = #tpu.pipeline_mode<synchronous>, transform_indices = @transform_3, window_bounds = array<i64: 1, 128>}, {pipeline_mode = #tpu.pipeline_mode<synchronous>, transform_indices = @transform_4, window_bounds = array<i64: 128, 128>}, {pipeline_mode = #tpu.pipeline_mode<synchronous>, transform_indices = @transform_5, window_bounds = array<i64: 1, 128>}, {transform_indices = @transform_6, window_bounds = array<i64: 2000, 128>}]} {
    %get3A = arith.constant 0 : index
    %get3A_0 = arith.constant 0 : index
    %get3A_1 = vector.load %arg1[%get3A, %get3A_0] : memref<2000x16xf32, #tpu.memory_space<vmem>>, vector<2000x16xf32>
    %convert_element_type3A = arith.truncf %get3A_1 : vector<2000x16xf32> to vector<2000x16xbf16>
    %get3A_2 = arith.constant 0 : index
    %get3A_3 = arith.constant 0 : index
    %get3A_4 = vector.load %arg3[%get3A_2, %get3A_3] : memref<16x128xf32, #tpu.memory_space<vmem>>, vector<16x128xf32>
    %convert_element_type3A_5 = arith.truncf %get3A_4 : vector<16x128xf32> to vector<16x128xbf16>
    %dot_general3A = arith.constant dense<0.000000e+00> : vector<2000x128xf32>
    %dot_general3A_6 = tpu.matmul %convert_element_type3A, %convert_element_type3A_5, %dot_general3A {dimension_numbers = #tpu.dot_dimension_numbers<[1], [0], [0], [1], [0, 0, 1, 1], [], []>, transpose_lhs_hint = false} : vector<2000x16xbf16>, vector<16x128xbf16>, vector<2000x128xf32> -> vector<2000x128xf32>
    %get3A_7 = arith.constant 0 : index
    %get3A_8 = arith.constant 0 : index
    %get3A_9 = vector.load %arg4[%get3A_7, %get3A_8] : memref<1x128xf32, #tpu.memory_space<vmem>>, vector<1x128xf32>
    %add3A = vector.broadcast %get3A_9 : vector<1x128xf32> to vector<2000x128xf32>
    %add3A_10 = arith.addf %dot_general3A_6, %add3A : vector<2000x128xf32>
    %max3A = arith.constant 0.000000e+00 : f32
    %max3A_11 = vector.broadcast %max3A : f32 to vector<2000x128xf32>
    %max3A_12 = arith.maximumf %add3A_10, %max3A_11 : vector<2000x128xf32>
    %abs3A = math.absf %add3A_10 : vector<2000x128xf32>
    %neg3A = arith.constant 0.000000e+00 : f32
    %neg3A_13 = vector.broadcast %neg3A : f32 to vector<2000x128xf32>
    %neg3A_14 = arith.subf %neg3A_13, %abs3A : vector<2000x128xf32>
    %exp3A = math.exp %neg3A_14 : vector<2000x128xf32>
    %log1p3A = math.log1p %exp3A : vector<2000x128xf32>
    %add3A_15 = arith.addf %max3A_12, %log1p3A : vector<2000x128xf32>
    %sub3A = arith.constant 0.693147182 : f32
    %sub3A_16 = vector.broadcast %sub3A : f32 to vector<2000x128xf32>
    %sub3A_17 = arith.subf %add3A_15, %sub3A_16 : vector<2000x128xf32>
    %convert_element_type3A_18 = arith.truncf %sub3A_17 : vector<2000x128xf32> to vector<2000x128xbf16>
    %get3A_19 = arith.constant 0 : index
    %get3A_20 = arith.constant 0 : index
    %get3A_21 = vector.load %arg5[%get3A_19, %get3A_20] : memref<128x128xf32, #tpu.memory_space<vmem>>, vector<128x128xf32>
    %convert_element_type3A_22 = arith.truncf %get3A_21 : vector<128x128xf32> to vector<128x128xbf16>
    %dot_general3A_23 = arith.constant dense<0.000000e+00> : vector<2000x128xf32>
    %dot_general3A_24 = tpu.matmul %convert_element_type3A_18, %convert_element_type3A_22, %dot_general3A_23 {dimension_numbers = #tpu.dot_dimension_numbers<[1], [0], [0], [1], [0, 0, 1, 1], [], []>, transpose_lhs_hint = false} : vector<2000x128xbf16>, vector<128x128xbf16>, vector<2000x128xf32> -> vector<2000x128xf32>
    %get3A_25 = arith.constant 0 : index
    %get3A_26 = arith.constant 0 : index
    %get3A_27 = vector.load %arg6[%get3A_25, %get3A_26] : memref<1x128xf32, #tpu.memory_space<vmem>>, vector<1x128xf32>
    %add3A_28 = vector.broadcast %get3A_27 : vector<1x128xf32> to vector<2000x128xf32>
    %add3A_29 = arith.addf %dot_general3A_24, %add3A_28 : vector<2000x128xf32>
    %get3A_30 = arith.constant 0 : index
    %get3A_31 = arith.constant 0 : index
    %get3A_32 = arith.constant 0 : index
    %get3A_33 = vector.load %arg2[%get3A_30, %get3A_31, %get3A_32] : memref<1x1x2000xf32, #tpu.memory_space<vmem>>, vector<1x1x2000xf32>
    %reshape3A = vector.shape_cast %get3A_33 : vector<1x1x2000xf32> to vector<1x2000xf32>
    %mul3A = arith.constant 0.628318548 : f32
    %mul3A_34 = vector.broadcast %mul3A : f32 to vector<1x2000xf32>
    %mul3A_35 = arith.mulf %reshape3A, %mul3A_34 : vector<1x2000xf32>
    %cos3A = math.cos %mul3A_35 : vector<1x2000xf32>
    %add3A_36 = arith.constant 1.000000e+00 : f32
    %add3A_37 = vector.broadcast %add3A_36 : f32 to vector<1x2000xf32>
    %add3A_38 = arith.addf %cos3A, %add3A_37 : vector<1x2000xf32>
    %mul3A_39 = arith.constant 5.000000e-01 : f32
    %mul3A_40 = vector.broadcast %mul3A_39 : f32 to vector<1x2000xf32>
    %mul3A_41 = arith.mulf %mul3A_40, %add3A_38 : vector<1x2000xf32>
    %broadcast_in_dim3A = arith.constant 1.000000e+00 : f32
    %broadcast_in_dim3A_42 = vector.broadcast %broadcast_in_dim3A : f32 to vector<1x128xf32>
    %dot_general3A_43 = arith.constant dense<0.000000e+00> : vector<2000x128xf32>
    %dot_general3A_44 = tpu.matmul %mul3A_41, %broadcast_in_dim3A_42, %dot_general3A_43 {dimension_numbers = #tpu.dot_dimension_numbers<[0], [0], [1], [1], [0, 1, 1, 1], [], []>, transpose_lhs_hint = false} : vector<1x2000xf32>, vector<1x128xf32>, vector<2000x128xf32> -> vector<2000x128xf32>
    %mul3A_45 = arith.mulf %add3A_29, %dot_general3A_44 : vector<2000x128xf32>
    %swap3A = arith.constant 0 : index
    %swap3A_46 = arith.constant 0 : index
    %swap3A_47 = vector.load %arg7[%swap3A, %swap3A_46] : memref<2000x128xf32, #tpu.memory_space<vmem>>, vector<2000x128xf32>
    tpu.vector_store %arg7[%swap3A, %swap3A_46], %mul3A_45 {strides = array<i32>} : memref<2000x128xf32, #tpu.memory_space<vmem>>, vector<2000x128xf32>,
    return
  }
  func.func @transform_0(%arg0: i32) -> (i32, i32) {
    %c0_i32 = arith.constant 0 : i32
    %c0_i32_0 = arith.constant 0 : i32
    return %arg0, %c0_i32 : i32, i32
  }
  func.func @transform_1(%arg0: i32) -> (i32, i32, i32) {
    %c0_i32 = arith.constant 0 : i32
    %c0_i32_0 = arith.constant 0 : i32
    %c0_i32_1 = arith.constant 0 : i32
    return %arg0, %c0_i32, %c0_i32_0 : i32, i32, i32
  }
  func.func @transform_2(%arg0: i32) -> (i32, i32) {
    %c0_i32 = arith.constant 0 : i32
    %c0_i32_0 = arith.constant 0 : i32
    %c0_i32_1 = arith.constant 0 : i32
    return %c0_i32, %c0_i32_0 : i32, i32
  }
  func.func @transform_3(%arg0: i32) -> (i32, i32) {
    %c0_i32 = arith.constant 0 : i32
    %c0_i32_0 = arith.constant 0 : i32
    %c0_i32_1 = arith.constant 0 : i32
    return %c0_i32, %c0_i32_0 : i32, i32
  }
  func.func @transform_4(%arg0: i32) -> (i32, i32) {
    %c0_i32 = arith.constant 0 : i32
    %c0_i32_0 = arith.constant 0 : i32
    %c0_i32_1 = arith.constant 0 : i32
    return %c0_i32, %c0_i32_0 : i32, i32
  }
  func.func @transform_5(%arg0: i32) -> (i32, i32) {
    %c0_i32 = arith.constant 0 : i32
    %c0_i32_0 = arith.constant 0 : i32
    %c0_i32_1 = arith.constant 0 : i32
    return %c0_i32, %c0_i32_0 : i32, i32
  }
  func.func @transform_6(%arg0: i32) -> (i32, i32) {
    %c0_i32 = arith.constant 0 : i32
    %c0_i32_0 = arith.constant 0 : i32
    return %arg0, %c0_i32 : i32, i32
  }
}

module attributes {stable_mosaic.version = 14 : i64} {
  func.func @_out_body(%arg0: i32, %arg1: memref<2000x128xf32, #tpu.memory_space<vmem>>, %arg2: memref<2000x128xf32, #tpu.memory_space<vmem>>, %arg3: memref<128x128xf32, #tpu.memory_space<vmem>>, %arg4: memref<1x128xf32, #tpu.memory_space<vmem>>, %arg5: memref<128x128xf32, #tpu.memory_space<vmem>>, %arg6: memref<1x128xf32, #tpu.memory_space<vmem>>, %arg7: memref<2000x128xf32, #tpu.memory_space<vmem>>) attributes {dimension_semantics = [#tpu.dimension_semantics<arbitrary>], iteration_bounds = array<i64: 5>, scalar_prefetch = 0 : i64, scratch_operands = 0 : i64, tpu.core_type = #tpu.core_type<tc>, window_params = [{transform_indices = @transform_0, window_bounds = array<i64: 2000, 128>}, {transform_indices = @transform_1, window_bounds = array<i64: 2000, 128>}, {pipeline_mode = #tpu.pipeline_mode<synchronous>, transform_indices = @transform_2, window_bounds = array<i64: 128, 128>}, {pipeline_mode = #tpu.pipeline_mode<synchronous>, transform_indices = @transform_3, window_bounds = array<i64: 1, 128>}, {pipeline_mode = #tpu.pipeline_mode<synchronous>, transform_indices = @transform_4, window_bounds = array<i64: 128, 128>}, {pipeline_mode = #tpu.pipeline_mode<synchronous>, transform_indices = @transform_5, window_bounds = array<i64: 1, 128>}, {transform_indices = @transform_6, window_bounds = array<i64: 2000, 128>}]} {
    %get3A = arith.constant 0 : index
    %get3A_0 = arith.constant 0 : index
    %get3A_1 = vector.load %arg1[%get3A, %get3A_0] : memref<2000x128xf32, #tpu.memory_space<vmem>>, vector<2000x128xf32>
    %get3A_2 = arith.constant 0 : index
    %get3A_3 = arith.constant 0 : index
    %get3A_4 = vector.load %arg2[%get3A_2, %get3A_3] : memref<2000x128xf32, #tpu.memory_space<vmem>>, vector<2000x128xf32>
    %add3A = arith.addf %get3A_1, %get3A_4 : vector<2000x128xf32>
    %get3A_5 = arith.constant 0 : index
    %get3A_6 = arith.constant 0 : index
    %get3A_7 = vector.load %arg3[%get3A_5, %get3A_6] : memref<128x128xf32, #tpu.memory_space<vmem>>, vector<128x128xf32>
    %dot_general3A = arith.constant dense<0.000000e+00> : vector<2000x128xf32>
    %dot_general3A_8 = tpu.matmul %add3A, %get3A_7, %dot_general3A {dimension_numbers = #tpu.dot_dimension_numbers<[1], [0], [0], [1], [0, 0, 1, 1], [], []>, transpose_lhs_hint = false} : vector<2000x128xf32>, vector<128x128xf32>, vector<2000x128xf32> -> vector<2000x128xf32>
    %get3A_9 = arith.constant 0 : index
    %get3A_10 = arith.constant 0 : index
    %get3A_11 = vector.load %arg4[%get3A_9, %get3A_10] : memref<1x128xf32, #tpu.memory_space<vmem>>, vector<1x128xf32>
    %add3A_12 = vector.broadcast %get3A_11 : vector<1x128xf32> to vector<2000x128xf32>
    %add3A_13 = arith.addf %dot_general3A_8, %add3A_12 : vector<2000x128xf32>
    %tanh3A = math.tanh %add3A_13 : vector<2000x128xf32>
    %get3A_14 = arith.constant 0 : index
    %get3A_15 = arith.constant 0 : index
    %get3A_16 = vector.load %arg5[%get3A_14, %get3A_15] : memref<128x128xf32, #tpu.memory_space<vmem>>, vector<128x128xf32>
    %dot_general3A_17 = arith.constant dense<0.000000e+00> : vector<2000x128xf32>
    %dot_general3A_18 = tpu.matmul %tanh3A, %get3A_16, %dot_general3A_17 {dimension_numbers = #tpu.dot_dimension_numbers<[1], [0], [0], [1], [0, 0, 1, 1], [], []>, transpose_lhs_hint = false} : vector<2000x128xf32>, vector<128x128xf32>, vector<2000x128xf32> -> vector<2000x128xf32>
    %get3A_19 = arith.constant 0 : index
    %get3A_20 = arith.constant 0 : index
    %get3A_21 = vector.load %arg6[%get3A_19, %get3A_20] : memref<1x128xf32, #tpu.memory_space<vmem>>, vector<1x128xf32>
    %add3A_22 = vector.broadcast %get3A_21 : vector<1x128xf32> to vector<2000x128xf32>
    %add3A_23 = arith.addf %dot_general3A_18, %add3A_22 : vector<2000x128xf32>
    %swap3A = arith.constant 0 : index
    %swap3A_24 = arith.constant 0 : index
    %swap3A_25 = vector.load %arg7[%swap3A, %swap3A_24] : memref<2000x128xf32, #tpu.memory_space<vmem>>, vector<2000x128xf32>
    tpu.vector_store %arg7[%swap3A, %swap3A_24], %add3A_23 {strides = array<i32>} : memref<2000x128xf32, #tpu.memory_space<vmem>>, vector<2000x128xf32>,
    return
  }
  func.func @transform_0(%arg0: i32) -> (i32, i32) {
    %c0_i32 = arith.constant 0 : i32
    %c0_i32_0 = arith.constant 0 : i32
    return %arg0, %c0_i32 : i32, i32
  }
  func.func @transform_1(%arg0: i32) -> (i32, i32) {
    %c0_i32 = arith.constant 0 : i32
    %c0_i32_0 = arith.constant 0 : i32
    return %arg0, %c0_i32 : i32, i32
  }
  func.func @transform_2(%arg0: i32) -> (i32, i32) {
    %c0_i32 = arith.constant 0 : i32
    %c0_i32_0 = arith.constant 0 : i32
    %c0_i32_1 = arith.constant 0 : i32
    return %c0_i32, %c0_i32_0 : i32, i32
  }
  func.func @transform_3(%arg0: i32) -> (i32, i32) {
    %c0_i32 = arith.constant 0 : i32
    %c0_i32_0 = arith.constant 0 : i32
    %c0_i32_1 = arith.constant 0 : i32
    return %c0_i32, %c0_i32_0 : i32, i32
  }
  func.func @transform_4(%arg0: i32) -> (i32, i32) {
    %c0_i32 = arith.constant 0 : i32
    %c0_i32_0 = arith.constant 0 : i32
    %c0_i32_1 = arith.constant 0 : i32
    return %c0_i32, %c0_i32_0 : i32, i32
  }
  func.func @transform_5(%arg0: i32) -> (i32, i32) {
    %c0_i32 = arith.constant 0 : i32
    %c0_i32_0 = arith.constant 0 : i32
    %c0_i32_1 = arith.constant 0 : i32
    return %c0_i32, %c0_i32_0 : i32, i32
  }
  func.func @transform_6(%arg0: i32) -> (i32, i32) {
    %c0_i32 = arith.constant 0 : i32
    %c0_i32_0 = arith.constant 0 : i32
    return %arg0, %c0_i32 : i32, i32
  }
}

</mosaic_0001>

<sc_bundles>
// kernel: kernel.6.cloned.1.call-start
scs
__scs_entry_jumppad:
0x0: {  	(pc) =	sbr.rel $0x88, $3  }
0x1: {  	(tag) =	ssettag $0x0;
	lr =	simm.s32 $0x1  }
0x2: {  	[smem:$0x3F94] =	sst lr;
	_ =	strace $0xD0000000  }
0x3: {  	_ = 	snop  }
0x4: {  	_ = 	snop  }
0x5: {  	_ = 	snop  }
0x6: {  	_ = 	snop  }
0x7: {  	_ = 	snop  }
__scs_overlays_trampoline_lowered:
0x8: {  	[smem:$0x3FA3] =	sst s0  }
0x9: {  	[smem:$0x3FA4] =	sst s1  }
0xa: {  	[smem:$0x3FA5] =	sst s2  }
0xb: {  	[smem:$0x3FA6] =	sst s3  }
0xc: {  	[smem:$0x3FA7] =	sst s4  }
0xd: {  	[smem:$0x3FA8] =	sst s5  }
0xe: {  	[smem:$0x3FA9] =	sst s6  }
0xf: {  	[smem:$0x3FAA] =	sst s7  }
0x10: {  	[smem:$0x3FAB] =	sst s8  }
0x11: {  	[smem:$0x3FAC] =	sst s9;
	s0 =	simm.s32 @!p0 $0x0  }
0x12: {  	s1 =	sld [smem:$0x3F92];
	s0 =	simm.s32 @p0 $0x1  }
0x13: {  	[smem:$0x3FAD] =	sst s0;
	s0 =	simm.s32 @!p1 $0x0  }
0x14: {  	s2 =	sld [smem:$0x3F91];
	s0 =	simm.s32 @p1 $0x1  }
0x15: {  	[smem:$0x3FAE] =	sst s0;
	s0 =	simm.s32 @!p2 $0x0  }
0x16: {  	s3 =	sld [smem:$0x3FDB];
	s0 =	simm.s32 @p2 $0x1  }
0x17: {  	s4 =	simm.s32 $0x1BF5;
	[smem:$0x3FB0] =	sst s0  }
0x18: {  	s0 =	sld [smem:$0x3F93];
	_ =	swait.ge [sflag:s4], $0x0  }
0x19: {  	s7 =	sld [smem:$0x3F94]  }
0x1a: {  	s8 =	sadd.s32 $0xFFFFE003, lr  }
0x1b: {  	s9 =	sadd.s32 $0xFFFFFEF7, lr;
	s5 =	simm.s32 $0xFFFFFFFF;
	p2 =	slt.u32 s8, $0xFFFFF086  }
0x1c: {  	p1 =	slt.u32 s9, $0xF7A;
	s5 =	simm.s32 @!p2 $0x0  }
0x1d: {  	s5 =	simm.s32 @p1 $0x1;
	p0 =	seq.s32 s7, s2  }
0x1e: {  	s7 =	smul.u32 @!p0 $0xF7A, s2;
	p2 =	seq.s32 @!p0 s5, $0x0  }
0x1f: {  	s9 =	smul.u32 $0xF7A, s1;
	s8 =	simm.s32 @!p0 $0x1BF5;
	p2 =	por !p2, p0  }
0x20: {  	[sflag:s8] =	ssyncset.s32 @!p0 $0xFFFFF086;
	s6 =	sadd.s32 @!p0 s3, s7;
	s7 =	simm.s32 @!p0 $0x108  }
0x21: {  	s3 =	sadd.s32 s3, s9;
	s6 =	sadd.s32 @!p0 $0x88, s6;
	s7 =	simm.s32 @p2 $0x1082  }
0x22: {  	[simem:s7], [sflag:s8] =	dma.local @!p0 [hbm:s6], $0xF7A  }
0x23: {  	s9 =	sor.u32 $0xD0000000, s2;
	s6 =	simm.s32 $0x108;
	_ =	swait.ge @!p0 [sflag:s8], $0x0  }
0x24: {  	s3 =	sadd.s32 $0x88, s3;
	s6 =	simm.s32 @!p1 $0x1082;
	[sflag:s4] =	ssyncset.s32 $0xFFFFF086  }
0x25: {  	[simem:s6], [sflag:s4] =	dma.local [hbm:s3], $0xF7A  }
0x26: {  	[smem:$0x3F94] =	sst s1;
	(tag) =	ssettag s2;
	_ =	strace s9  }
0x27: {  	s1 =	sld [smem:$0x3FA4]  }
0x28: {  	s2 =	sld [smem:$0x3FA5]  }
0x29: {  	s4 =	sld [smem:$0x3FA7]  }
0x2a: {  	p0 =	seq.s32 s5, $0x0;
	s5 =	sld [smem:$0x3FA8]  }
0x2b: {  	s6 =	sld [smem:$0x3FA9]  }
0x2c: {  	s7 =	sld [smem:$0x3FAA]  }
0x2d: {  	s3 =	simm.s32 $0x108;
	s8 =	sld [smem:$0x3FAB]  }
0x2e: {  	s3 =	simm.s32 @!p0 $0x1082;
	s9 =	sld [smem:$0x3FAC]  }
0x2f: {  	lr =	sadd.s32 s0, s3;
	s0 =	sld [smem:$0x3FA3]  }
0x30: {  	s3 =	sld [smem:$0x3FA6]  }
0x31: {  	[smem:$0x3FAF] =	sst s10  }
0x32: {  	s10 =	sld [smem:$0x3FAD];
	_ =	sdelay $0x3  }
0x33: {  	p0 =	seq.s32 s10, $0x1;
	s10 =	sld [smem:$0x3FAF];
	_ =	sdelay $0x3  }
0x34: {  	[smem:$0x3FAF] =	sst s10  }
0x35: {  	s10 =	sld [smem:$0x3FAE];
	_ =	sdelay $0x3  }
0x36: {  	p1 =	seq.s32 s10, $0x1;
	s10 =	sld [smem:$0x3FAF];
	_ =	sdelay $0x3  }
0x37: {  	[smem:$0x3FAF] =	sst s10  }
0x38: {  	s10 =	sld [smem:$0x3FB0]  }
0x39: {  	_ = 	snop;
	(pc) =	sbr.ind lr, $3  }
0x3a: {  	_ = 	snop  }
0x3b: {  	_ = 	snop  }
0x3c: {  	p2 =	seq.s32 s10, $0x1;
	s10 =	sld [smem:$0x3FAF]  }
0x3d: {  	_ =	shalt  }
0x3e: {  	_ =	shalt  }
0x3f: {  	_ =	shalt  }
0x40: {  	_ =	shalt  }
0x41: {  	_ =	shalt  }
0x42: {  	_ =	shalt  }
0x43: {  	_ =	shalt  }
0x44: {  	_ =	shalt  }
0x45: {  	_ =	shalt  }
0x46: {  	_ =	shalt  }
0x47: {  	_ =	shalt  }
0x48: {  	_ =	shalt  }
0x49: {  	_ =	shalt  }
0x4a: {  	_ =	shalt  }
0x4b: {  	_ =	shalt  }
0x4c: {  	_ =	shalt  }
0x4d: {  	_ =	shalt  }
0x4e: {  	_ =	shalt  }
0x4f: {  	_ =	shalt  }
0x50: {  	_ =	shalt  }
0x51: {  	_ =	shalt  }
0x52: {  	_ =	shalt  }
0x53: {  	_ =	shalt  }
0x54: {  	_ =	shalt  }
0x55: {  	_ =	shalt  }
0x56: {  	_ =	shalt  }
0x57: {  	_ =	shalt  }
0x58: {  	_ =	shalt  }
0x59: {  	_ =	shalt  }
0x5a: {  	_ =	shalt  }
0x5b: {  	_ =	shalt  }
0x5c: {  	_ =	shalt  }
0x5d: {  	_ =	shalt  }
0x5e: {  	_ =	shalt  }
0x5f: {  	_ =	shalt  }
0x60: {  	_ =	shalt  }
0x61: {  	_ =	shalt  }
0x62: {  	_ =	shalt  }
0x63: {  	_ =	shalt  }
0x64: {  	_ =	shalt  }
0x65: {  	_ =	shalt  }
0x66: {  	_ =	shalt  }
0x67: {  	_ =	shalt  }
0x68: {  	_ =	shalt  }
0x69: {  	_ =	shalt  }
0x6a: {  	_ =	shalt  }
0x6b: {  	_ =	shalt  }
0x6c: {  	_ =	shalt  }
0x6d: {  	_ =	shalt  }
0x6e: {  	_ =	shalt  }
0x6f: {  	_ =	shalt  }
0x70: {  	_ =	shalt  }
0x71: {  	_ =	shalt  }
0x72: {  	_ =	shalt  }
0x73: {  	_ =	shalt  }
0x74: {  	_ =	shalt  }
0x75: {  	_ =	shalt  }
0x76: {  	_ =	shalt  }
0x77: {  	_ =	shalt  }
0x78: {  	_ =	shalt  }
0x79: {  	_ =	shalt  }
0x7a: {  	_ =	shalt  }
0x7b: {  	_ =	shalt  }
0x7c: {  	_ =	shalt  }
0x7d: {  	_ =	shalt  }
0x7e: {  	_ =	shalt  }
0x7f: {  	_ =	shalt  }
0x80: {  	_ =	shalt  }
0x81: {  	_ =	shalt  }
0x82: {  	_ =	shalt  }
0x83: {  	_ =	shalt  }
0x84: {  	_ =	shalt  }
0x85: {  	_ =	shalt  }
0x86: {  	_ =	shalt  }
0x87: {  	_ =	shalt  }
.Lfunc_end0:
.L_simem_size_0:
called_computation_lowered:
.L_overlay_start_0:
0x88: {  	s2 =	sld [smem:$0x3FD9]  }
0x89: {  	s3 =	sld [smem:$0x3FFE];
	_ =	sdelay $0x1  }
0x8a: {  	s1 =	srdreg.scid  }
0x8b: {  	s0 =	sand.u32 $0x1, s1  }
0x8c: {  	s17 =	sshll.u32 s0, $0xA;
	s2 =	sadd.s32 s3, s2  }
0x8d: {  	s2 =	sadd.s32 s2, s17  }
0x8e: {  	[smem:$0x3FBB] =	sst s2  }
0x8f: {  	_ = 	snop  }
0x90: {  	s2 =	sld [smem:$0x3FD0];
	(tm) =	ssettm $0x1  }
0x91: {  	s18 =	sld [smem:$0x3FFB];
	_ =	sdelay $0x3  }
0x92: {  	_ =	strace s18  }
0x93: {  	s3 =	sld [smem:$0x3FFC];
	_ =	sdelay $0x3  }
0x94: {  	_ =	strace s3  }
0x95: {  	s3 =	sld [smem:$0x3FFD];
	_ =	sdelay $0x3  }
0x96: {  	_ =	strace s3  }
0x97: {  	_ =	strace $0x8FFFFFFF  }
0x98: {  	s19 =	sld [smem:$0x3FDB];
	_ =	sdelay $0x1  }
0x99: {  	s4 =	simm.s32 $_scs_section_size  }
0x9a: {  	s5 =	simm.s32 $_size__tile_overlayer_lowered;
	s6 =	simm.s32 $_tile_overlayer_lowered  }
0x9b: {  	s22 =	simm.s32 $0x1BFF;
	s21 =	sshll.u32 s6, $0x1;
	s3 =	sadd.s32 s4, s19  }
0x9c: {  	s7 =	simm.s32 $0x0;
	s20 =	sshll.u32 s5, $0x1;
	s5 =	sadd.s32 s21, s3  }
0x9d: {  	[timem:s7], [sflag:s22] =	dma.local [hbm:s5], s20  }
0x9e: {  	_ =	swait.ge [sflag:s22], s20  }
0x9f: {  	s4 =	ssub.s32 $0x0, s20;
	[sflag:s22] =	ssyncset.done $0x0  }
0xa0: {  	[sflag:s22] =	ssyncadd.s32 s4;
	_ =	sdelay $0x1  }
0xa1: {  	s23 =	simm.s32 $0x1B8B  }
0xa2: {  	_ =	swait.ge [sflag:s23], $0x1  }
0xa3: {  	[sflag:s23] =	ssyncset.done $0x0  }
0xa4: {  	s25 =	simm.s32 $0x1B8E;
	s24 =	sld [smem:$0x3FFE];
	[sflag:s23] =	ssyncadd.s32 $0xFFFFFFFF  }
0xa5: {  	s26 =	simm.s32 $execute0_lowered;
	[smem:$0x3FD2] =	sst s25  }
0xa6: {  	s5 =	sshll.u32 s26, $0x1;
	_ =	strace $0x80000046;
	[dreg:$0x1] =	wrdreg $0xFFFFFFFF  }
0xa7: {  	s28 =	simm.s32 $_size_execute0_lowered;
	s3 =	sadd.s32 s3, s5;
	[dreg:$0x0] =	wrdreg $0x0  }
0xa8: {  	s5 =	sshll.u32 s28, $0x1;
	[dreg:$0x2] =	wrdreg s3  }
0xa9: {  	[dreg:$0x3] =	wrdreg s5  }
0xaa: {  	[dreg:$0x4] =	wrdreg $0xC0  }
0xab: {  	_ =	task [dreg:s7], $0x5FFFF  }
0xac: {  	[dreg:$0x1] =	wrdreg $0xFFFFFFFF  }
0xad: {  	[dreg:$0x0] =	wrdreg $0x60  }
0xae: {  	[dreg:$0x2] =	wrdreg s2  }
0xaf: {  	[dreg:$0x3] =	wrdreg s24  }
0xb0: {  	[dreg:$0x4] =	wrdreg $0xB1000  }
0xb1: {  	[dreg:$0x5] =	wrdreg $0x9  }
0xb2: {  	_ =	task.clear_ibuf [dreg:s7], $0x6FFFF;
	_ =	strace $0x90000046  }
0xb3: {  	s29 =	simm.s32 $0x9;
	_ =	strace $0x80000048  }
0xb4: {  	_ =	swait.ge [sflag:s29], $0x1  }
0xb5: {  	[sflag:s29] =	ssyncadd.s32 $0xFFFFFFFF  }
0xb6: {  	_ =	strace $0x90000048  }
0xb7: {  	_ =	sfence  }
0xb8: {  	s30 =	sld [smem:$0x0];
	_ =	sdelay $0x2  }
0xb9: {  	s31 =	sshll.u32 s1, $0xD;
	s1 =	sshrl.u32 s1, $0x2  }
0xba: {  	s3 =	sand.u32 $0x4000, s31;
	s1 =	sadd.s32 s1, s30  }
0xbb: {  	s0 =	sor.u32 s3, s0;
	s1 =	sshll.u32 s1, $0x11  }
0xbc: {  	s0 =	sor.u32 s1, s0  }
0xbd: {  	s0 =	sadd.s32 $0x8F2B, s0  }
0xbe: {  	[sflag:s0] =	ssyncadd.remote.s32 $0x1  }
0xbf: {  	_ =	sfence.sel $0xFFFF  }
0xc0: {  	[dreg:$0x0] =	wrdreg $0xFFFFFFFF;
	(pc) =	sbr.abs _section_cstart, $3  }
0xc1: {  	[dreg:$0x1] =	wrdreg $0xFFFFFFFF  }
0xc2: {  	_ =	task.clear_ibuf [dreg:s7], $0x2FFFF;
	_ =	strace $0x9FFFFFFF  }
0xc3: {  	(tm) =	ssettm $0x7FFFFFFF  }
tec
execute0_lowered:
.L_overlay_start_1:
0x0: {  	(tag) =	ssettag $0x1  }
0x1: {  	s0 =	srdreg.scid;
	s1 =	rddreg [dreg:$0x0]  }
0x2: {  	s2 =	rddreg [dreg:$0x1];
	s10 =	stileid.u32  }
0x3: {  	s3 =	rddreg [dreg:$0x2];
	s5 =	simm.s32 $0x0;
	s8 =	smul.u32 $0x50000, s10  }
0x4: {  	s0 =	sand.u32 $0x1, s0;
	[smem:$0x7FF] =	sst s5;
	s5 =	sadd.s32 $0x4F8400, s2  }
0x5: {  	s21 =	smul.u32 $0x2800, s10;
	s7 =	ssub.s32 $0x2, s0;
	s8 =	sshrl.u32 s8, $0x2  }
0x6: {  	s4 =	sshll.u32 s0, $0x4;
	s9 =	sshrl.u32 s7, $0x1;
	s8 =	sadd.s32 s8, s3  }
0x7: {  	_ =	strace $0x80000047;
	s7 =	ssub.s32 s7, s9;
	s9 =	sadd.s32 $0x1000, s8  }
0x8: {  	p0 =	seq.s32 s0, $0x1;
	s11 =	sadd.s32 $0x2000, s8;
	[dreg:$0x6] =	wrdreg s9  }
0x9: {  	s0 =	simm.s32 $0x2A400;
	s12 =	sadd.s32 $0x3000, s8;
	[dreg:$0x7] =	wrdreg s11  }
0xa: {  	s4 =	sor.u32 s10, s4;
	s13 =	sadd.s32 $0x4000, s8;
	[dreg:$0x8] =	wrdreg s12  }
0xb: {  	s0 =	simm.s32 @!p0 $0x2400;
	s14 =	sadd.s32 $0x5000, s8;
	[dreg:$0x9] =	wrdreg s13  }
0xc: {  	s10 =	simm.s32 $0x3;
	s15 =	sadd.s32 $0x6000, s8;
	[dreg:$0xa] =	wrdreg s14  }
0xd: {  	s6 =	smul.u32 $0x500, s4;
	s16 =	sadd.s32 $0x7000, s8;
	[dreg:$0xb] =	wrdreg s15  }
0xe: {  	s19 =	smul.u32 $0x28000, s4;
	s17 =	sadd.s32 $0x8000, s8;
	[dreg:$0xc] =	wrdreg s16  }
0xf: {  	s0 =	sadd.s32 s0, s2;
	s18 =	sadd.s32 $0x9000, s8;
	[dreg:$0xd] =	wrdreg s17  }
0x10: {  	s20 =	sadd.s32 $0xA000, s8;
	s22 =	sadd.s32 $0xB000, s8;
	[dreg:$0xe] =	wrdreg s18  }
0x11: {  	s23 =	sadd.s32 $0xC000, s8;
	s0 =	sadd.s32 s0, s21;
	[dreg:$0xf] =	wrdreg s20  }
0x12: {  	s24 =	sadd.s32 $0xD000, s8;
	s25 =	smax.u32 s7, $0x1;
	[dreg:$0x10] =	wrdreg s22  }
0x13: {  	s26 =	sadd.s32 $0xE000, s8;
	s29 =	sadd.s32 $0x10000, s8;
	[dreg:$0x11] =	wrdreg s23  }
0x14: {  	s30 =	sadd.s32 $0x11000, s8;
	s31 =	sadd.s32 $0x12000, s8;
	[dreg:$0x12] =	wrdreg s0  }
0x15: {  	s7 =	simm.s32 $0x20;
	s6 =	sadd.s32 s6, s2;
	[dreg:$0x13] =	wrdreg s24  }
0x16: {  	s23 =	sadd.s32 s5, s19;
	s24 =	smul.u32 $0x140, s4;
	[dreg:$0x14] =	wrdreg s25  }
0x17: {  	[dreg:$0x15] =	wrdreg s26;
	s2 =	sadd.s32 $0x13000, s8;
	s4 =	simm.s32 $0x7  }
0x18: {  	s9 =	simm.s32 $0x1;
	s11 =	simm.s32 $0xB000;
	s12 =	simm.s32 $0x9000  }
0x19: {  	s13 =	simm.s32 $0x2;
	s14 =	simm.s32 $0x4;
	s15 =	simm.s32 $0xB080  }
0x1a: {  	s16 =	simm.s32 $0xA000;
	s17 =	simm.s32 $0x5;
	s28 =	sadd.s32 $0x4EE400, s6  }
0x1b: {  	s18 =	simm.s32 $0x6;
	s6 =	sadd.s32 $0x4E4400, s6;
	[dreg:$0x4] =	wrdreg s28  }
0x1c: {  	s19 =	simm.s32 $0x0;
	[dreg:$0x5] =	wrdreg s6;
	s28 =	sadd.s32 $0xF000, s8  }
0x1d: {  	v0 =	vimm.f32 $0.0e+00;
	s0 =	sadd.s32 $0x200, s23;
	s6 =	simm.s32 $0x5000;
	[dreg:$0x16] =	wrdreg s28  }
.LBB2_1:
0x1e: {  	s20 =	simm.s32 $0x0;
	s21 =	rddreg [dreg:$0x4]  }
0x1f: {  	[tilespmem:s20], [sflag:$0x7] =	stream.linear.gather [hbm4b:s21+s20], $0x2800, $0x38;
	[tilespmem:$0x1F100] =	vst v63  }
0x20: {  	_ =	swait.ge [sflag:s4], $0x2800  }
0x21: {  	[sflag:s4] =	ssyncset.done $0x0  }
0x22: {  	s22 =	simm.s32 $0x2800;
	s28 =	rddreg [dreg:$0x5];
	[sflag:s4] =	ssyncadd.s32 $0xFFFFD800  }
0x23: {  	[tilespmem:s22], [sflag:$0x7] =	stream.linear.gather [hbm4b:s28+s20], $0x2800, $0x38;
	[tilespmem:$0x1F100] =	vst v63  }
0x24: {  	_ =	swait.ge [sflag:s4], $0x2800  }
0x25: {  	[sflag:s4] =	ssyncset.done $0x0  }
0x26: {  	s21 =	simm.s32 $0x200;
	s20 =	simm.s32 $0x0;
	[sflag:s4] =	ssyncadd.s32 $0xFFFFD800  }
.LBB2_2:
0x27: {  	p0 =	sne.s32 s21, $0x3E00;
	[tilespmem:s20+$0x5070] =	vst v0  }
0x28: {  	[tilespmem:s20+$0x5000] =	vst v0  }
0x29: {  	[tilespmem:s20+$0x5010] =	vst v0  }
.Ltmp0:
0x2a: {  	[tilespmem:s20+$0x5020] =	vst v0;
	(pc) =	sbr.rel @p0 .LBB2_2-.Ltmp0, $4  }
0x2b: {  	[tilespmem:s20+$0x5030] =	vst v0  }
0x2c: {  	[tilespmem:s20+$0x5040] =	vst v0  }
0x2d: {  	[tilespmem:s20+$0x5050] =	vst v0  }
0x2e: {  	[tilespmem:s20+$0x5060] =	vst v0;
	s20 =	sshra.s32 s21, $0x2;
	s21 =	sadd.s32 $0x200, s21  }
0x2f: {  	[tilespmem:s20+$0x5070] =	vst v0  }
0x30: {  	[tilespmem:s20+$0x5000] =	vst v0  }
0x31: {  	[tilespmem:s20+$0x5010] =	vst v0  }
0x32: {  	[tilespmem:s20+$0x5020] =	vst v0  }
0x33: {  	[tilespmem:s20+$0x5030] =	vst v0  }
0x34: {  	[tilespmem:s20+$0x5040] =	vst v0  }
0x35: {  	[tilespmem:s20+$0x5050] =	vst v0  }
0x36: {  	[tilespmem:s20+$0x5060] =	vst v0  }
0x37: {  	[spmem:s8] =	stream.linear.scatter [tilespmem:s6], [sflag:$0x7], $0x1000, $0x38;
	[tilespmem:$0x1F100] =	vst v63  }
0x38: {  	_ =	swait.ge [sflag:s4], $0x1000  }
0x39: {  	[sflag:s4] =	ssyncset.done $0x0  }
0x3a: {  	s26 =	rddreg [dreg:$0x6];
	[sflag:s4] =	ssyncadd.s32 $0xFFFFF000  }
0x3b: {  	[spmem:s26] =	stream.linear.scatter [tilespmem:s6], [sflag:$0x7], $0x1000, $0x38;
	[tilespmem:$0x1F100] =	vst v63  }
0x3c: {  	_ =	swait.ge [sflag:s4], $0x1000  }
0x3d: {  	[sflag:s4] =	ssyncset.done $0x0  }
0x3e: {  	s28 =	rddreg [dreg:$0x7];
	[sflag:s4] =	ssyncadd.s32 $0xFFFFF000  }
0x3f: {  	[spmem:s28] =	stream.linear.scatter [tilespmem:s6], [sflag:$0x7], $0x1000, $0x38;
	[tilespmem:$0x1F100] =	vst v63  }
0x40: {  	_ =	swait.ge [sflag:s4], $0x1000  }
0x41: {  	[sflag:s4] =	ssyncset.done $0x0  }
0x42: {  	s21 =	rddreg [dreg:$0x8];
	[sflag:s4] =	ssyncadd.s32 $0xFFFFF000  }
0x43: {  	[spmem:s21] =	stream.linear.scatter [tilespmem:s6], [sflag:$0x7], $0x1000, $0x38;
	[tilespmem:$0x1F100] =	vst v63  }
0x44: {  	_ =	swait.ge [sflag:s4], $0x1000  }
0x45: {  	[sflag:s4] =	ssyncset.done $0x0  }
0x46: {  	s22 =	rddreg [dreg:$0x9];
	[sflag:s4] =	ssyncadd.s32 $0xFFFFF000  }
0x47: {  	[spmem:s22] =	stream.linear.scatter [tilespmem:s6], [sflag:$0x7], $0x1000, $0x38;
	[tilespmem:$0x1F100] =	vst v63  }
0x48: {  	_ =	swait.ge [sflag:s4], $0x1000  }
0x49: {  	[sflag:s4] =	ssyncset.done $0x0  }
0x4a: {  	s25 =	rddreg [dreg:$0xa];
	[sflag:s4] =	ssyncadd.s32 $0xFFFFF000  }
0x4b: {  	[spmem:s25] =	stream.linear.scatter [tilespmem:s6], [sflag:$0x7], $0x1000, $0x38;
	[tilespmem:$0x1F100] =	vst v63  }
0x4c: {  	_ =	swait.ge [sflag:s4], $0x1000  }
0x4d: {  	[sflag:s4] =	ssyncset.done $0x0  }
0x4e: {  	s26 =	rddreg [dreg:$0xb];
	[sflag:s4] =	ssyncadd.s32 $0xFFFFF000  }
0x4f: {  	[spmem:s26] =	stream.linear.scatter [tilespmem:s6], [sflag:$0x7], $0x1000, $0x38;
	[tilespmem:$0x1F100] =	vst v63  }
0x50: {  	_ =	swait.ge [sflag:s4], $0x1000  }
0x51: {  	[sflag:s4] =	ssyncset.done $0x0  }
0x52: {  	s28 =	rddreg [dreg:$0xc];
	[sflag:s4] =	ssyncadd.s32 $0xFFFFF000  }
0x53: {  	[spmem:s28] =	stream.linear.scatter [tilespmem:s6], [sflag:$0x7], $0x1000, $0x38;
	[tilespmem:$0x1F100] =	vst v63  }
0x54: {  	_ =	swait.ge [sflag:s4], $0x1000  }
0x55: {  	[sflag:s4] =	ssyncset.done $0x0  }
0x56: {  	s21 =	rddreg [dreg:$0xd];
	[sflag:s4] =	ssyncadd.s32 $0xFFFFF000  }
0x57: {  	[spmem:s21] =	stream.linear.scatter [tilespmem:s6], [sflag:$0x7], $0x1000, $0x38;
	[tilespmem:$0x1F100] =	vst v63  }
0x58: {  	_ =	swait.ge [sflag:s4], $0x1000  }
0x59: {  	[sflag:s4] =	ssyncset.done $0x0  }
0x5a: {  	s22 =	rddreg [dreg:$0xe];
	[sflag:s4] =	ssyncadd.s32 $0xFFFFF000  }
0x5b: {  	[spmem:s22] =	stream.linear.scatter [tilespmem:s6], [sflag:$0x7], $0x1000, $0x38;
	[tilespmem:$0x1F100] =	vst v63  }
0x5c: {  	_ =	swait.ge [sflag:s4], $0x1000  }
0x5d: {  	[sflag:s4] =	ssyncset.done $0x0  }
0x5e: {  	s25 =	rddreg [dreg:$0xf];
	[sflag:s4] =	ssyncadd.s32 $0xFFFFF000  }
0x5f: {  	[spmem:s25] =	stream.linear.scatter [tilespmem:s6], [sflag:$0x7], $0x1000, $0x38;
	[tilespmem:$0x1F100] =	vst v63  }
0x60: {  	_ =	swait.ge [sflag:s4], $0x1000  }
0x61: {  	[sflag:s4] =	ssyncset.done $0x0  }
0x62: {  	s26 =	rddreg [dreg:$0x10];
	[sflag:s4] =	ssyncadd.s32 $0xFFFFF000  }
0x63: {  	[spmem:s26] =	stream.linear.scatter [tilespmem:s6], [sflag:$0x7], $0x1000, $0x38;
	[tilespmem:$0x1F100] =	vst v63  }
0x64: {  	_ =	swait.ge [sflag:s4], $0x1000  }
0x65: {  	[sflag:s4] =	ssyncset.done $0x0  }
0x66: {  	s28 =	rddreg [dreg:$0x11];
	[sflag:s4] =	ssyncadd.s32 $0xFFFFF000  }
0x67: {  	[spmem:s28] =	stream.linear.scatter [tilespmem:s6], [sflag:$0x7], $0x1000, $0x38;
	[tilespmem:$0x1F100] =	vst v63  }
0x68: {  	_ =	swait.ge [sflag:s4], $0x1000  }
0x69: {  	[sflag:s4] =	ssyncset.done $0x0  }
0x6a: {  	s21 =	rddreg [dreg:$0x13];
	[sflag:s4] =	ssyncadd.s32 $0xFFFFF000  }
0x6b: {  	[spmem:s21] =	stream.linear.scatter [tilespmem:s6], [sflag:$0x7], $0x1000, $0x38;
	[tilespmem:$0x1F100] =	vst v63  }
0x6c: {  	_ =	swait.ge [sflag:s4], $0x1000  }
0x6d: {  	[sflag:s4] =	ssyncset.done $0x0  }
0x6e: {  	s22 =	rddreg [dreg:$0x15];
	[sflag:s4] =	ssyncadd.s32 $0xFFFFF000  }
0x6f: {  	[spmem:s22] =	stream.linear.scatter [tilespmem:s6], [sflag:$0x7], $0x1000, $0x38;
	[tilespmem:$0x1F100] =	vst v63  }
0x70: {  	_ =	swait.ge [sflag:s4], $0x1000  }
0x71: {  	[sflag:s4] =	ssyncset.done $0x0  }
0x72: {  	s25 =	rddreg [dreg:$0x16];
	[sflag:s4] =	ssyncadd.s32 $0xFFFFF000  }
0x73: {  	[spmem:s25] =	stream.linear.scatter [tilespmem:s6], [sflag:$0x7], $0x1000, $0x38;
	[tilespmem:$0x1F100] =	vst v63  }
0x74: {  	_ =	swait.ge [sflag:s4], $0x1000  }
0x75: {  	[sflag:s4] =	ssyncset.done $0x0  }
0x76: {  	[sflag:s4] =	ssyncadd.s32 $0xFFFFF000  }
0x77: {  	[spmem:s29] =	stream.linear.scatter [tilespmem:s6], [sflag:$0x7], $0x1000, $0x38;
	[tilespmem:$0x1F100] =	vst v63  }
0x78: {  	_ =	swait.ge [sflag:s4], $0x1000  }
0x79: {  	[sflag:s4] =	ssyncset.done $0x0  }
0x7a: {  	[sflag:s4] =	ssyncadd.s32 $0xFFFFF000  }
0x7b: {  	[spmem:s30] =	stream.linear.scatter [tilespmem:s6], [sflag:$0x7], $0x1000, $0x38;
	[tilespmem:$0x1F100] =	vst v63  }
0x7c: {  	_ =	swait.ge [sflag:s4], $0x1000  }
0x7d: {  	[sflag:s4] =	ssyncset.done $0x0  }
0x7e: {  	[sflag:s4] =	ssyncadd.s32 $0xFFFFF000  }
0x7f: {  	[spmem:s31] =	stream.linear.scatter [tilespmem:s6], [sflag:$0x7], $0x1000, $0x38;
	[tilespmem:$0x1F100] =	vst v63  }
0x80: {  	_ =	swait.ge [sflag:s4], $0x1000  }
0x81: {  	[sflag:s4] =	ssyncset.done $0x0  }
0x82: {  	[sflag:s4] =	ssyncadd.s32 $0xFFFFF000  }
0x83: {  	[spmem:s2] =	stream.linear.scatter [tilespmem:s6], [sflag:$0x7], $0x1000, $0x38;
	[tilespmem:$0x1F100] =	vst v63  }
0x84: {  	_ =	swait.ge [sflag:s4], $0x1000  }
0x85: {  	[sflag:s4] =	ssyncset.done $0x0  }
0x86: {  	s20 =	simm.s32 $0x0;
	[sflag:s4] =	ssyncadd.s32 $0xFFFFF000  }
0x87: {  	[tilespmem:s6], [sflag:$0x1] =	stream.indirect.gather [hbm4b:s1+s7], $0x80, s20, s7, $0xb8;
	[tilespmem:$0x1F100] =	vst v63  }
0x88: {  	s21 =	simm.s32 $0x7000  }
0x89: {  	[tilespmem:s21], [sflag:$0x3] =	stream.linear.gather [hbm4b:s23+s20], $0x1000, $0x38;
	[tilespmem:$0x1F100] =	vst v63  }
0x8a: {  	s26 =	simm.s32 $0x6000  }
0x8b: {  	[tilespmem:s26], [sflag:$0x2] =	stream.indirect.gather [hbm4b:s1+s7], $0x80, s7, s7, $0xb8;
	[tilespmem:$0x1F100] =	vst v63  }
0x8c: {  	s28 =	simm.s32 $0x8000  }
0x8d: {  	[tilespmem:s28], [sflag:$0x4] =	stream.linear.gather [hbm4b:s0+s20], $0x1000, $0x38;
	[tilespmem:$0x1F100] =	vst v63  }
0x8e: {  	[bflag:$0x0] =	sbarrier.arrive $0xFFFF  }
.LBB2_4:
0x8f: {  	_ =	swait.ge [sflag:s9], $0x1000  }
0x90: {  	[sflag:s9] =	ssyncset.done $0x0  }
0x91: {  	[sflag:s9] =	ssyncadd.s32 $0xFFFFF000  }
0x92: {  	_ =	swait.ge [sflag:s10], $0x1000  }
0x93: {  	p1 =	seq.s32 s20, $0x0;
	[sflag:s10] =	ssyncset.done $0x0  }
0x94: {  	s21 =	simm.s32 @!p1 $0x5;
	[sflag:s10] =	ssyncadd.s32 $0xFFFFF000  }
0x95: {  	_ =	swait.ge @!p1 [sflag:s21], $0x1000  }
0x96: {  	[sflag:s21] =	ssyncset.done @!p1 $0x0  }
0x97: {  	s22 =	simm.s32 $0x0;
	[sflag:s21] =	ssyncadd.s32 @!p1 $0xFFFFF000  }
0x98: {  	v1 =	vld [tilespmem:s22+$0x5070]  }
0x99: {  	v2 =	vld [tilespmem:s22+$0x7070]  }
0x9a: {  	v3 =	vld [tilespmem:s22+$0x5000]  }
0x9b: {  	v4 =	vld [tilespmem:s22+$0x7000]  }
0x9c: {  	v5 =	vld [tilespmem:s22+$0x5010]  }
0x9d: {  	v6 =	vld [tilespmem:s22+$0x7010]  }
0x9e: {  	v7 =	vld [tilespmem:s22+$0x5020]  }
0x9f: {  	v8 =	vld [tilespmem:s22+$0x5030]  }
0xa0: {  	v1 =	vmul.f32 v2, v1;
	v2 =	vld [tilespmem:s22+$0x7020]  }
0xa1: {  	v9 =	vld [tilespmem:s22+$0x7030]  }
0xa2: {  	v10 =	vld [tilespmem:s22+$0x7040];
	v3 =	vmul.f32 v4, v3  }
0xa3: {  	[tilespmem:s22+$0x9070] =	vst v1;
	v1 =	vmul.f32 v6, v5;
	v6 =	vld [tilespmem:s22+$0x5040]  }
0xa4: {  	v4 =	vld [tilespmem:s22+$0x7050];
	[tilespmem:s22+$0x9000] =	vst v3  }
0xa5: {  	v3 =	vld [tilespmem:s22+$0x5050];
	[tilespmem:s22+$0x9010] =	vst v1;
	v1 =	vmul.f32 v2, v7  }
0xa6: {  	v5 =	vld [tilespmem:s22+$0x7060];
	v7 =	vmul.f32 v9, v8  }
0xa7: {  	s25 =	simm.s32 $0x80;
	[tilespmem:s22+$0x9020] =	vst v1;
	v1 =	vld [tilespmem:s22+$0x5060]  }
0xa8: {  	s26 =	simm.s32 $0x400;
	s21 =	sshll.u32 s20, $0x1;
	v6 =	vmul.f32 v10, v6;
	v2 =	vld [tilespmem:s25+$0x5070];
	[tilespmem:s22+$0x9030] =	vst v7  }
.LBB2_5:
0xa9: {  	p0 =	sne.s32 s26, $0x3E00;
	v7 =	vld [tilespmem:s25+$0x7070]  }
0xaa: {  	v8 =	vld [tilespmem:s25+$0x5000];
	[tilespmem:s22+$0x9040] =	vst v6;
	v3 =	vmul.f32 v4, v3  }
0xab: {  	v4 =	vld [tilespmem:s25+$0x7000]  }
0xac: {  	v6 =	vld [tilespmem:s25+$0x5010];
	[tilespmem:s22+$0x9050] =	vst v3;
	v1 =	vmul.f32 v5, v1  }
0xad: {  	v3 =	vld [tilespmem:s25+$0x7010]  }
0xae: {  	v5 =	vld [tilespmem:s25+$0x5020];
	v2 =	vmul.f32 v7, v2;
	[tilespmem:s22+$0x9060] =	vst v1;
	s22 =	smov.u32 s25  }
0xaf: {  	v1 =	vld [tilespmem:s22+$0x7020]  }
0xb0: {  	v4 =	vmul.f32 v4, v8;
	v7 =	vld [tilespmem:s22+$0x5030];
	[tilespmem:s22+$0x9070] =	vst v2  }
0xb1: {  	v2 =	vld [tilespmem:s22+$0x7030]  }
0xb2: {  	[tilespmem:s22+$0x9000] =	vst v4;
	v3 =	vmul.f32 v3, v6;
	v6 =	vld [tilespmem:s22+$0x5040]  }
0xb3: {  	v8 =	vld [tilespmem:s22+$0x7040]  }
.Ltmp1:
0xb4: {  	[tilespmem:s22+$0x9010] =	vst v3;
	v1 =	vmul.f32 v1, v5;
	v3 =	vld [tilespmem:s22+$0x5050];
	(pc) =	sbr.rel @p0 .LBB2_5-.Ltmp1, $4  }
0xb5: {  	v4 =	vld [tilespmem:s22+$0x7050]  }
0xb6: {  	[tilespmem:s22+$0x9020] =	vst v1;
	v7 =	vmul.f32 v2, v7;
	v1 =	vld [tilespmem:s22+$0x5060]  }
0xb7: {  	s25 =	sshra.s32 s26, $0x2;
	v5 =	vld [tilespmem:s22+$0x7060]  }
0xb8: {  	s26 =	sadd.s32 $0x200, s26;
	v2 =	vld [tilespmem:s25+$0x5070];
	[tilespmem:s22+$0x9030] =	vst v7;
	v6 =	vmul.f32 v8, v6  }
0xb9: {  	v7 =	vld [tilespmem:s25+$0x7070]  }
0xba: {  	v8 =	vld [tilespmem:s25+$0x5000];
	[tilespmem:s22+$0x9040] =	vst v6;
	v3 =	vmul.f32 v4, v3  }
0xbb: {  	v4 =	vld [tilespmem:s25+$0x7000]  }
0xbc: {  	v6 =	vld [tilespmem:s25+$0x5010];
	[tilespmem:s22+$0x9050] =	vst v3;
	v1 =	vmul.f32 v5, v1  }
0xbd: {  	v3 =	vld [tilespmem:s25+$0x7010]  }
0xbe: {  	v5 =	vld [tilespmem:s25+$0x5020];
	[tilespmem:s22+$0x9060] =	vst v1  }
0xbf: {  	v1 =	vmul.f32 v7, v2;
	v2 =	vld [tilespmem:s25+$0x7020]  }
0xc0: {  	v7 =	vld [tilespmem:s25+$0x5030]  }
0xc1: {  	v4 =	vmul.f32 v4, v8;
	[tilespmem:s25+$0x9070] =	vst v1;
	v1 =	vld [tilespmem:s25+$0x7030]  }
0xc2: {  	v8 =	vld [tilespmem:s25+$0x7060]  }
0xc3: {  	[tilespmem:s25+$0x9000] =	vst v4;
	v3 =	vmul.f32 v3, v6;
	v4 =	vld [tilespmem:s25+$0x5040]  }
0xc4: {  	v6 =	vld [tilespmem:s25+$0x7040]  }
0xc5: {  	[tilespmem:s25+$0x9010] =	vst v3;
	v2 =	vmul.f32 v2, v5;
	v3 =	vld [tilespmem:s25+$0x5050]  }
0xc6: {  	v5 =	vld [tilespmem:s25+$0x7050]  }
0xc7: {  	[tilespmem:s25+$0x9020] =	vst v2;
	v2 =	vld [tilespmem:s25+$0x5060];
	_ =	sdelay $0x1  }
0xc8: {  	v1 =	vmul.f32 v1, v7  }
0xc9: {  	p0 =	seq.s32 s20, $0x9F;
	v4 =	vmul.f32 v6, v4  }
0xca: {  	s22 =	sadd.s32 @!p0 $0x2, s21;
	[tilespmem:s25+$0x9030] =	vst v1;
	v1 =	vmul.f32 v5, v3  }
0xcb: {  	s26 =	sshll.u32 @!p0 s22, $0x5;
	s22 =	sadd.s32 @!p0 s24, s22;
	[tilespmem:s25+$0x9040] =	vst v4;
	v2 =	vmul.f32 v8, v2  }
0xcc: {  	s28 =	simm.s32 @!p0 $0x5000;
	s22 =	sshll.u32 @!p0 s22, $0x9;
	[tilespmem:s25+$0x9050] =	vst v1  }
0xcd: {  	s22 =	sand.u32 @!p0 $0x1FFFFC00, s22;
	[tilespmem:s25+$0x9060] =	vst v2;
	s25 =	sand.u32 @!p0 $0x7FC0, s26;
	s26 =	simm.s32 @!p0 $0x20  }
0xce: {  	[tilespmem:s28], [sflag:$0x1] =	stream.indirect.gather @!p0 [hbm4b:s1+s26], $0x80, s25, s26, $0xb8;
	[tilespmem:$0x1F100] =	vst v63  }
0xcf: {  	s22 =	sadd.s32 @!p0 s5, s22;
	s25 =	simm.s32 @!p0 $0x0;
	s26 =	simm.s32 @!p0 $0x7000  }
0xd0: {  	[tilespmem:s26], [sflag:$0x3] =	stream.linear.gather @!p0 [hbm4b:s22+s25], $0x1000, $0x38;
	[tilespmem:$0x1F100] =	vst v63  }
0xd1: {  	s26 =	sshll.u32 s20, $0x6  }
0xd2: {  	s22 =	sand.u32 $0x3FC0, s26  }
0xd3: {  	v1 =	vld [tilespmem:s22+$0x2800];
	_ =	sdelay $0x4  }
0xd4: {  	[tilespmem:$0xB000] =	vst v1  }
0xd5: {  	v1 =	vld [tilespmem:s22+$0x2810];
	_ =	sdelay $0x4  }
0xd6: {  	[tilespmem:$0xB010] =	vst v1  }
0xd7: {  	[spmem:s3] =	stream.indirect.scatter.add.f32 [tilespmem:s12], [sflag:$0x5], $0x80, s11, s7, $0xb8;
	[tilespmem:$0x1F100] =	vst v63  }
0xd8: {  	_ =	swait.ge [sflag:s13], $0x1000  }
0xd9: {  	[sflag:s13] =	ssyncset.done $0x0  }
0xda: {  	[sflag:s13] =	ssyncadd.s32 $0xFFFFF000  }
0xdb: {  	_ =	swait.ge [sflag:s14], $0x1000  }
0xdc: {  	[sflag:s14] =	ssyncset.done $0x0  }
0xdd: {  	s25 =	simm.s32 @!p1 $0x6;
	[sflag:s14] =	ssyncadd.s32 $0xFFFFF000  }
0xde: {  	_ =	swait.ge @!p1 [sflag:s25], $0x1000  }
0xdf: {  	[sflag:s25] =	ssyncset.done @!p1 $0x0  }
0xe0: {  	[sflag:s25] =	ssyncadd.s32 @!p1 $0xFFFFF000;
	s25 =	simm.s32 $0x0  }
0xe1: {  	v1 =	vld [tilespmem:s25+$0x6070]  }
0xe2: {  	v2 =	vld [tilespmem:s25+$0x8070]  }
0xe3: {  	v3 =	vld [tilespmem:s25+$0x6000]  }
0xe4: {  	v4 =	vld [tilespmem:s25+$0x8000]  }
0xe5: {  	v5 =	vld [tilespmem:s25+$0x6010]  }
0xe6: {  	v6 =	vld [tilespmem:s25+$0x8010]  }
0xe7: {  	v7 =	vld [tilespmem:s25+$0x6020]  }
0xe8: {  	v8 =	vld [tilespmem:s25+$0x6030]  }
0xe9: {  	v1 =	vmul.f32 v2, v1;
	v2 =	vld [tilespmem:s25+$0x8020]  }
0xea: {  	v9 =	vld [tilespmem:s25+$0x8030]  }
0xeb: {  	v10 =	vld [tilespmem:s25+$0x8040];
	v3 =	vmul.f32 v4, v3  }
0xec: {  	[tilespmem:s25+$0xA070] =	vst v1;
	v1 =	vmul.f32 v6, v5;
	v6 =	vld [tilespmem:s25+$0x6040]  }
0xed: {  	v4 =	vld [tilespmem:s25+$0x8050];
	[tilespmem:s25+$0xA000] =	vst v3  }
0xee: {  	v3 =	vld [tilespmem:s25+$0x6050];
	[tilespmem:s25+$0xA010] =	vst v1;
	v1 =	vmul.f32 v2, v7  }
0xef: {  	v5 =	vld [tilespmem:s25+$0x8060];
	v7 =	vmul.f32 v9, v8  }
0xf0: {  	s26 =	simm.s32 $0x80;
	[tilespmem:s25+$0xA020] =	vst v1;
	v1 =	vld [tilespmem:s25+$0x6060]  }
0xf1: {  	s28 =	simm.s32 $0x400;
	s22 =	sadd.s32 $0x2800, s22;
	v6 =	vmul.f32 v10, v6;
	v2 =	vld [tilespmem:s26+$0x6070];
	[tilespmem:s25+$0xA030] =	vst v7  }
.LBB2_7:
0xf2: {  	p1 =	sne.s32 s28, $0x3E00;
	v7 =	vld [tilespmem:s26+$0x8070]  }
0xf3: {  	v8 =	vld [tilespmem:s26+$0x6000];
	[tilespmem:s25+$0xA040] =	vst v6;
	v3 =	vmul.f32 v4, v3  }
0xf4: {  	v4 =	vld [tilespmem:s26+$0x8000]  }
0xf5: {  	v6 =	vld [tilespmem:s26+$0x6010];
	[tilespmem:s25+$0xA050] =	vst v3;
	v1 =	vmul.f32 v5, v1  }
0xf6: {  	v3 =	vld [tilespmem:s26+$0x8010]  }
0xf7: {  	v5 =	vld [tilespmem:s26+$0x6020];
	v2 =	vmul.f32 v7, v2;
	[tilespmem:s25+$0xA060] =	vst v1;
	s25 =	smov.u32 s26  }
0xf8: {  	v1 =	vld [tilespmem:s25+$0x8020]  }
0xf9: {  	v4 =	vmul.f32 v4, v8;
	v7 =	vld [tilespmem:s25+$0x6030];
	[tilespmem:s25+$0xA070] =	vst v2  }
0xfa: {  	v2 =	vld [tilespmem:s25+$0x8030]  }
0xfb: {  	[tilespmem:s25+$0xA000] =	vst v4;
	v3 =	vmul.f32 v3, v6;
	v6 =	vld [tilespmem:s25+$0x6040]  }
0xfc: {  	v8 =	vld [tilespmem:s25+$0x8040]  }
.Ltmp2:
0xfd: {  	[tilespmem:s25+$0xA010] =	vst v3;
	v1 =	vmul.f32 v1, v5;
	v3 =	vld [tilespmem:s25+$0x6050];
	(pc) =	sbr.rel @p1 .LBB2_7-.Ltmp2, $4  }
0xfe: {  	v4 =	vld [tilespmem:s25+$0x8050]  }
0xff: {  	[tilespmem:s25+$0xA020] =	vst v1;
	v7 =	vmul.f32 v2, v7;
	v1 =	vld [tilespmem:s25+$0x6060]  }
0x100: {  	s26 =	sshra.s32 s28, $0x2;
	v5 =	vld [tilespmem:s25+$0x8060]  }
0x101: {  	s28 =	sadd.s32 $0x200, s28;
	v2 =	vld [tilespmem:s26+$0x6070];
	[tilespmem:s25+$0xA030] =	vst v7;
	v6 =	vmul.f32 v8, v6  }
0x102: {  	v7 =	vld [tilespmem:s26+$0x8070]  }
0x103: {  	v8 =	vld [tilespmem:s26+$0x6000];
	[tilespmem:s25+$0xA040] =	vst v6;
	v3 =	vmul.f32 v4, v3  }
0x104: {  	v57 =	vld [tilespmem:s26+$0x8000]  }
0x105: {  	v6 =	vld [tilespmem:s26+$0x6010];
	[tilespmem:s25+$0xA050] =	vst v3;
	v1 =	vmul.f32 v5, v1  }
0x106: {  	v3 =	vld [tilespmem:s26+$0x8010]  }
0x107: {  	v58 =	vld [tilespmem:s26+$0x6020];
	[tilespmem:s25+$0xA060] =	vst v1  }
0x108: {  	v1 =	vmul.f32 v7, v2;
	v2 =	vld [tilespmem:s26+$0x8020]  }
0x109: {  	v59 =	vld [tilespmem:s26+$0x6030]  }
0x10a: {  	v60 =	vld [tilespmem:s26+$0x6040]  }
0x10b: {  	v61 =	vld [tilespmem:s26+$0x8040]  }
0x10c: {  	v62 =	vld [tilespmem:s26+$0x8050]  }
0x10d: {  	[tilespmem:s26+$0xA070] =	vst v1;
	v1 =	vld [tilespmem:s26+$0x8030];
	v3 =	vmul.f32 v3, v6  }
0x10e: {  	v63 =	vld [tilespmem:s26+$0x8060];
	v2 =	vmul.f32 v2, v58  }
0x10f: {  	[tilespmem:s26+$0xA010] =	vst v3;
	v3 =	vld [tilespmem:s26+$0x6050]  }
0x110: {  	[tilespmem:s26+$0xA020] =	vst v2;
	v2 =	vld [tilespmem:s26+$0x6060]  }
0x111: {  	v4 =	vmul.f32 v57, v8  }
0x112: {  	v1 =	vmul.f32 v1, v59  }
0x113: {  	[tilespmem:s26+$0xA000] =	vst v4;
	v4 =	vmul.f32 v61, v60  }
0x114: {  	s21 =	sadd.s32 @!p0 $0x3, s21;
	[tilespmem:s26+$0xA030] =	vst v1;
	v1 =	vmul.f32 v62, v3  }
0x115: {  	s25 =	sshll.u32 @!p0 s21, $0x5;
	s21 =	sadd.s32 @!p0 s24, s21;
	[tilespmem:s26+$0xA040] =	vst v4;
	v2 =	vmul.f32 v63, v2  }
0x116: {  	s28 =	simm.s32 @!p0 $0x6000;
	s21 =	sshll.u32 @!p0 s21, $0x9;
	[tilespmem:s26+$0xA050] =	vst v1  }
0x117: {  	s25 =	sand.u32 @!p0 $0x7FE0, s25;
	s21 =	sand.u32 @!p0 $0x1FFFFE00, s21;
	[tilespmem:s26+$0xA060] =	vst v2;
	s26 =	simm.s32 @!p0 $0x20  }
0x118: {  	[tilespmem:s28], [sflag:$0x2] =	stream.indirect.gather @!p0 [hbm4b:s1+s26], $0x80, s25, s26, $0xb8;
	[tilespmem:$0x1F100] =	vst v63  }
0x119: {  	s21 =	sadd.s32 @!p0 s5, s21;
	s25 =	simm.s32 @!p0 $0x0;
	s26 =	simm.s32 @!p0 $0x8000  }
0x11a: {  	[tilespmem:s26], [sflag:$0x4] =	stream.linear.gather @!p0 [hbm4b:s21+s25], $0x1000, $0x38;
	[tilespmem:$0x1F100] =	vst v63  }
0x11b: {  	v1 =	vld [tilespmem:s22+$0x20];
	_ =	sdelay $0x4  }
0x11c: {  	[tilespmem:$0xB080] =	vst v1  }
0x11d: {  	s20 =	sadd.s32 $0x1, s20;
	v1 =	vld [tilespmem:s22+$0x30]  }
0x11e: {  	p0 =	sne.s32 s20, $0xA0  }
.Ltmp3:
0x11f: {  	_ = 	snop;
	(pc) =	sbr.rel @p0 .LBB2_4-.Ltmp3, $3  }
0x120: {  	_ =	sdelay $0x1  }
0x121: {  	[tilespmem:$0xB090] =	vst v1  }
0x122: {  	[spmem:s3] =	stream.indirect.scatter.add.f32 [tilespmem:s16], [sflag:$0x6], $0x80, s15, s7, $0xb8;
	[tilespmem:$0x1F100] =	vst v63  }
0x123: {  	_ =	swait.ge [sflag:s17], $0x1000  }
0x124: {  	[sflag:s17] =	ssyncset.done $0x0  }
0x125: {  	[sflag:s17] =	ssyncadd.s32 $0xFFFFF000  }
0x126: {  	_ =	swait.ge [sflag:s18], $0x1000  }
0x127: {  	[sflag:s18] =	ssyncset.done $0x0  }
0x128: {  	s20 =	stileid.u32;
	[sflag:s18] =	ssyncadd.s32 $0xFFFFF000  }
0x129: {  	s20 =	sshll.u32 s20, $0x6;
	[bflag:$0x0] =	sbarrier.arrive $0xFFFF  }
0x12a: {  	s21 =	sshrl.u32 s8, $0x3;
	s20 =	sor.u32 $0x1C07, s20;
	s22 =	rddreg [dreg:$0x12]  }
0x12b: {  	[hbm:s22], [sflag:s20] =	dma.local [spmem:s21], $0x2800  }
0x12c: {  	_ =	swait.ge [sflag:s4], $0x2800  }
0x12d: {  	s19 =	sadd.s32 $0x1, s19;
	s28 =	rddreg [dreg:$0x14]  }
0x12e: {  	p0 =	sne.s32 s19, s28  }
.Ltmp4:
0x12f: {  	_ = 	snop;
	(pc) =	sbr.rel @p0 .LBB2_1-.Ltmp4, $3  }
0x130: {  	_ =	sdelay $0x1  }
0x131: {  	[sflag:s4] =	ssyncset.done $0x0  }
0x132: {  	[sflag:s4] =	ssyncadd.s32 $0xFFFFD800  }
0x133: {  	_ =	sfence.sel $0x180000  }
0x134: {  	[bflag:$0x0] =	sbarrier.arrive $0xFFFF  }
0x135: {  	_ =	strace $0x90000047  }
0x136: {  	s0 =	stileid.u32;
	[bflag:$0x2] =	sbarrier.arrive $0xFFFF  }
0x137: {  	p0 =	sne.s32 s0, $0x0;
	s0 =	rddreg [dreg:$0x3]  }
0x138: {  	s0 =	sadd.s32 @!p0 $0x100000, s0  }
0x139: {  	[sflag:s0] =	ssyncadd.tile.s32 @!p0 $0x1;
	_ =	shalt  }
.Lfunc_end2:
_tile_overlayer_lowered:
.L_overlay_start_2:
0x13a: {  	(tag) =	ssettag $0x2  }
0x13b: {  	s0 =	rddreg [dreg:$0x0];
	s2 =	stileid.u32  }
0x13c: {  	s1 =	rddreg [dreg:$0x1];
	p0 =	sne.s32 s2, $0x0  }
0x13d: {  	s3 =	rddreg [dreg:$0x2];
	[bflag:$0x3] =	sbarrier.arrive $0xFFFF;
	s2 =	simm.s32 @!p0 $0x1C07  }
0x13e: {  	[timem:s3], [sflag:s2] =	dma.local @!p0 [hbm:s0], s1  }
0x13f: {  	s0 =	simm.s32 @!p0 $0x7  }
0x140: {  	_ =	swait.ge @!p0 [sflag:s0], s1  }
0x141: {  	s1 =	ssub.s32 @!p0 $0x0, s1;
	[sflag:s0] =	ssyncset.done @!p0 $0x0  }
0x142: {  	[sflag:s0] =	ssyncadd.s32 @!p0 s1  }
0x143: {  	[bflag:$0x3] =	sbarrier.arrive $0xFFFF  }
0x144: {  	_ =	shalt  }

</sc_bundles>
